<compile_context>
chip_gen: v7x
topology: tpu7x:2x2x1
jax: 0.10.2.dev20260603
libtpu: 0.0.44.dev20260713+nightly
codegen_flags: <defaults>
</compile_context>

<pallas_src>
import jax
import jax.numpy as jnp
from jax import lax
from jax.experimental import pallas as pl
from jax.experimental.pallas import tpu as pltpu
from jax.experimental.pallas import tpu_sc as plsc

EMBED = 768
GRID = 16
B = 4
L = GRID * GRID * GRID + 1
NROW = 33
NCOL = 128
LPAD = NROW * NCOL
NLANE = 16
BLK = 32
WPB = 8
NBLKW = 16
NOUTER = NBLKW // 2
IDX_SPAN = 640
NCHUNK = EMBED // NLANE


def _index_body(pol_ref, idx_ref):
  bgrid = pl.program_id(0)
  m = (pol_ref[0] > 0).astype(jnp.float32)

  li = lax.broadcasted_iota(jnp.int32, (NCOL, NCOL), 0)
  lj = lax.broadcasted_iota(jnp.int32, (NCOL, NCOL), 1)
  tri = (li <= lj).astype(jnp.float32)
  ri = lax.broadcasted_iota(jnp.int32, (NROW, NROW), 0)
  rj = lax.broadcasted_iota(jnp.int32, (NROW, NROW), 1)
  stri = (rj < ri).astype(jnp.float32)

  within = jnp.dot(m, tri, preferred_element_type=jnp.float32)
  rowsum = within[:, NCOL - 1:NCOL]
  offs = jnp.dot(stri, rowsum, preferred_element_type=jnp.float32)
  inc = within + offs
  z_total = inc[NROW - 1:NROW, NCOL - 1:NCOL]

  jpos = (lax.broadcasted_iota(jnp.int32, (NROW, NCOL), 0) * NCOL
          + lax.broadcasted_iota(jnp.int32, (NROW, NCOL), 1)).astype(jnp.float32)
  exc = inc - m
  hid = z_total + jpos - inc
  srcf = jnp.where(m > 0, exc, hid)
  srcf = jnp.minimum(srcf, float(L - 1))
  del bgrid
  idx_ref[0] = srcf.astype(jnp.int32)


_index = pl.pallas_call(
    _index_body,
    grid=(B,),
    in_specs=[pl.BlockSpec((1, NROW, NCOL), lambda b: (b, 0, 0))],
    out_specs=pl.BlockSpec((1, NROW, NCOL), lambda b: (b, 0, 0)),
    out_shape=jax.ShapeDtypeStruct((B, NROW, NCOL), jnp.int32),
)


def _gather_body(x_hbm, idx_hbm, lt_hbm, pos_hbm, out_hbm,
                 idx_v, lt_v, xb0, xb1, pb0, pb1,
                 sg0, sg1, sp0, sp1, so0, so1):
  cid = lax.axis_index("c")
  sid = lax.axis_index("s")
  wid = sid * 2 + cid
  b = wid // WPB
  k = wid % WPB
  j0 = k * NBLKW * BLK

  xbufs = (xb0, xb1)
  pbufs = (pb0, pb1)
  sgs = (sg0, sg1)
  sps = (sp0, sp1)
  sos = (so0, so1)

  pltpu.sync_copy(idx_hbm.at[b], idx_v)
  pltpu.sync_copy(lt_hbm.at[0, 0, :], lt_v)

  def gather_desc(blk, u):
    jj = j0 + blk * BLK
    return pltpu.make_async_copy(
        x_hbm.at[b].at[idx_v.at[jj // NCOL, pl.ds(jj % NCOL, BLK)]],
        xbufs[u], sgs[u])

  def pos_desc(blk, u):
    return pltpu.make_async_copy(
        pos_hbm.at[0, pl.ds(j0 + blk * BLK, BLK), :], pbufs[u], sps[u])

  def out_desc(blk, u):
    return pltpu.make_async_copy(
        xbufs[u], out_hbm.at[b, pl.ds(j0 + blk * BLK, BLK), :], sos[u])

  def compute(u):
    xbuf, pbuf = xbufs[u], pbufs[u]

    def col(c, _):
      lo = c * NLANE
      ltc = lt_v[pl.ds(lo, NLANE)]
      for r in range(BLK):
        xbuf[r, pl.ds(lo, NLANE)] = (
            xbuf[r, pl.ds(lo, NLANE)] + pbuf[r, pl.ds(lo, NLANE)] + ltc)
      return 0

    lax.fori_loop(0, NCHUNK, col, 0)

  gather_desc(0, 0).start()
  pos_desc(0, 0).start()

  def outer(g, _):
    blk0 = g * 2
    gather_desc(blk0, 0).wait()
    pos_desc(blk0, 0).wait()

    @pl.when(g >= 1)
    def _():
      out_desc(blk0 - 1, 1).wait()
    gather_desc(blk0 + 1, 1).start()
    pos_desc(blk0 + 1, 1).start()
    compute(0)
    out_desc(blk0, 0).start()

    gather_desc(blk0 + 1, 1).wait()
    pos_desc(blk0 + 1, 1).wait()
    out_desc(blk0, 0).wait()

    @pl.when(g < NOUTER - 1)
    def _():
      gather_desc(blk0 + 2, 0).start()
      pos_desc(blk0 + 2, 0).start()
    compute(1)
    out_desc(blk0 + 1, 1).start()
    return 0

  lax.fori_loop(0, NOUTER, outer, 0)
  out_desc(NBLKW - 1, 1).wait()

  @pl.when(k == WPB - 1)
  def _():
    tail = pltpu.make_async_copy(
        x_hbm.at[b].at[idx_v.at[(L - 1) // NCOL, pl.ds(0, NLANE)]],
        xb0.at[pl.ds(0, NLANE), :], sg0)
    tail.start()
    pltpu.sync_copy(pos_hbm.at[0, pl.ds(L - 1, 1), :], pb0.at[pl.ds(0, 1), :])
    tail.wait()

    def col(c, _):
      lo = c * NLANE
      xb0[0, pl.ds(lo, NLANE)] = (
          xb0[0, pl.ds(lo, NLANE)] + pb0[0, pl.ds(lo, NLANE)]
          + lt_v[pl.ds(lo, NLANE)])
      return 0

    lax.fori_loop(0, NCHUNK, col, 0)
    pltpu.sync_copy(xb0.at[pl.ds(0, 1), :],
                    out_hbm.at[b, pl.ds(L - 1, 1), :])


_gather = pl.kernel(
    _gather_body,
    out_type=jax.ShapeDtypeStruct((B, L, EMBED), jnp.float32),
    mesh=plsc.VectorSubcoreMesh(core_axis_name="c", subcore_axis_name="s"),
    compiler_params=pltpu.CompilerParams(use_tc_tiling_on_sc=True),
    scratch_types=[
        pltpu.VMEM((NROW, NCOL), jnp.int32),
        pltpu.VMEM((EMBED,), jnp.float32),
        pltpu.VMEM((BLK, EMBED), jnp.float32),
        pltpu.VMEM((BLK, EMBED), jnp.float32),
        pltpu.VMEM((BLK, EMBED), jnp.float32),
        pltpu.VMEM((BLK, EMBED), jnp.float32),
        pltpu.SemaphoreType.DMA,
        pltpu.SemaphoreType.DMA,
        pltpu.SemaphoreType.DMA,
        pltpu.SemaphoreType.DMA,
        pltpu.SemaphoreType.DMA,
        pltpu.SemaphoreType.DMA,
    ],
)


@jax.jit
def kernel(x_list, policy_list, layer_token0, pos_embed):
  pol = jnp.pad(policy_list, ((0, 0), (0, LPAD - L))).reshape(B, NROW, NCOL)
  idx = _index(pol)
  return _gather(x_list, idx, layer_token0, pos_embed)

# --- scband reference (transcript-rebuilt; emitter-appended) ---
"""Pipeline reference for scband-concat-unshuffle-2783138808312 (READ-ONLY COPY).

The authoritative reference and input builder live on the scoring server;
editing this copy changes nothing except your own understanding.
"""

import jax, jax.numpy as jnp
import numpy as np

EMBED_DIM = 768
GRID = 16
B = 4
L = GRID * GRID * GRID + 1  # 4097


def build_3d_sincos_position_embedding(grid_size, embed_dim, num_tokens=1, temperature=10000.0):
    h = w = d = grid_size
    gh, gw, gd = jnp.meshgrid(
        jnp.arange(h, dtype=jnp.float32),
        jnp.arange(w, dtype=jnp.float32),
        jnp.arange(d, dtype=jnp.float32),
        indexing='ij')
    assert embed_dim % 6 == 0
    pos_dim = embed_dim // 6
    omega = jnp.arange(pos_dim, dtype=jnp.float32) / pos_dim
    omega = 1.0 / (temperature ** omega)
    out_h = jnp.einsum('m,d->md', gh.flatten(), omega)
    out_w = jnp.einsum('m,d->md', gw.flatten(), omega)
    out_d = jnp.einsum('m,d->md', gd.flatten(), omega)
    pos_emb = jnp.concatenate([
        jnp.sin(out_h), jnp.cos(out_h),
        jnp.sin(out_w), jnp.cos(out_w),
        jnp.sin(out_d), jnp.cos(out_d)], axis=1)[None, :, :]
    if num_tokens == 1:
        pe_token = jnp.zeros((1, 1, embed_dim), dtype=jnp.float32)
        pos_emb = jnp.concatenate([pe_token, pos_emb], axis=1)
    return pos_emb


def setup_inputs(seed: int = 0) -> dict:
    key = jax.random.key(seed)
    k1, k2 = jax.random.split(key)
    x = jax.random.normal(k1, (B, L, EMBED_DIM), dtype=jnp.float32)
    policy = jnp.ones((B, L), dtype=jnp.float32)
    layer_token0 = jnp.zeros((1, 1, EMBED_DIM), dtype=jnp.float32)  # nn.Parameter init to zeros
    pos_embed = build_3d_sincos_position_embedding(GRID, EMBED_DIM, num_tokens=1)
    return {"x_list": x, "policy_list": policy, "layer_token0": layer_token0, "pos_embed": pos_embed}


def reference(x_list, policy_list, layer_token0, pos_embed):
    # num_layers == 1: wrap single tensors into lists, matching forward(x_list, policy_list)
    x_list = [x_list]
    policy_list = [policy_list]
    layer_tokens = [layer_token0]

    layer_token_list = []
    for i, x in enumerate(x_list):
        Bb, Lv, _ = x.shape
        layer_token_list.append(jnp.broadcast_to(layer_tokens[i], (Bb, Lv, layer_tokens[i].shape[-1])))
    x = jnp.concatenate(x_list, axis=1)
    layer_token = jnp.concatenate(layer_token_list, axis=1)
    x = x + layer_token

    # unshuffle
    Bb, Ltot, C = x.shape
    shuffled_idx = []
    for policy in policy_list:
        Lv = policy.shape[1]
        zero_mask = jnp.where(policy > 0, 0, 1).astype(jnp.int32)
        order = jnp.argsort(zero_mask, axis=1, stable=True)
        vis_idx = order[:, :Lv]
        shuffled_idx.append(vis_idx)
    shuffled_idx = jnp.concatenate(shuffled_idx, axis=1)
    assert shuffled_idx.shape[1] == Ltot, 'unmatched length of x and policy'
    unshuffle_idx = jnp.argsort(shuffled_idx, axis=1)
    gather_idx = jnp.broadcast_to(unshuffle_idx[:, :, None], (Bb, Ltot, C))
    x = jnp.take_along_axis(x, gather_idx, axis=1)
    x = x + pos_embed
    return x


if False:  # reference __main__ guard neutralized (emitter)
    out = reference(**setup_inputs())
    print(out.shape)

if __name__ == "__main__":
    import jax
    _d = setup_inputs()
    print(jax.jit(kernel)(*tuple(_d.values())))

</pallas_src>

<mosaic_0001>
#map = affine_map<(d0, d1) -> (0, 0, 0)>
module attributes {stable_mosaic.version = 14 : i64} {
  func.func @_gather_body(%arg0: i32, %arg1: i32, %arg2: memref<4x4097x768xf32, #tpu.memory_space<hbm>>, %arg3: memref<4x33x128xi32, #tpu.memory_space<hbm>>, %arg4: memref<1x1x768xf32, #tpu.memory_space<hbm>>, %arg5: memref<1x4097x768xf32, #tpu.memory_space<hbm>>, %arg6: memref<4x4097x768xf32, #tpu.memory_space<hbm>>, %arg7: memref<33x128xi32, #tpu.memory_space<vmem>>, %arg8: memref<768xf32, #tpu.memory_space<vmem>>, %arg9: memref<32x768xf32, #tpu.memory_space<vmem>>, %arg10: memref<32x768xf32, #tpu.memory_space<vmem>>, %arg11: memref<32x768xf32, #tpu.memory_space<vmem>>, %arg12: memref<32x768xf32, #tpu.memory_space<vmem>>, %arg13: memref<!tpu.dma_semaphore, #tpu.memory_space<semaphore_mem>>, %arg14: memref<!tpu.dma_semaphore, #tpu.memory_space<semaphore_mem>>, %arg15: memref<!tpu.dma_semaphore, #tpu.memory_space<semaphore_mem>>, %arg16: memref<!tpu.dma_semaphore, #tpu.memory_space<semaphore_mem>>, %arg17: memref<!tpu.dma_semaphore, #tpu.memory_space<semaphore_mem>>, %arg18: memref<!tpu.dma_semaphore, #tpu.memory_space<semaphore_mem>>) attributes {dimension_semantics = [#tpu.dimension_semantics<core_parallel>, #tpu.dimension_semantics<subcore_parallel>], iteration_bounds = array<i64: 2, 16>, scalar_prefetch = 0 : i64, scratch_operands = 12 : i64, tpu.core_type = #tpu.core_type<sc_vector_subcore>, window_params = [{transform_indices = #map}, {transform_indices = #map}, {transform_indices = #map}, {transform_indices = #map}, {transform_indices = #map}]} {
    %mul3A = arith.constant 2 : i32
    %mul3A_0 = arith.muli %arg1, %mul3A : i32
    %add3A = arith.addi %mul3A_0, %arg0 : i32
    %jit3A = arith.constant 8 : i32
    %div3A = arith.divsi %add3A, %jit3A : i32
    %sign3A = arith.constant 0 : i32
    %sign3A_1 = arith.cmpi sgt, %add3A, %sign3A : i32
    %sign3A_2 = arith.extui %sign3A_1 : i1 to i32
    %sign3A_3 = arith.constant 0 : i32
    %sign3A_4 = arith.cmpi slt, %add3A, %sign3A_3 : i32
    %sign3A_5 = arith.extui %sign3A_4 : i1 to i32
    %sign3A_6 = arith.subi %sign3A_2, %sign3A_5 : i32
    %sign3A_7 = arith.constant 0 : i32
    %sign3A_8 = arith.cmpi sgt, %jit3A, %sign3A_7 : i32
    %sign3A_9 = arith.extui %sign3A_8 : i1 to i32
    %sign3A_10 = arith.constant 0 : i32
    %sign3A_11 = arith.cmpi slt, %jit3A, %sign3A_10 : i32
    %sign3A_12 = arith.extui %sign3A_11 : i1 to i32
    %sign3A_13 = arith.subi %sign3A_9, %sign3A_12 : i32
    %ne3A = arith.cmpi ne, %sign3A_6, %sign3A_13 : i32
    %rem3A = arith.remsi %add3A, %jit3A : i32
    %ne3A_14 = arith.constant 0 : i32
    %ne3A_15 = arith.cmpi ne, %rem3A, %ne3A_14 : i32
    %and3A = arith.andi %ne3A, %ne3A_15 : i1
    %sub3A = arith.constant 1 : i32
    %sub3A_16 = arith.subi %div3A, %sub3A : i32
    %select_n3A = arith.select %and3A, %sub3A_16, %div3A : i32
    %jit3A_17 = arith.constant 8 : i32
    %eq3A = arith.constant 0 : i32
    %eq3A_18 = arith.cmpi eq, %jit3A_17, %eq3A : i32
    %jit3A_19 = arith.constant 1 : i32
    %select_n3A_20 = arith.select %eq3A_18, %jit3A_19, %jit3A_17 : i32
    %rem3A_21 = arith.remsi %add3A, %select_n3A_20 : i32
    %ne3A_22 = arith.constant 0 : i32
    %ne3A_23 = arith.cmpi ne, %rem3A_21, %ne3A_22 : i32
    %lt3A = arith.constant 0 : i32
    %lt3A_24 = arith.cmpi slt, %rem3A_21, %lt3A : i32
    %lt3A_25 = arith.constant 0 : i32
    %lt3A_26 = arith.cmpi slt, %select_n3A_20, %lt3A_25 : i32
    %ne3A_27 = arith.xori %lt3A_24, %lt3A_26 : i1
    %and3A_28 = arith.andi %ne3A_27, %ne3A_23 : i1
    %add3A_29 = arith.addi %rem3A_21, %select_n3A_20 : i32
    %select_n3A_30 = arith.select %and3A_28, %add3A_29, %rem3A_21 : i32
    %mul3A_31 = arith.constant 16 : i32
    %mul3A_32 = arith.muli %select_n3A_30, %mul3A_31 : i32
    %mul3A_33 = arith.constant 32 : i32
    %mul3A_34 = arith.muli %mul3A_32, %mul3A_33 : i32
    "tpu.region"() ({
      %run_scoped3A_111 = tpu.sem_alloc : memref<!tpu.dma_semaphore, #tpu.memory_space<semaphore_mem>>
      %dma_start3A_112 = arith.constant 0 : i32
      %dma_start3A_113 = arith.constant 0 : i32
      %dma_start3A_114 = tpu.memref_slice %arg3[%select_n3A, %dma_start3A_112, %dma_start3A_113] : memref<4x33x128xi32, #tpu.memory_space<hbm>> -> memref<1x33x128xi32, #tpu.memory_space<hbm>>
      %dma_start3A_115 = tpu.memref_squeeze %dma_start3A_114 : memref<1x33x128xi32, #tpu.memory_space<hbm>> -> memref<33x128xi32, #tpu.memory_space<hbm>>
      %dma_start3A_116 = arith.constant 0 : i32
      %dma_start3A_117 = arith.constant 0 : i32
      %dma_start3A_118 = tpu.memref_slice %arg3[%select_n3A, %dma_start3A_116, %dma_start3A_117] : memref<4x33x128xi32, #tpu.memory_space<hbm>> -> memref<1x33x128xi32, #tpu.memory_space<hbm>>
      %dma_start3A_119 = tpu.memref_squeeze %dma_start3A_118 : memref<1x33x128xi32, #tpu.memory_space<hbm>> -> memref<33x128xi32, #tpu.memory_space<hbm>>
      tpu.enqueue_dma source(%dma_start3A_119 : memref<33x128xi32, #tpu.memory_space<hbm>>) target(%arg7 : memref<33x128xi32, #tpu.memory_space<vmem>>) target_semaphore(%run_scoped3A_111 : memref<!tpu.dma_semaphore, #tpu.memory_space<semaphore_mem>>)
      %dma_wait3A_120 = arith.constant 0 : i32
      %dma_wait3A_121 = arith.constant 0 : i32
      %dma_wait3A_122 = tpu.memref_slice %arg3[%select_n3A, %dma_wait3A_120, %dma_wait3A_121] : memref<4x33x128xi32, #tpu.memory_space<hbm>> -> memref<1x33x128xi32, #tpu.memory_space<hbm>>
      %dma_wait3A_123 = tpu.memref_squeeze %dma_wait3A_122 : memref<1x33x128xi32, #tpu.memory_space<hbm>> -> memref<33x128xi32, #tpu.memory_space<hbm>>
      %dma_wait3A_124 = arith.constant 0 : i32
      %dma_wait3A_125 = arith.constant 0 : i32
      %dma_wait3A_126 = tpu.memref_slice %arg3[%select_n3A, %dma_wait3A_124, %dma_wait3A_125] : memref<4x33x128xi32, #tpu.memory_space<hbm>> -> memref<1x33x128xi32, #tpu.memory_space<hbm>>
      %dma_wait3A_127 = tpu.memref_squeeze %dma_wait3A_126 : memref<1x33x128xi32, #tpu.memory_space<hbm>> -> memref<33x128xi32, #tpu.memory_space<hbm>>
      tpu.wait_dma2 semaphore(%run_scoped3A_111 : memref<!tpu.dma_semaphore, #tpu.memory_space<semaphore_mem>>) src(%dma_wait3A_127 : memref<33x128xi32, #tpu.memory_space<hbm>>) dst(%arg7 : memref<33x128xi32, #tpu.memory_space<vmem>>)
      tpu.yield
    }) : () -> ()
    %run_scoped3A = arith.constant 0 : i32
    %run_scoped3A_35 = arith.constant 0 : i32
    "tpu.region"() ({
      %run_scoped3A_111 = tpu.sem_alloc : memref<!tpu.dma_semaphore, #tpu.memory_space<semaphore_mem>>
      %dma_start3A_112 = arith.constant 0 : i32
      %dma_start3A_113 = tpu.memref_slice %arg4[%run_scoped3A, %run_scoped3A_35, %dma_start3A_112] : memref<1x1x768xf32, #tpu.memory_space<hbm>> -> memref<1x1x768xf32, #tpu.memory_space<hbm>>
      %dma_start3A_114 = tpu.memref_squeeze %dma_start3A_113 : memref<1x1x768xf32, #tpu.memory_space<hbm>> -> memref<768xf32, #tpu.memory_space<hbm>>
      %dma_start3A_115 = arith.constant 0 : i32
      %dma_start3A_116 = tpu.memref_slice %arg4[%run_scoped3A, %run_scoped3A_35, %dma_start3A_115] : memref<1x1x768xf32, #tpu.memory_space<hbm>> -> memref<1x1x768xf32, #tpu.memory_space<hbm>>
      %dma_start3A_117 = tpu.memref_squeeze %dma_start3A_116 : memref<1x1x768xf32, #tpu.memory_space<hbm>> -> memref<768xf32, #tpu.memory_space<hbm>>
      tpu.enqueue_dma source(%dma_start3A_117 : memref<768xf32, #tpu.memory_space<hbm>>) target(%arg8 : memref<768xf32, #tpu.memory_space<vmem>>) target_semaphore(%run_scoped3A_111 : memref<!tpu.dma_semaphore, #tpu.memory_space<semaphore_mem>>)
      %dma_wait3A_118 = arith.constant 0 : i32
      %dma_wait3A_119 = tpu.memref_slice %arg4[%run_scoped3A, %run_scoped3A_35, %dma_wait3A_118] : memref<1x1x768xf32, #tpu.memory_space<hbm>> -> memref<1x1x768xf32, #tpu.memory_space<hbm>>
      %dma_wait3A_120 = tpu.memref_squeeze %dma_wait3A_119 : memref<1x1x768xf32, #tpu.memory_space<hbm>> -> memref<768xf32, #tpu.memory_space<hbm>>
      %dma_wait3A_121 = arith.constant 0 : i32
      %dma_wait3A_122 = tpu.memref_slice %arg4[%run_scoped3A, %run_scoped3A_35, %dma_wait3A_121] : memref<1x1x768xf32, #tpu.memory_space<hbm>> -> memref<1x1x768xf32, #tpu.memory_space<hbm>>
      %dma_wait3A_123 = tpu.memref_squeeze %dma_wait3A_122 : memref<1x1x768xf32, #tpu.memory_space<hbm>> -> memref<768xf32, #tpu.memory_space<hbm>>
      tpu.wait_dma2 semaphore(%run_scoped3A_111 : memref<!tpu.dma_semaphore, #tpu.memory_space<semaphore_mem>>) src(%dma_wait3A_123 : memref<768xf32, #tpu.memory_space<hbm>>) dst(%arg8 : memref<768xf32, #tpu.memory_space<vmem>>)
      tpu.yield
    }) : () -> ()
    %add3A_36 = arith.constant 0 : i32
    %add3A_37 = arith.addi %mul3A_34, %add3A_36 : i32
    %jit3A_38 = arith.constant 128 : i32
    %div3A_39 = arith.divsi %add3A_37, %jit3A_38 : i32
    %sign3A_40 = arith.constant 0 : i32
    %sign3A_41 = arith.cmpi sgt, %add3A_37, %sign3A_40 : i32
    %sign3A_42 = arith.extui %sign3A_41 : i1 to i32
    %sign3A_43 = arith.constant 0 : i32
    %sign3A_44 = arith.cmpi slt, %add3A_37, %sign3A_43 : i32
    %sign3A_45 = arith.extui %sign3A_44 : i1 to i32
    %sign3A_46 = arith.subi %sign3A_42, %sign3A_45 : i32
    %sign3A_47 = arith.constant 0 : i32
    %sign3A_48 = arith.cmpi sgt, %jit3A_38, %sign3A_47 : i32
    %sign3A_49 = arith.extui %sign3A_48 : i1 to i32
    %sign3A_50 = arith.constant 0 : i32
    %sign3A_51 = arith.cmpi slt, %jit3A_38, %sign3A_50 : i32
    %sign3A_52 = arith.extui %sign3A_51 : i1 to i32
    %sign3A_53 = arith.subi %sign3A_49, %sign3A_52 : i32
    %ne3A_54 = arith.cmpi ne, %sign3A_46, %sign3A_53 : i32
    %rem3A_55 = arith.remsi %add3A_37, %jit3A_38 : i32
    %ne3A_56 = arith.constant 0 : i32
    %ne3A_57 = arith.cmpi ne, %rem3A_55, %ne3A_56 : i32
    %and3A_58 = arith.andi %ne3A_54, %ne3A_57 : i1
    %sub3A_59 = arith.constant 1 : i32
    %sub3A_60 = arith.subi %div3A_39, %sub3A_59 : i32
    %select_n3A_61 = arith.select %and3A_58, %sub3A_60, %div3A_39 : i32
    %jit3A_62 = arith.constant 128 : i32
    %eq3A_63 = arith.constant 0 : i32
    %eq3A_64 = arith.cmpi eq, %jit3A_62, %eq3A_63 : i32
    %jit3A_65 = arith.constant 1 : i32
    %select_n3A_66 = arith.select %eq3A_64, %jit3A_65, %jit3A_62 : i32
    %rem3A_67 = arith.remsi %add3A_37, %select_n3A_66 : i32
    %ne3A_68 = arith.constant 0 : i32
    %ne3A_69 = arith.cmpi ne, %rem3A_67, %ne3A_68 : i32
    %lt3A_70 = arith.constant 0 : i32
    %lt3A_71 = arith.cmpi slt, %rem3A_67, %lt3A_70 : i32
    %lt3A_72 = arith.constant 0 : i32
    %lt3A_73 = arith.cmpi slt, %select_n3A_66, %lt3A_72 : i32
    %ne3A_74 = arith.xori %lt3A_71, %lt3A_73 : i1
    %and3A_75 = arith.andi %ne3A_74, %ne3A_69 : i1
    %add3A_76 = arith.addi %rem3A_67, %select_n3A_66 : i32
    %select_n3A_77 = arith.select %and3A_75, %add3A_76, %rem3A_67 : i32
    %dma_start3A = tpu.memref_slice %arg7[%select_n3A_61, %select_n3A_77] : memref<33x128xi32, #tpu.memory_space<vmem>> -> memref<1x32xi32, #tpu.memory_space<vmem>>
    %dma_start3A_78 = tpu.memref_squeeze %dma_start3A : memref<1x32xi32, #tpu.memory_space<vmem>> -> memref<32xi32, #tpu.memory_space<vmem>>
    %dma_start3A_79 = arith.constant 0 : i32
    %dma_start3A_80 = arith.constant 0 : i32
    %dma_start3A_81 = tpu.memref_slice %arg2[%select_n3A, %dma_start3A_79, %dma_start3A_80] : memref<4x4097x768xf32, #tpu.memory_space<hbm>> -> memref<1x4097x768xf32, #tpu.memory_space<hbm>>
    %dma_start3A_82 = tpu.memref_squeeze %dma_start3A_81 : memref<1x4097x768xf32, #tpu.memory_space<hbm>> -> memref<4097x768xf32, #tpu.memory_space<hbm>>
    %dma_start3A_83 = arith.constant 0 : i32
    %dma_start3A_84 = arith.constant 0 : i32
    %dma_start3A_85 = tpu.memref_slice %dma_start3A_82[%dma_start3A_83, %dma_start3A_84] : memref<4097x768xf32, #tpu.memory_space<hbm>> -> memref<4097x768xf32, #tpu.memory_space<hbm>>
    tpu.enqueue_indirect_dma source(%dma_start3A_85 : memref<4097x768xf32, #tpu.memory_space<hbm>>) target(%arg9 : memref<32x768xf32, #tpu.memory_space<vmem>>) offsets(%dma_start3A_78 : memref<32xi32, #tpu.memory_space<vmem>>) semaphore(%arg13 : memref<!tpu.dma_semaphore, #tpu.memory_space<semaphore_mem>>)
    %add3A_86 = arith.constant 0 : i32
    %add3A_87 = arith.addi %mul3A_34, %add3A_86 : i32
    %dma_start3A_88 = arith.constant 0 : i32
    %dma_start3A_89 = arith.constant 0 : i32
    %dma_start3A_90 = tpu.memref_slice %arg5[%dma_start3A_88, %add3A_87, %dma_start3A_89] : memref<1x4097x768xf32, #tpu.memory_space<hbm>> -> memref<1x32x768xf32, #tpu.memory_space<hbm>>
    %dma_start3A_91 = tpu.memref_squeeze %dma_start3A_90 : memref<1x32x768xf32, #tpu.memory_space<hbm>> -> memref<32x768xf32, #tpu.memory_space<hbm>>
    %dma_start3A_92 = arith.constant 0 : i32
    %dma_start3A_93 = tpu.memref_slice %arg5[%dma_start3A_88, %add3A_87, %dma_start3A_92] : memref<1x4097x768xf32, #tpu.memory_space<hbm>> -> memref<1x32x768xf32, #tpu.memory_space<hbm>>
    %dma_start3A_94 = tpu.memref_squeeze %dma_start3A_93 : memref<1x32x768xf32, #tpu.memory_space<hbm>> -> memref<32x768xf32, #tpu.memory_space<hbm>>
    tpu.enqueue_dma source(%dma_start3A_94 : memref<32x768xf32, #tpu.memory_space<hbm>>) target(%arg11 : memref<32x768xf32, #tpu.memory_space<vmem>>) target_semaphore(%arg15 : memref<!tpu.dma_semaphore, #tpu.memory_space<semaphore_mem>>)
    %scan3A = arith.constant 0 : i32
    %scan3A_95 = arith.constant 0 : i32
    %scan3A_96 = arith.constant 8 : i32
    %scan3A_97 = arith.addi %scan3A_95, %scan3A_96 : i32
    %scan3A_98 = arith.constant 1 : i32
    %scan3A_99 = scf.for %scan3A_111 = %scan3A_95 to %scan3A_97 step %scan3A_98 iter_args(%scan3A_112 = %scan3A) -> (i32)  : i32 {
      %mul3A_113 = arith.constant 2 : i32
      %mul3A_114 = arith.muli %scan3A_111, %mul3A_113 : i32
      %mul3A_115 = arith.constant 32 : i32
      %mul3A_116 = arith.muli %mul3A_114, %mul3A_115 : i32
      %add3A_117 = arith.addi %mul3A_34, %mul3A_116 : i32
      %jit3A_118 = arith.constant 128 : i32
      %div3A_119 = arith.divsi %add3A_117, %jit3A_118 : i32
      %sign3A_120 = arith.constant 0 : i32
      %sign3A_121 = arith.cmpi sgt, %add3A_117, %sign3A_120 : i32
      %sign3A_122 = arith.extui %sign3A_121 : i1 to i32
      %sign3A_123 = arith.constant 0 : i32
      %sign3A_124 = arith.cmpi slt, %add3A_117, %sign3A_123 : i32
      %sign3A_125 = arith.extui %sign3A_124 : i1 to i32
      %sign3A_126 = arith.subi %sign3A_122, %sign3A_125 : i32
      %sign3A_127 = arith.constant 0 : i32
      %sign3A_128 = arith.cmpi sgt, %jit3A_118, %sign3A_127 : i32
      %sign3A_129 = arith.extui %sign3A_128 : i1 to i32
      %sign3A_130 = arith.constant 0 : i32
      %sign3A_131 = arith.cmpi slt, %jit3A_118, %sign3A_130 : i32
      %sign3A_132 = arith.extui %sign3A_131 : i1 to i32
      %sign3A_133 = arith.subi %sign3A_129, %sign3A_132 : i32
      %ne3A_134 = arith.cmpi ne, %sign3A_126, %sign3A_133 : i32
      %rem3A_135 = arith.remsi %add3A_117, %jit3A_118 : i32
      %ne3A_136 = arith.constant 0 : i32
      %ne3A_137 = arith.cmpi ne, %rem3A_135, %ne3A_136 : i32
      %and3A_138 = arith.andi %ne3A_134, %ne3A_137 : i1
      %sub3A_139 = arith.constant 1 : i32
      %sub3A_140 = arith.subi %div3A_119, %sub3A_139 : i32
      %select_n3A_141 = arith.select %and3A_138, %sub3A_140, %div3A_119 : i32
      %jit3A_142 = arith.constant 128 : i32
      %eq3A_143 = arith.constant 0 : i32
      %eq3A_144 = arith.cmpi eq, %jit3A_142, %eq3A_143 : i32
      %jit3A_145 = arith.constant 1 : i32
      %select_n3A_146 = arith.select %eq3A_144, %jit3A_145, %jit3A_142 : i32
      %rem3A_147 = arith.remsi %add3A_117, %select_n3A_146 : i32
      %ne3A_148 = arith.constant 0 : i32
      %ne3A_149 = arith.cmpi ne, %rem3A_147, %ne3A_148 : i32
      %lt3A_150 = arith.constant 0 : i32
      %lt3A_151 = arith.cmpi slt, %rem3A_147, %lt3A_150 : i32
      %lt3A_152 = arith.constant 0 : i32
      %lt3A_153 = arith.cmpi slt, %select_n3A_146, %lt3A_152 : i32
      %ne3A_154 = arith.xori %lt3A_151, %lt3A_153 : i1
      %and3A_155 = arith.andi %ne3A_154, %ne3A_149 : i1
      %add3A_156 = arith.addi %rem3A_147, %select_n3A_146 : i32
      %select_n3A_157 = arith.select %and3A_155, %add3A_156, %rem3A_147 : i32
      %dma_wait3A_158 = tpu.memref_slice %arg7[%select_n3A_141, %select_n3A_157] : memref<33x128xi32, #tpu.memory_space<vmem>> -> memref<1x32xi32, #tpu.memory_space<vmem>>
      %dma_wait3A_159 = tpu.memref_squeeze %dma_wait3A_158 : memref<1x32xi32, #tpu.memory_space<vmem>> -> memref<32xi32, #tpu.memory_space<vmem>>
      %dma_wait3A_160 = arith.constant 0 : i32
      %dma_wait3A_161 = arith.constant 0 : i32
      %dma_wait3A_162 = tpu.memref_slice %arg2[%select_n3A, %dma_wait3A_160, %dma_wait3A_161] : memref<4x4097x768xf32, #tpu.memory_space<hbm>> -> memref<1x4097x768xf32, #tpu.memory_space<hbm>>
      %dma_wait3A_163 = tpu.memref_squeeze %dma_wait3A_162 : memref<1x4097x768xf32, #tpu.memory_space<hbm>> -> memref<4097x768xf32, #tpu.memory_space<hbm>>
      %dma_wait3A_164 = arith.constant 0 : i32
      %dma_wait3A_165 = arith.constant 0 : i32
      %dma_wait3A_166 = tpu.memref_slice %dma_wait3A_163[%dma_wait3A_164, %dma_wait3A_165] : memref<4097x768xf32, #tpu.memory_space<hbm>> -> memref<4097x768xf32, #tpu.memory_space<hbm>>
      tpu.wait_indirect_dma semaphore(%arg13 : memref<!tpu.dma_semaphore, #tpu.memory_space<semaphore_mem>>) src(%dma_wait3A_166 : memref<4097x768xf32, #tpu.memory_space<hbm>>) dst(%arg9 : memref<32x768xf32, #tpu.memory_space<vmem>>)
      %mul3A_167 = arith.constant 32 : i32
      %mul3A_168 = arith.muli %mul3A_114, %mul3A_167 : i32
      %add3A_169 = arith.addi %mul3A_34, %mul3A_168 : i32
      %dma_wait3A_170 = arith.constant 0 : i32
      %dma_wait3A_171 = arith.constant 0 : i32
      %dma_wait3A_172 = tpu.memref_slice %arg5[%dma_wait3A_170, %add3A_169, %dma_wait3A_171] : memref<1x4097x768xf32, #tpu.memory_space<hbm>> -> memref<1x32x768xf32, #tpu.memory_space<hbm>>
      %dma_wait3A_173 = tpu.memref_squeeze %dma_wait3A_172 : memref<1x32x768xf32, #tpu.memory_space<hbm>> -> memref<32x768xf32, #tpu.memory_space<hbm>>
      %dma_wait3A_174 = arith.constant 0 : i32
      %dma_wait3A_175 = tpu.memref_slice %arg5[%dma_wait3A_170, %add3A_169, %dma_wait3A_174] : memref<1x4097x768xf32, #tpu.memory_space<hbm>> -> memref<1x32x768xf32, #tpu.memory_space<hbm>>
      %dma_wait3A_176 = tpu.memref_squeeze %dma_wait3A_175 : memref<1x32x768xf32, #tpu.memory_space<hbm>> -> memref<32x768xf32, #tpu.memory_space<hbm>>
      tpu.wait_dma2 semaphore(%arg15 : memref<!tpu.dma_semaphore, #tpu.memory_space<semaphore_mem>>) src(%dma_wait3A_176 : memref<32x768xf32, #tpu.memory_space<hbm>>) dst(%arg11 : memref<32x768xf32, #tpu.memory_space<vmem>>)
      %ge3A = arith.constant 1 : i32
      %ge3A_177 = arith.cmpi sge, %scan3A_111, %ge3A : i32
      %convert_element_type3A_178 = arith.extui %ge3A_177 : i1 to i32
      %cond3A_179 = arith.constant 0 : i32
      %cond3A_180 = arith.cmpi ne, %convert_element_type3A_178, %cond3A_179 : i32
      scf.if %cond3A_180 {
        %sub3A_362 = arith.constant 1 : i32
        %sub3A_363 = arith.subi %mul3A_114, %sub3A_362 : i32
        %mul3A_364 = arith.constant 32 : i32
        %mul3A_365 = arith.muli %sub3A_363, %mul3A_364 : i32
        %add3A_366 = arith.addi %mul3A_34, %mul3A_365 : i32
        %dma_wait3A_367 = arith.constant 0 : i32
        %dma_wait3A_368 = tpu.memref_slice %arg6[%select_n3A, %add3A_366, %dma_wait3A_367] : memref<4x4097x768xf32, #tpu.memory_space<hbm>> -> memref<1x32x768xf32, #tpu.memory_space<hbm>>
        %dma_wait3A_369 = tpu.memref_squeeze %dma_wait3A_368 : memref<1x32x768xf32, #tpu.memory_space<hbm>> -> memref<32x768xf32, #tpu.memory_space<hbm>>
        %dma_wait3A_370 = arith.constant 0 : i32
        %dma_wait3A_371 = tpu.memref_slice %arg6[%select_n3A, %add3A_366, %dma_wait3A_370] : memref<4x4097x768xf32, #tpu.memory_space<hbm>> -> memref<1x32x768xf32, #tpu.memory_space<hbm>>
        %dma_wait3A_372 = tpu.memref_squeeze %dma_wait3A_371 : memref<1x32x768xf32, #tpu.memory_space<hbm>> -> memref<32x768xf32, #tpu.memory_space<hbm>>
        tpu.wait_dma2 semaphore(%arg18 : memref<!tpu.dma_semaphore, #tpu.memory_space<semaphore_mem>>) src(%arg10 : memref<32x768xf32, #tpu.memory_space<vmem>>) dst(%dma_wait3A_372 : memref<32x768xf32, #tpu.memory_space<hbm>>)
      } else {
      }
      %add3A_181 = arith.constant 1 : i32
      %add3A_182 = arith.addi %mul3A_114, %add3A_181 : i32
      %mul3A_183 = arith.constant 32 : i32
      %mul3A_184 = arith.muli %add3A_182, %mul3A_183 : i32
      %add3A_185 = arith.addi %mul3A_34, %mul3A_184 : i32
      %jit3A_186 = arith.constant 128 : i32
      %div3A_187 = arith.divsi %add3A_185, %jit3A_186 : i32
      %sign3A_188 = arith.constant 0 : i32
      %sign3A_189 = arith.cmpi sgt, %add3A_185, %sign3A_188 : i32
      %sign3A_190 = arith.extui %sign3A_189 : i1 to i32
      %sign3A_191 = arith.constant 0 : i32
      %sign3A_192 = arith.cmpi slt, %add3A_185, %sign3A_191 : i32
      %sign3A_193 = arith.extui %sign3A_192 : i1 to i32
      %sign3A_194 = arith.subi %sign3A_190, %sign3A_193 : i32
      %sign3A_195 = arith.constant 0 : i32
      %sign3A_196 = arith.cmpi sgt, %jit3A_186, %sign3A_195 : i32
      %sign3A_197 = arith.extui %sign3A_196 : i1 to i32
      %sign3A_198 = arith.constant 0 : i32
      %sign3A_199 = arith.cmpi slt, %jit3A_186, %sign3A_198 : i32
      %sign3A_200 = arith.extui %sign3A_199 : i1 to i32
      %sign3A_201 = arith.subi %sign3A_197, %sign3A_200 : i32
      %ne3A_202 = arith.cmpi ne, %sign3A_194, %sign3A_201 : i32
      %rem3A_203 = arith.remsi %add3A_185, %jit3A_186 : i32
      %ne3A_204 = arith.constant 0 : i32
      %ne3A_205 = arith.cmpi ne, %rem3A_203, %ne3A_204 : i32
      %and3A_206 = arith.andi %ne3A_202, %ne3A_205 : i1
      %sub3A_207 = arith.constant 1 : i32
      %sub3A_208 = arith.subi %div3A_187, %sub3A_207 : i32
      %select_n3A_209 = arith.select %and3A_206, %sub3A_208, %div3A_187 : i32
      %jit3A_210 = arith.constant 128 : i32
      %eq3A_211 = arith.constant 0 : i32
      %eq3A_212 = arith.cmpi eq, %jit3A_210, %eq3A_211 : i32
      %jit3A_213 = arith.constant 1 : i32
      %select_n3A_214 = arith.select %eq3A_212, %jit3A_213, %jit3A_210 : i32
      %rem3A_215 = arith.remsi %add3A_185, %select_n3A_214 : i32
      %ne3A_216 = arith.constant 0 : i32
      %ne3A_217 = arith.cmpi ne, %rem3A_215, %ne3A_216 : i32
      %lt3A_218 = arith.constant 0 : i32
      %lt3A_219 = arith.cmpi slt, %rem3A_215, %lt3A_218 : i32
      %lt3A_220 = arith.constant 0 : i32
      %lt3A_221 = arith.cmpi slt, %select_n3A_214, %lt3A_220 : i32
      %ne3A_222 = arith.xori %lt3A_219, %lt3A_221 : i1
      %and3A_223 = arith.andi %ne3A_222, %ne3A_217 : i1
      %add3A_224 = arith.addi %rem3A_215, %select_n3A_214 : i32
      %select_n3A_225 = arith.select %and3A_223, %add3A_224, %rem3A_215 : i32
      %dma_start3A_226 = tpu.memref_slice %arg7[%select_n3A_209, %select_n3A_225] : memref<33x128xi32, #tpu.memory_space<vmem>> -> memref<1x32xi32, #tpu.memory_space<vmem>>
      %dma_start3A_227 = tpu.memref_squeeze %dma_start3A_226 : memref<1x32xi32, #tpu.memory_space<vmem>> -> memref<32xi32, #tpu.memory_space<vmem>>
      %dma_start3A_228 = arith.constant 0 : i32
      %dma_start3A_229 = arith.constant 0 : i32
      %dma_start3A_230 = tpu.memref_slice %arg2[%select_n3A, %dma_start3A_228, %dma_start3A_229] : memref<4x4097x768xf32, #tpu.memory_space<hbm>> -> memref<1x4097x768xf32, #tpu.memory_space<hbm>>
      %dma_start3A_231 = tpu.memref_squeeze %dma_start3A_230 : memref<1x4097x768xf32, #tpu.memory_space<hbm>> -> memref<4097x768xf32, #tpu.memory_space<hbm>>
      %dma_start3A_232 = arith.constant 0 : i32
      %dma_start3A_233 = arith.constant 0 : i32
      %dma_start3A_234 = tpu.memref_slice %dma_start3A_231[%dma_start3A_232, %dma_start3A_233] : memref<4097x768xf32, #tpu.memory_space<hbm>> -> memref<4097x768xf32, #tpu.memory_space<hbm>>
      tpu.enqueue_indirect_dma source(%dma_start3A_234 : memref<4097x768xf32, #tpu.memory_space<hbm>>) target(%arg10 : memref<32x768xf32, #tpu.memory_space<vmem>>) offsets(%dma_start3A_227 : memref<32xi32, #tpu.memory_space<vmem>>) semaphore(%arg14 : memref<!tpu.dma_semaphore, #tpu.memory_space<semaphore_mem>>)
      %add3A_235 = arith.constant 1 : i32
      %add3A_236 = arith.addi %mul3A_114, %add3A_235 : i32
      %mul3A_237 = arith.constant 32 : i32
      %mul3A_238 = arith.muli %add3A_236, %mul3A_237 : i32
      %add3A_239 = arith.addi %mul3A_34, %mul3A_238 : i32
      %dma_start3A_240 = arith.constant 0 : i32
      %dma_start3A_241 = arith.constant 0 : i32
      %dma_start3A_242 = tpu.memref_slice %arg5[%dma_start3A_240, %add3A_239, %dma_start3A_241] : memref<1x4097x768xf32, #tpu.memory_space<hbm>> -> memref<1x32x768xf32, #tpu.memory_space<hbm>>
      %dma_start3A_243 = tpu.memref_squeeze %dma_start3A_242 : memref<1x32x768xf32, #tpu.memory_space<hbm>> -> memref<32x768xf32, #tpu.memory_space<hbm>>
      %dma_start3A_244 = arith.constant 0 : i32
      %dma_start3A_245 = tpu.memref_slice %arg5[%dma_start3A_240, %add3A_239, %dma_start3A_244] : memref<1x4097x768xf32, #tpu.memory_space<hbm>> -> memref<1x32x768xf32, #tpu.memory_space<hbm>>
      %dma_start3A_246 = tpu.memref_squeeze %dma_start3A_245 : memref<1x32x768xf32, #tpu.memory_space<hbm>> -> memref<32x768xf32, #tpu.memory_space<hbm>>
      tpu.enqueue_dma source(%dma_start3A_246 : memref<32x768xf32, #tpu.memory_space<hbm>>) target(%arg12 : memref<32x768xf32, #tpu.memory_space<vmem>>) target_semaphore(%arg16 : memref<!tpu.dma_semaphore, #tpu.memory_space<semaphore_mem>>)
      %scan3A_247 = arith.constant 0 : i32
      %scan3A_248 = arith.constant 0 : i32
      %scan3A_249 = arith.constant 48 : i32
      %scan3A_250 = arith.addi %scan3A_248, %scan3A_249 : i32
      %scan3A_251 = arith.constant 1 : i32
      %scan3A_252 = scf.for %scan3A_362 = %scan3A_248 to %scan3A_250 step %scan3A_251 iter_args(%scan3A_363 = %scan3A_247) -> (i32)  : i32 {
        %mul3A_364 = arith.constant 16 : i32
        %mul3A_365 = arith.muli %scan3A_362, %mul3A_364 : i32
        %get3A = arith.index_cast %mul3A_365 : i32 to index
        %get3A_366 = tpu.vector_load %arg8[%get3A] {strides = array<i32>} : memref<768xf32, #tpu.memory_space<vmem>>, vector<16xf32>,
        %get3A_367 = vector.shape_cast %get3A_366 : vector<16xf32> to vector<16xf32>
        %get3A_368 = arith.constant 0 : i32
        %get3A_369 = arith.index_cast %get3A_368 : i32 to index
        %get3A_370 = arith.index_cast %mul3A_365 : i32 to index
        %get3A_371 = tpu.vector_load %arg9[%get3A_369, %get3A_370] {strides = array<i32>} : memref<32x768xf32, #tpu.memory_space<vmem>>, vector<1x16xf32>,
        %get3A_372 = vector.shape_cast %get3A_371 : vector<1x16xf32> to vector<16xf32>
        %get3A_373 = arith.constant 0 : i32
        %get3A_374 = arith.index_cast %get3A_373 : i32 to index
        %get3A_375 = arith.index_cast %mul3A_365 : i32 to index
        %get3A_376 = tpu.vector_load %arg11[%get3A_374, %get3A_375] {strides = array<i32>} : memref<32x768xf32, #tpu.memory_space<vmem>>, vector<1x16xf32>,
        %get3A_377 = vector.shape_cast %get3A_376 : vector<1x16xf32> to vector<16xf32>
        %add3A_378 = arith.addf %get3A_372, %get3A_377 : vector<16xf32>
        %add3A_379 = arith.addf %add3A_378, %get3A_367 : vector<16xf32>
        %swap3A = arith.constant 0 : i32
        %swap3A_380 = arith.index_cast %swap3A : i32 to index
        %swap3A_381 = arith.index_cast %mul3A_365 : i32 to index
        %swap3A_382 = tpu.vector_load %arg9[%swap3A_380, %swap3A_381] {strides = array<i32>} : memref<32x768xf32, #tpu.memory_space<vmem>>, vector<1x16xf32>,
        %swap3A_383 = vector.shape_cast %swap3A_382 : vector<1x16xf32> to vector<16xf32>
        %swap3A_384 = vector.shape_cast %add3A_379 : vector<16xf32> to vector<1x16xf32>
        tpu.vector_store %arg9[%swap3A_380, %swap3A_381], %swap3A_384 {strides = array<i32>} : memref<32x768xf32, #tpu.memory_space<vmem>>, vector<1x16xf32>,
        %get3A_385 = arith.constant 1 : i32
        %get3A_386 = arith.index_cast %get3A_385 : i32 to index
        %get3A_387 = arith.index_cast %mul3A_365 : i32 to index
        %get3A_388 = tpu.vector_load %arg9[%get3A_386, %get3A_387] {strides = array<i32>} : memref<32x768xf32, #tpu.memory_space<vmem>>, vector<1x16xf32>,
        %get3A_389 = vector.shape_cast %get3A_388 : vector<1x16xf32> to vector<16xf32>
        %get3A_390 = arith.constant 1 : i32
        %get3A_391 = arith.index_cast %get3A_390 : i32 to index
        %get3A_392 = arith.index_cast %mul3A_365 : i32 to index
        %get3A_393 = tpu.vector_load %arg11[%get3A_391, %get3A_392] {strides = array<i32>} : memref<32x768xf32, #tpu.memory_space<vmem>>, vector<1x16xf32>,
        %get3A_394 = vector.shape_cast %get3A_393 : vector<1x16xf32> to vector<16xf32>
        %add3A_395 = arith.addf %get3A_389, %get3A_394 : vector<16xf32>
        %add3A_396 = arith.addf %add3A_395, %get3A_367 : vector<16xf32>
        %swap3A_397 = arith.constant 1 : i32
        %swap3A_398 = arith.index_cast %swap3A_397 : i32 to index
        %swap3A_399 = arith.index_cast %mul3A_365 : i32 to index
        %swap3A_400 = tpu.vector_load %arg9[%swap3A_398, %swap3A_399] {strides = array<i32>} : memref<32x768xf32, #tpu.memory_space<vmem>>, vector<1x16xf32>,
        %swap3A_401 = vector.shape_cast %swap3A_400 : vector<1x16xf32> to vector<16xf32>
        %swap3A_402 = vector.shape_cast %add3A_396 : vector<16xf32> to vector<1x16xf32>
        tpu.vector_store %arg9[%swap3A_398, %swap3A_399], %swap3A_402 {strides = array<i32>} : memref<32x768xf32, #tpu.memory_space<vmem>>, vector<1x16xf32>,
        %get3A_403 = arith.constant 2 : i32
        %get3A_404 = arith.index_cast %get3A_403 : i32 to index
        %get3A_405 = arith.index_cast %mul3A_365 : i32 to index
        %get3A_406 = tpu.vector_load %arg9[%get3A_404, %get3A_405] {strides = array<i32>} : memref<32x768xf32, #tpu.memory_space<vmem>>, vector<1x16xf32>,
        %get3A_407 = vector.shape_cast %get3A_406 : vector<1x16xf32> to vector<16xf32>
        %get3A_408 = arith.constant 2 : i32
        %get3A_409 = arith.index_cast %get3A_408 : i32 to index
        %get3A_410 = arith.index_cast %mul3A_365 : i32 to index
        %get3A_411 = tpu.vector_load %arg11[%get3A_409, %get3A_410] {strides = array<i32>} : memref<32x768xf32, #tpu.memory_space<vmem>>, vector<1x16xf32>,
        %get3A_412 = vector.shape_cast %get3A_411 : vector<1x16xf32> to vector<16xf32>
        %add3A_413 = arith.addf %get3A_407, %get3A_412 : vector<16xf32>
        %add3A_414 = arith.addf %add3A_413, %get3A_367 : vector<16xf32>
        %swap3A_415 = arith.constant 2 : i32
        %swap3A_416 = arith.index_cast %swap3A_415 : i32 to index
        %swap3A_417 = arith.index_cast %mul3A_365 : i32 to index
        %swap3A_418 = tpu.vector_load %arg9[%swap3A_416, %swap3A_417] {strides = array<i32>} : memref<32x768xf32, #tpu.memory_space<vmem>>, vector<1x16xf32>,
        %swap3A_419 = vector.shape_cast %swap3A_418 : vector<1x16xf32> to vector<16xf32>
        %swap3A_420 = vector.shape_cast %add3A_414 : vector<16xf32> to vector<1x16xf32>
        tpu.vector_store %arg9[%swap3A_416, %swap3A_417], %swap3A_420 {strides = array<i32>} : memref<32x768xf32, #tpu.memory_space<vmem>>, vector<1x16xf32>,
        %get3A_421 = arith.constant 3 : i32
        %get3A_422 = arith.index_cast %get3A_421 : i32 to index
        %get3A_423 = arith.index_cast %mul3A_365 : i32 to index
        %get3A_424 = tpu.vector_load %arg9[%get3A_422, %get3A_423] {strides = array<i32>} : memref<32x768xf32, #tpu.memory_space<vmem>>, vector<1x16xf32>,
        %get3A_425 = vector.shape_cast %get3A_424 : vector<1x16xf32> to vector<16xf32>
        %get3A_426 = arith.constant 3 : i32
        %get3A_427 = arith.index_cast %get3A_426 : i32 to index
        %get3A_428 = arith.index_cast %mul3A_365 : i32 to index
        %get3A_429 = tpu.vector_load %arg11[%get3A_427, %get3A_428] {strides = array<i32>} : memref<32x768xf32, #tpu.memory_space<vmem>>, vector<1x16xf32>,
        %get3A_430 = vector.shape_cast %get3A_429 : vector<1x16xf32> to vector<16xf32>
        %add3A_431 = arith.addf %get3A_425, %get3A_430 : vector<16xf32>
        %add3A_432 = arith.addf %add3A_431, %get3A_367 : vector<16xf32>
        %swap3A_433 = arith.constant 3 : i32
        %swap3A_434 = arith.index_cast %swap3A_433 : i32 to index
        %swap3A_435 = arith.index_cast %mul3A_365 : i32 to index
        %swap3A_436 = tpu.vector_load %arg9[%swap3A_434, %swap3A_435] {strides = array<i32>} : memref<32x768xf32, #tpu.memory_space<vmem>>, vector<1x16xf32>,
        %swap3A_437 = vector.shape_cast %swap3A_436 : vector<1x16xf32> to vector<16xf32>
        %swap3A_438 = vector.shape_cast %add3A_432 : vector<16xf32> to vector<1x16xf32>
        tpu.vector_store %arg9[%swap3A_434, %swap3A_435], %swap3A_438 {strides = array<i32>} : memref<32x768xf32, #tpu.memory_space<vmem>>, vector<1x16xf32>,
        %get3A_439 = arith.constant 4 : i32
        %get3A_440 = arith.index_cast %get3A_439 : i32 to index
        %get3A_441 = arith.index_cast %mul3A_365 : i32 to index
        %get3A_442 = tpu.vector_load %arg9[%get3A_440, %get3A_441] {strides = array<i32>} : memref<32x768xf32, #tpu.memory_space<vmem>>, vector<1x16xf32>,
        %get3A_443 = vector.shape_cast %get3A_442 : vector<1x16xf32> to vector<16xf32>
        %get3A_444 = arith.constant 4 : i32
        %get3A_445 = arith.index_cast %get3A_444 : i32 to index
        %get3A_446 = arith.index_cast %mul3A_365 : i32 to index
        %get3A_447 = tpu.vector_load %arg11[%get3A_445, %get3A_446] {strides = array<i32>} : memref<32x768xf32, #tpu.memory_space<vmem>>, vector<1x16xf32>,
        %get3A_448 = vector.shape_cast %get3A_447 : vector<1x16xf32> to vector<16xf32>
        %add3A_449 = arith.addf %get3A_443, %get3A_448 : vector<16xf32>
        %add3A_450 = arith.addf %add3A_449, %get3A_367 : vector<16xf32>
        %swap3A_451 = arith.constant 4 : i32
        %swap3A_452 = arith.index_cast %swap3A_451 : i32 to index
        %swap3A_453 = arith.index_cast %mul3A_365 : i32 to index
        %swap3A_454 = tpu.vector_load %arg9[%swap3A_452, %swap3A_453] {strides = array<i32>} : memref<32x768xf32, #tpu.memory_space<vmem>>, vector<1x16xf32>,
        %swap3A_455 = vector.shape_cast %swap3A_454 : vector<1x16xf32> to vector<16xf32>
        %swap3A_456 = vector.shape_cast %add3A_450 : vector<16xf32> to vector<1x16xf32>
        tpu.vector_store %arg9[%swap3A_452, %swap3A_453], %swap3A_456 {strides = array<i32>} : memref<32x768xf32, #tpu.memory_space<vmem>>, vector<1x16xf32>,
        %get3A_457 = arith.constant 5 : i32
        %get3A_458 = arith.index_cast %get3A_457 : i32 to index
        %get3A_459 = arith.index_cast %mul3A_365 : i32 to index
        %get3A_460 = tpu.vector_load %arg9[%get3A_458, %get3A_459] {strides = array<i32>} : memref<32x768xf32, #tpu.memory_space<vmem>>, vector<1x16xf32>,
        %get3A_461 = vector.shape_cast %get3A_460 : vector<1x16xf32> to vector<16xf32>
        %get3A_462 = arith.constant 5 : i32
        %get3A_463 = arith.index_cast %get3A_462 : i32 to index
        %get3A_464 = arith.index_cast %mul3A_365 : i32 to index
        %get3A_465 = tpu.vector_load %arg11[%get3A_463, %get3A_464] {strides = array<i32>} : memref<32x768xf32, #tpu.memory_space<vmem>>, vector<1x16xf32>,
        %get3A_466 = vector.shape_cast %get3A_465 : vector<1x16xf32> to vector<16xf32>
        %add3A_467 = arith.addf %get3A_461, %get3A_466 : vector<16xf32>
        %add3A_468 = arith.addf %add3A_467, %get3A_367 : vector<16xf32>
        %swap3A_469 = arith.constant 5 : i32
        %swap3A_470 = arith.index_cast %swap3A_469 : i32 to index
        %swap3A_471 = arith.index_cast %mul3A_365 : i32 to index
        %swap3A_472 = tpu.vector_load %arg9[%swap3A_470, %swap3A_471] {strides = array<i32>} : memref<32x768xf32, #tpu.memory_space<vmem>>, vector<1x16xf32>,
        %swap3A_473 = vector.shape_cast %swap3A_472 : vector<1x16xf32> to vector<16xf32>
        %swap3A_474 = vector.shape_cast %add3A_468 : vector<16xf32> to vector<1x16xf32>
        tpu.vector_store %arg9[%swap3A_470, %swap3A_471], %swap3A_474 {strides = array<i32>} : memref<32x768xf32, #tpu.memory_space<vmem>>, vector<1x16xf32>,
        %get3A_475 = arith.constant 6 : i32
        %get3A_476 = arith.index_cast %get3A_475 : i32 to index
        %get3A_477 = arith.index_cast %mul3A_365 : i32 to index
        %get3A_478 = tpu.vector_load %arg9[%get3A_476, %get3A_477] {strides = array<i32>} : memref<32x768xf32, #tpu.memory_space<vmem>>, vector<1x16xf32>,
        %get3A_479 = vector.shape_cast %get3A_478 : vector<1x16xf32> to vector<16xf32>
        %get3A_480 = arith.constant 6 : i32
        %get3A_481 = arith.index_cast %get3A_480 : i32 to index
        %get3A_482 = arith.index_cast %mul3A_365 : i32 to index
        %get3A_483 = tpu.vector_load %arg11[%get3A_481, %get3A_482] {strides = array<i32>} : memref<32x768xf32, #tpu.memory_space<vmem>>, vector<1x16xf32>,
        %get3A_484 = vector.shape_cast %get3A_483 : vector<1x16xf32> to vector<16xf32>
        %add3A_485 = arith.addf %get3A_479, %get3A_484 : vector<16xf32>
        %add3A_486 = arith.addf %add3A_485, %get3A_367 : vector<16xf32>
        %swap3A_487 = arith.constant 6 : i32
        %swap3A_488 = arith.index_cast %swap3A_487 : i32 to index
        %swap3A_489 = arith.index_cast %mul3A_365 : i32 to index
        %swap3A_490 = tpu.vector_load %arg9[%swap3A_488, %swap3A_489] {strides = array<i32>} : memref<32x768xf32, #tpu.memory_space<vmem>>, vector<1x16xf32>,
        %swap3A_491 = vector.shape_cast %swap3A_490 : vector<1x16xf32> to vector<16xf32>
        %swap3A_492 = vector.shape_cast %add3A_486 : vector<16xf32> to vector<1x16xf32>
        tpu.vector_store %arg9[%swap3A_488, %swap3A_489], %swap3A_492 {strides = array<i32>} : memref<32x768xf32, #tpu.memory_space<vmem>>, vector<1x16xf32>,
        %get3A_493 = arith.constant 7 : i32
        %get3A_494 = arith.index_cast %get3A_493 : i32 to index
        %get3A_495 = arith.index_cast %mul3A_365 : i32 to index
        %get3A_496 = tpu.vector_load %arg9[%get3A_494, %get3A_495] {strides = array<i32>} : memref<32x768xf32, #tpu.memory_space<vmem>>, vector<1x16xf32>,
        %get3A_497 = vector.shape_cast %get3A_496 : vector<1x16xf32> to vector<16xf32>
        %get3A_498 = arith.constant 7 : i32
        %get3A_499 = arith.index_cast %get3A_498 : i32 to index
        %get3A_500 = arith.index_cast %mul3A_365 : i32 to index
        %get3A_501 = tpu.vector_load %arg11[%get3A_499, %get3A_500] {strides = array<i32>} : memref<32x768xf32, #tpu.memory_space<vmem>>, vector<1x16xf32>,
        %get3A_502 = vector.shape_cast %get3A_501 : vector<1x16xf32> to vector<16xf32>
        %add3A_503 = arith.addf %get3A_497, %get3A_502 : vector<16xf32>
        %add3A_504 = arith.addf %add3A_503, %get3A_367 : vector<16xf32>
        %swap3A_505 = arith.constant 7 : i32
        %swap3A_506 = arith.index_cast %swap3A_505 : i32 to index
        %swap3A_507 = arith.index_cast %mul3A_365 : i32 to index
        %swap3A_508 = tpu.vector_load %arg9[%swap3A_506, %swap3A_507] {strides = array<i32>} : memref<32x768xf32, #tpu.memory_space<vmem>>, vector<1x16xf32>,
        %swap3A_509 = vector.shape_cast %swap3A_508 : vector<1x16xf32> to vector<16xf32>
        %swap3A_510 = vector.shape_cast %add3A_504 : vector<16xf32> to vector<1x16xf32>
        tpu.vector_store %arg9[%swap3A_506, %swap3A_507], %swap3A_510 {strides = array<i32>} : memref<32x768xf32, #tpu.memory_space<vmem>>, vector<1x16xf32>,
        %get3A_511 = arith.constant 8 : i32
        %get3A_512 = arith.index_cast %get3A_511 : i32 to index
        %get3A_513 = arith.index_cast %mul3A_365 : i32 to index
        %get3A_514 = tpu.vector_load %arg9[%get3A_512, %get3A_513] {strides = array<i32>} : memref<32x768xf32, #tpu.memory_space<vmem>>, vector<1x16xf32>,
        %get3A_515 = vector.shape_cast %get3A_514 : vector<1x16xf32> to vector<16xf32>
        %get3A_516 = arith.constant 8 : i32
        %get3A_517 = arith.index_cast %get3A_516 : i32 to index
        %get3A_518 = arith.index_cast %mul3A_365 : i32 to index
        %get3A_519 = tpu.vector_load %arg11[%get3A_517, %get3A_518] {strides = array<i32>} : memref<32x768xf32, #tpu.memory_space<vmem>>, vector<1x16xf32>,
        %get3A_520 = vector.shape_cast %get3A_519 : vector<1x16xf32> to vector<16xf32>
        %add3A_521 = arith.addf %get3A_515, %get3A_520 : vector<16xf32>
        %add3A_522 = arith.addf %add3A_521, %get3A_367 : vector<16xf32>
        %swap3A_523 = arith.constant 8 : i32
        %swap3A_524 = arith.index_cast %swap3A_523 : i32 to index
        %swap3A_525 = arith.index_cast %mul3A_365 : i32 to index
        %swap3A_526 = tpu.vector_load %arg9[%swap3A_524, %swap3A_525] {strides = array<i32>} : memref<32x768xf32, #tpu.memory_space<vmem>>, vector<1x16xf32>,
        %swap3A_527 = vector.shape_cast %swap3A_526 : vector<1x16xf32> to vector<16xf32>
        %swap3A_528 = vector.shape_cast %add3A_522 : vector<16xf32> to vector<1x16xf32>
        tpu.vector_store %arg9[%swap3A_524, %swap3A_525], %swap3A_528 {strides = array<i32>} : memref<32x768xf32, #tpu.memory_space<vmem>>, vector<1x16xf32>,
        %get3A_529 = arith.constant 9 : i32
        %get3A_530 = arith.index_cast %get3A_529 : i32 to index
        %get3A_531 = arith.index_cast %mul3A_365 : i32 to index
        %get3A_532 = tpu.vector_load %arg9[%get3A_530, %get3A_531] {strides = array<i32>} : memref<32x768xf32, #tpu.memory_space<vmem>>, vector<1x16xf32>,
        %get3A_533 = vector.shape_cast %get3A_532 : vector<1x16xf32> to vector<16xf32>
        %get3A_534 = arith.constant 9 : i32
        %get3A_535 = arith.index_cast %get3A_534 : i32 to index
        %get3A_536 = arith.index_cast %mul3A_365 : i32 to index
        %get3A_537 = tpu.vector_load %arg11[%get3A_535, %get3A_536] {strides = array<i32>} : memref<32x768xf32, #tpu.memory_space<vmem>>, vector<1x16xf32>,
        %get3A_538 = vector.shape_cast %get3A_537 : vector<1x16xf32> to vector<16xf32>
        %add3A_539 = arith.addf %get3A_533, %get3A_538 : vector<16xf32>
        %add3A_540 = arith.addf %add3A_539, %get3A_367 : vector<16xf32>
        %swap3A_541 = arith.constant 9 : i32
        %swap3A_542 = arith.index_cast %swap3A_541 : i32 to index
        %swap3A_543 = arith.index_cast %mul3A_365 : i32 to index
        %swap3A_544 = tpu.vector_load %arg9[%swap3A_542, %swap3A_543] {strides = array<i32>} : memref<32x768xf32, #tpu.memory_space<vmem>>, vector<1x16xf32>,
        %swap3A_545 = vector.shape_cast %swap3A_544 : vector<1x16xf32> to vector<16xf32>
        %swap3A_546 = vector.shape_cast %add3A_540 : vector<16xf32> to vector<1x16xf32>
        tpu.vector_store %arg9[%swap3A_542, %swap3A_543], %swap3A_546 {strides = array<i32>} : memref<32x768xf32, #tpu.memory_space<vmem>>, vector<1x16xf32>,
        %get3A_547 = arith.constant 10 : i32
        %get3A_548 = arith.index_cast %get3A_547 : i32 to index
        %get3A_549 = arith.index_cast %mul3A_365 : i32 to index
        %get3A_550 = tpu.vector_load %arg9[%get3A_548, %get3A_549] {strides = array<i32>} : memref<32x768xf32, #tpu.memory_space<vmem>>, vector<1x16xf32>,
        %get3A_551 = vector.shape_cast %get3A_550 : vector<1x16xf32> to vector<16xf32>
        %get3A_552 = arith.constant 10 : i32
        %get3A_553 = arith.index_cast %get3A_552 : i32 to index
        %get3A_554 = arith.index_cast %mul3A_365 : i32 to index
        %get3A_555 = tpu.vector_load %arg11[%get3A_553, %get3A_554] {strides = array<i32>} : memref<32x768xf32, #tpu.memory_space<vmem>>, vector<1x16xf32>,
        %get3A_556 = vector.shape_cast %get3A_555 : vector<1x16xf32> to vector<16xf32>
        %add3A_557 = arith.addf %get3A_551, %get3A_556 : vector<16xf32>
        %add3A_558 = arith.addf %add3A_557, %get3A_367 : vector<16xf32>
        %swap3A_559 = arith.constant 10 : i32
        %swap3A_560 = arith.index_cast %swap3A_559 : i32 to index
        %swap3A_561 = arith.index_cast %mul3A_365 : i32 to index
        %swap3A_562 = tpu.vector_load %arg9[%swap3A_560, %swap3A_561] {strides = array<i32>} : memref<32x768xf32, #tpu.memory_space<vmem>>, vector<1x16xf32>,
        %swap3A_563 = vector.shape_cast %swap3A_562 : vector<1x16xf32> to vector<16xf32>
        %swap3A_564 = vector.shape_cast %add3A_558 : vector<16xf32> to vector<1x16xf32>
        tpu.vector_store %arg9[%swap3A_560, %swap3A_561], %swap3A_564 {strides = array<i32>} : memref<32x768xf32, #tpu.memory_space<vmem>>, vector<1x16xf32>,
        %get3A_565 = arith.constant 11 : i32
        %get3A_566 = arith.index_cast %get3A_565 : i32 to index
        %get3A_567 = arith.index_cast %mul3A_365 : i32 to index
        %get3A_568 = tpu.vector_load %arg9[%get3A_566, %get3A_567] {strides = array<i32>} : memref<32x768xf32, #tpu.memory_space<vmem>>, vector<1x16xf32>,
        %get3A_569 = vector.shape_cast %get3A_568 : vector<1x16xf32> to vector<16xf32>
        %get3A_570 = arith.constant 11 : i32
        %get3A_571 = arith.index_cast %get3A_570 : i32 to index
        %get3A_572 = arith.index_cast %mul3A_365 : i32 to index
        %get3A_573 = tpu.vector_load %arg11[%get3A_571, %get3A_572] {strides = array<i32>} : memref<32x768xf32, #tpu.memory_space<vmem>>, vector<1x16xf32>,
        %get3A_574 = vector.shape_cast %get3A_573 : vector<1x16xf32> to vector<16xf32>
        %add3A_575 = arith.addf %get3A_569, %get3A_574 : vector<16xf32>
        %add3A_576 = arith.addf %add3A_575, %get3A_367 : vector<16xf32>
        %swap3A_577 = arith.constant 11 : i32
        %swap3A_578 = arith.index_cast %swap3A_577 : i32 to index
        %swap3A_579 = arith.index_cast %mul3A_365 : i32 to index
        %swap3A_580 = tpu.vector_load %arg9[%swap3A_578, %swap3A_579] {strides = array<i32>} : memref<32x768xf32, #tpu.memory_space<vmem>>, vector<1x16xf32>,
        %swap3A_581 = vector.shape_cast %swap3A_580 : vector<1x16xf32> to vector<16xf32>
        %swap3A_582 = vector.shape_cast %add3A_576 : vector<16xf32> to vector<1x16xf32>
        tpu.vector_store %arg9[%swap3A_578, %swap3A_579], %swap3A_582 {strides = array<i32>} : memref<32x768xf32, #tpu.memory_space<vmem>>, vector<1x16xf32>,
        %get3A_583 = arith.constant 12 : i32
        %get3A_584 = arith.index_cast %get3A_583 : i32 to index
        %get3A_585 = arith.index_cast %mul3A_365 : i32 to index
        %get3A_586 = tpu.vector_load %arg9[%get3A_584, %get3A_585] {strides = array<i32>} : memref<32x768xf32, #tpu.memory_space<vmem>>, vector<1x16xf32>,
        %get3A_587 = vector.shape_cast %get3A_586 : vector<1x16xf32> to vector<16xf32>
        %get3A_588 = arith.constant 12 : i32
        %get3A_589 = arith.index_cast %get3A_588 : i32 to index
        %get3A_590 = arith.index_cast %mul3A_365 : i32 to index
        %get3A_591 = tpu.vector_load %arg11[%get3A_589, %get3A_590] {strides = array<i32>} : memref<32x768xf32, #tpu.memory_space<vmem>>, vector<1x16xf32>,
        %get3A_592 = vector.shape_cast %get3A_591 : vector<1x16xf32> to vector<16xf32>
        %add3A_593 = arith.addf %get3A_587, %get3A_592 : vector<16xf32>
        %add3A_594 = arith.addf %add3A_593, %get3A_367 : vector<16xf32>
        %swap3A_595 = arith.constant 12 : i32
        %swap3A_596 = arith.index_cast %swap3A_595 : i32 to index
        %swap3A_597 = arith.index_cast %mul3A_365 : i32 to index
        %swap3A_598 = tpu.vector_load %arg9[%swap3A_596, %swap3A_597] {strides = array<i32>} : memref<32x768xf32, #tpu.memory_space<vmem>>, vector<1x16xf32>,
        %swap3A_599 = vector.shape_cast %swap3A_598 : vector<1x16xf32> to vector<16xf32>
        %swap3A_600 = vector.shape_cast %add3A_594 : vector<16xf32> to vector<1x16xf32>
        tpu.vector_store %arg9[%swap3A_596, %swap3A_597], %swap3A_600 {strides = array<i32>} : memref<32x768xf32, #tpu.memory_space<vmem>>, vector<1x16xf32>,
        %get3A_601 = arith.constant 13 : i32
        %get3A_602 = arith.index_cast %get3A_601 : i32 to index
        %get3A_603 = arith.index_cast %mul3A_365 : i32 to index
        %get3A_604 = tpu.vector_load %arg9[%get3A_602, %get3A_603] {strides = array<i32>} : memref<32x768xf32, #tpu.memory_space<vmem>>, vector<1x16xf32>,
        %get3A_605 = vector.shape_cast %get3A_604 : vector<1x16xf32> to vector<16xf32>
        %get3A_606 = arith.constant 13 : i32
        %get3A_607 = arith.index_cast %get3A_606 : i32 to index
        %get3A_608 = arith.index_cast %mul3A_365 : i32 to index
        %get3A_609 = tpu.vector_load %arg11[%get3A_607, %get3A_608] {strides = array<i32>} : memref<32x768xf32, #tpu.memory_space<vmem>>, vector<1x16xf32>,
        %get3A_610 = vector.shape_cast %get3A_609 : vector<1x16xf32> to vector<16xf32>
        %add3A_611 = arith.addf %get3A_605, %get3A_610 : vector<16xf32>
        %add3A_612 = arith.addf %add3A_611, %get3A_367 : vector<16xf32>
        %swap3A_613 = arith.constant 13 : i32
        %swap3A_614 = arith.index_cast %swap3A_613 : i32 to index
        %swap3A_615 = arith.index_cast %mul3A_365 : i32 to index
        %swap3A_616 = tpu.vector_load %arg9[%swap3A_614, %swap3A_615] {strides = array<i32>} : memref<32x768xf32, #tpu.memory_space<vmem>>, vector<1x16xf32>,
        %swap3A_617 = vector.shape_cast %swap3A_616 : vector<1x16xf32> to vector<16xf32>
        %swap3A_618 = vector.shape_cast %add3A_612 : vector<16xf32> to vector<1x16xf32>
        tpu.vector_store %arg9[%swap3A_614, %swap3A_615], %swap3A_618 {strides = array<i32>} : memref<32x768xf32, #tpu.memory_space<vmem>>, vector<1x16xf32>,
        %get3A_619 = arith.constant 14 : i32
        %get3A_620 = arith.index_cast %get3A_619 : i32 to index
        %get3A_621 = arith.index_cast %mul3A_365 : i32 to index
        %get3A_622 = tpu.vector_load %arg9[%get3A_620, %get3A_621] {strides = array<i32>} : memref<32x768xf32, #tpu.memory_space<vmem>>, vector<1x16xf32>,
        %get3A_623 = vector.shape_cast %get3A_622 : vector<1x16xf32> to vector<16xf32>
        %get3A_624 = arith.constant 14 : i32
        %get3A_625 = arith.index_cast %get3A_624 : i32 to index
        %get3A_626 = arith.index_cast %mul3A_365 : i32 to index
        %get3A_627 = tpu.vector_load %arg11[%get3A_625, %get3A_626] {strides = array<i32>} : memref<32x768xf32, #tpu.memory_space<vmem>>, vector<1x16xf32>,
        %get3A_628 = vector.shape_cast %get3A_627 : vector<1x16xf32> to vector<16xf32>
        %add3A_629 = arith.addf %get3A_623, %get3A_628 : vector<16xf32>
        %add3A_630 = arith.addf %add3A_629, %get3A_367 : vector<16xf32>
        %swap3A_631 = arith.constant 14 : i32
        %swap3A_632 = arith.index_cast %swap3A_631 : i32 to index
        %swap3A_633 = arith.index_cast %mul3A_365 : i32 to index
        %swap3A_634 = tpu.vector_load %arg9[%swap3A_632, %swap3A_633] {strides = array<i32>} : memref<32x768xf32, #tpu.memory_space<vmem>>, vector<1x16xf32>,
        %swap3A_635 = vector.shape_cast %swap3A_634 : vector<1x16xf32> to vector<16xf32>
        %swap3A_636 = vector.shape_cast %add3A_630 : vector<16xf32> to vector<1x16xf32>
        tpu.vector_store %arg9[%swap3A_632, %swap3A_633], %swap3A_636 {strides = array<i32>} : memref<32x768xf32, #tpu.memory_space<vmem>>, vector<1x16xf32>,
        %get3A_637 = arith.constant 15 : i32
        %get3A_638 = arith.index_cast %get3A_637 : i32 to index
        %get3A_639 = arith.index_cast %mul3A_365 : i32 to index
        %get3A_640 = tpu.vector_load %arg9[%get3A_638, %get3A_639] {strides = array<i32>} : memref<32x768xf32, #tpu.memory_space<vmem>>, vector<1x16xf32>,
        %get3A_641 = vector.shape_cast %get3A_640 : vector<1x16xf32> to vector<16xf32>
        %get3A_642 = arith.constant 15 : i32
        %get3A_643 = arith.index_cast %get3A_642 : i32 to index
        %get3A_644 = arith.index_cast %mul3A_365 : i32 to index
        %get3A_645 = tpu.vector_load %arg11[%get3A_643, %get3A_644] {strides = array<i32>} : memref<32x768xf32, #tpu.memory_space<vmem>>, vector<1x16xf32>,
        %get3A_646 = vector.shape_cast %get3A_645 : vector<1x16xf32> to vector<16xf32>
        %add3A_647 = arith.addf %get3A_641, %get3A_646 : vector<16xf32>
        %add3A_648 = arith.addf %add3A_647, %get3A_367 : vector<16xf32>
        %swap3A_649 = arith.constant 15 : i32
        %swap3A_650 = arith.index_cast %swap3A_649 : i32 to index
        %swap3A_651 = arith.index_cast %mul3A_365 : i32 to index
        %swap3A_652 = tpu.vector_load %arg9[%swap3A_650, %swap3A_651] {strides = array<i32>} : memref<32x768xf32, #tpu.memory_space<vmem>>, vector<1x16xf32>,
        %swap3A_653 = vector.shape_cast %swap3A_652 : vector<1x16xf32> to vector<16xf32>
        %swap3A_654 = vector.shape_cast %add3A_648 : vector<16xf32> to vector<1x16xf32>
        tpu.vector_store %arg9[%swap3A_650, %swap3A_651], %swap3A_654 {strides = array<i32>} : memref<32x768xf32, #tpu.memory_space<vmem>>, vector<1x16xf32>,
        %get3A_655 = arith.constant 16 : i32
        %get3A_656 = arith.index_cast %get3A_655 : i32 to index
        %get3A_657 = arith.index_cast %mul3A_365 : i32 to index
        %get3A_658 = tpu.vector_load %arg9[%get3A_656, %get3A_657] {strides = array<i32>} : memref<32x768xf32, #tpu.memory_space<vmem>>, vector<1x16xf32>,
        %get3A_659 = vector.shape_cast %get3A_658 : vector<1x16xf32> to vector<16xf32>
        %get3A_660 = arith.constant 16 : i32
        %get3A_661 = arith.index_cast %get3A_660 : i32 to index
        %get3A_662 = arith.index_cast %mul3A_365 : i32 to index
        %get3A_663 = tpu.vector_load %arg11[%get3A_661, %get3A_662] {strides = array<i32>} : memref<32x768xf32, #tpu.memory_space<vmem>>, vector<1x16xf32>,
        %get3A_664 = vector.shape_cast %get3A_663 : vector<1x16xf32> to vector<16xf32>
        %add3A_665 = arith.addf %get3A_659, %get3A_664 : vector<16xf32>
        %add3A_666 = arith.addf %add3A_665, %get3A_367 : vector<16xf32>
        %swap3A_667 = arith.constant 16 : i32
        %swap3A_668 = arith.index_cast %swap3A_667 : i32 to index
        %swap3A_669 = arith.index_cast %mul3A_365 : i32 to index
        %swap3A_670 = tpu.vector_load %arg9[%swap3A_668, %swap3A_669] {strides = array<i32>} : memref<32x768xf32, #tpu.memory_space<vmem>>, vector<1x16xf32>,
        %swap3A_671 = vector.shape_cast %swap3A_670 : vector<1x16xf32> to vector<16xf32>
        %swap3A_672 = vector.shape_cast %add3A_666 : vector<16xf32> to vector<1x16xf32>
        tpu.vector_store %arg9[%swap3A_668, %swap3A_669], %swap3A_672 {strides = array<i32>} : memref<32x768xf32, #tpu.memory_space<vmem>>, vector<1x16xf32>,
        %get3A_673 = arith.constant 17 : i32
        %get3A_674 = arith.index_cast %get3A_673 : i32 to index
        %get3A_675 = arith.index_cast %mul3A_365 : i32 to index
        %get3A_676 = tpu.vector_load %arg9[%get3A_674, %get3A_675] {strides = array<i32>} : memref<32x768xf32, #tpu.memory_space<vmem>>, vector<1x16xf32>,
        %get3A_677 = vector.shape_cast %get3A_676 : vector<1x16xf32> to vector<16xf32>
        %get3A_678 = arith.constant 17 : i32
        %get3A_679 = arith.index_cast %get3A_678 : i32 to index
        %get3A_680 = arith.index_cast %mul3A_365 : i32 to index
        %get3A_681 = tpu.vector_load %arg11[%get3A_679, %get3A_680] {strides = array<i32>} : memref<32x768xf32, #tpu.memory_space<vmem>>, vector<1x16xf32>,
        %get3A_682 = vector.shape_cast %get3A_681 : vector<1x16xf32> to vector<16xf32>
        %add3A_683 = arith.addf %get3A_677, %get3A_682 : vector<16xf32>
        %add3A_684 = arith.addf %add3A_683, %get3A_367 : vector<16xf32>
        %swap3A_685 = arith.constant 17 : i32
        %swap3A_686 = arith.index_cast %swap3A_685 : i32 to index
        %swap3A_687 = arith.index_cast %mul3A_365 : i32 to index
        %swap3A_688 = tpu.vector_load %arg9[%swap3A_686, %swap3A_687] {strides = array<i32>} : memref<32x768xf32, #tpu.memory_space<vmem>>, vector<1x16xf32>,
        %swap3A_689 = vector.shape_cast %swap3A_688 : vector<1x16xf32> to vector<16xf32>
        %swap3A_690 = vector.shape_cast %add3A_684 : vector<16xf32> to vector<1x16xf32>
        tpu.vector_store %arg9[%swap3A_686, %swap3A_687], %swap3A_690 {strides = array<i32>} : memref<32x768xf32, #tpu.memory_space<vmem>>, vector<1x16xf32>,
        %get3A_691 = arith.constant 18 : i32
        %get3A_692 = arith.index_cast %get3A_691 : i32 to index
        %get3A_693 = arith.index_cast %mul3A_365 : i32 to index
        %get3A_694 = tpu.vector_load %arg9[%get3A_692, %get3A_693] {strides = array<i32>} : memref<32x768xf32, #tpu.memory_space<vmem>>, vector<1x16xf32>,
        %get3A_695 = vector.shape_cast %get3A_694 : vector<1x16xf32> to vector<16xf32>
        %get3A_696 = arith.constant 18 : i32
        %get3A_697 = arith.index_cast %get3A_696 : i32 to index
        %get3A_698 = arith.index_cast %mul3A_365 : i32 to index
        %get3A_699 = tpu.vector_load %arg11[%get3A_697, %get3A_698] {strides = array<i32>} : memref<32x768xf32, #tpu.memory_space<vmem>>, vector<1x16xf32>,
        %get3A_700 = vector.shape_cast %get3A_699 : vector<1x16xf32> to vector<16xf32>
        %add3A_701 = arith.addf %get3A_695, %get3A_700 : vector<16xf32>
        %add3A_702 = arith.addf %add3A_701, %get3A_367 : vector<16xf32>
        %swap3A_703 = arith.constant 18 : i32
        %swap3A_704 = arith.index_cast %swap3A_703 : i32 to index
        %swap3A_705 = arith.index_cast %mul3A_365 : i32 to index
        %swap3A_706 = tpu.vector_load %arg9[%swap3A_704, %swap3A_705] {strides = array<i32>} : memref<32x768xf32, #tpu.memory_space<vmem>>, vector<1x16xf32>,
        %swap3A_707 = vector.shape_cast %swap3A_706 : vector<1x16xf32> to vector<16xf32>
        %swap3A_708 = vector.shape_cast %add3A_702 : vector<16xf32> to vector<1x16xf32>
        tpu.vector_store %arg9[%swap3A_704, %swap3A_705], %swap3A_708 {strides = array<i32>} : memref<32x768xf32, #tpu.memory_space<vmem>>, vector<1x16xf32>,
        %get3A_709 = arith.constant 19 : i32
        %get3A_710 = arith.index_cast %get3A_709 : i32 to index
        %get3A_711 = arith.index_cast %mul3A_365 : i32 to index
        %get3A_712 = tpu.vector_load %arg9[%get3A_710, %get3A_711] {strides = array<i32>} : memref<32x768xf32, #tpu.memory_space<vmem>>, vector<1x16xf32>,
        %get3A_713 = vector.shape_cast %get3A_712 : vector<1x16xf32> to vector<16xf32>
        %get3A_714 = arith.constant 19 : i32
        %get3A_715 = arith.index_cast %get3A_714 : i32 to index
        %get3A_716 = arith.index_cast %mul3A_365 : i32 to index
        %get3A_717 = tpu.vector_load %arg11[%get3A_715, %get3A_716] {strides = array<i32>} : memref<32x768xf32, #tpu.memory_space<vmem>>, vector<1x16xf32>,
        %get3A_718 = vector.shape_cast %get3A_717 : vector<1x16xf32> to vector<16xf32>
        %add3A_719 = arith.addf %get3A_713, %get3A_718 : vector<16xf32>
        %add3A_720 = arith.addf %add3A_719, %get3A_367 : vector<16xf32>
        %swap3A_721 = arith.constant 19 : i32
        %swap3A_722 = arith.index_cast %swap3A_721 : i32 to index
        %swap3A_723 = arith.index_cast %mul3A_365 : i32 to index
        %swap3A_724 = tpu.vector_load %arg9[%swap3A_722, %swap3A_723] {strides = array<i32>} : memref<32x768xf32, #tpu.memory_space<vmem>>, vector<1x16xf32>,
        %swap3A_725 = vector.shape_cast %swap3A_724 : vector<1x16xf32> to vector<16xf32>
        %swap3A_726 = vector.shape_cast %add3A_720 : vector<16xf32> to vector<1x16xf32>
        tpu.vector_store %arg9[%swap3A_722, %swap3A_723], %swap3A_726 {strides = array<i32>} : memref<32x768xf32, #tpu.memory_space<vmem>>, vector<1x16xf32>,
        %get3A_727 = arith.constant 20 : i32
        %get3A_728 = arith.index_cast %get3A_727 : i32 to index
        %get3A_729 = arith.index_cast %mul3A_365 : i32 to index
        %get3A_730 = tpu.vector_load %arg9[%get3A_728, %get3A_729] {strides = array<i32>} : memref<32x768xf32, #tpu.memory_space<vmem>>, vector<1x16xf32>,
        %get3A_731 = vector.shape_cast %get3A_730 : vector<1x16xf32> to vector<16xf32>
        %get3A_732 = arith.constant 20 : i32
        %get3A_733 = arith.index_cast %get3A_732 : i32 to index
        %get3A_734 = arith.index_cast %mul3A_365 : i32 to index
        %get3A_735 = tpu.vector_load %arg11[%get3A_733, %get3A_734] {strides = array<i32>} : memref<32x768xf32, #tpu.memory_space<vmem>>, vector<1x16xf32>,
        %get3A_736 = vector.shape_cast %get3A_735 : vector<1x16xf32> to vector<16xf32>
        %add3A_737 = arith.addf %get3A_731, %get3A_736 : vector<16xf32>
        %add3A_738 = arith.addf %add3A_737, %get3A_367 : vector<16xf32>
        %swap3A_739 = arith.constant 20 : i32
        %swap3A_740 = arith.index_cast %swap3A_739 : i32 to index
        %swap3A_741 = arith.index_cast %mul3A_365 : i32 to index
        %swap3A_742 = tpu.vector_load %arg9[%swap3A_740, %swap3A_741] {strides = array<i32>} : memref<32x768xf32, #tpu.memory_space<vmem>>, vector<1x16xf32>,
        %swap3A_743 = vector.shape_cast %swap3A_742 : vector<1x16xf32> to vector<16xf32>
        %swap3A_744 = vector.shape_cast %add3A_738 : vector<16xf32> to vector<1x16xf32>
        tpu.vector_store %arg9[%swap3A_740, %swap3A_741], %swap3A_744 {strides = array<i32>} : memref<32x768xf32, #tpu.memory_space<vmem>>, vector<1x16xf32>,
        %get3A_745 = arith.constant 21 : i32
        %get3A_746 = arith.index_cast %get3A_745 : i32 to index
        %get3A_747 = arith.index_cast %mul3A_365 : i32 to index
        %get3A_748 = tpu.vector_load %arg9[%get3A_746, %get3A_747] {strides = array<i32>} : memref<32x768xf32, #tpu.memory_space<vmem>>, vector<1x16xf32>,
        %get3A_749 = vector.shape_cast %get3A_748 : vector<1x16xf32> to vector<16xf32>
        %get3A_750 = arith.constant 21 : i32
        %get3A_751 = arith.index_cast %get3A_750 : i32 to index
        %get3A_752 = arith.index_cast %mul3A_365 : i32 to index
        %get3A_753 = tpu.vector_load %arg11[%get3A_751, %get3A_752] {strides = array<i32>} : memref<32x768xf32, #tpu.memory_space<vmem>>, vector<1x16xf32>,
        %get3A_754 = vector.shape_cast %get3A_753 : vector<1x16xf32> to vector<16xf32>
        %add3A_755 = arith.addf %get3A_749, %get3A_754 : vector<16xf32>
        %add3A_756 = arith.addf %add3A_755, %get3A_367 : vector<16xf32>
        %swap3A_757 = arith.constant 21 : i32
        %swap3A_758 = arith.index_cast %swap3A_757 : i32 to index
        %swap3A_759 = arith.index_cast %mul3A_365 : i32 to index
        %swap3A_760 = tpu.vector_load %arg9[%swap3A_758, %swap3A_759] {strides = array<i32>} : memref<32x768xf32, #tpu.memory_space<vmem>>, vector<1x16xf32>,
        %swap3A_761 = vector.shape_cast %swap3A_760 : vector<1x16xf32> to vector<16xf32>
        %swap3A_762 = vector.shape_cast %add3A_756 : vector<16xf32> to vector<1x16xf32>
        tpu.vector_store %arg9[%swap3A_758, %swap3A_759], %swap3A_762 {strides = array<i32>} : memref<32x768xf32, #tpu.memory_space<vmem>>, vector<1x16xf32>,
        %get3A_763 = arith.constant 22 : i32
        %get3A_764 = arith.index_cast %get3A_763 : i32 to index
        %get3A_765 = arith.index_cast %mul3A_365 : i32 to index
        %get3A_766 = tpu.vector_load %arg9[%get3A_764, %get3A_765] {strides = array<i32>} : memref<32x768xf32, #tpu.memory_space<vmem>>, vector<1x16xf32>,
        %get3A_767 = vector.shape_cast %get3A_766 : vector<1x16xf32> to vector<16xf32>
        %get3A_768 = arith.constant 22 : i32
        %get3A_769 = arith.index_cast %get3A_768 : i32 to index
        %get3A_770 = arith.index_cast %mul3A_365 : i32 to index
        %get3A_771 = tpu.vector_load %arg11[%get3A_769, %get3A_770] {strides = array<i32>} : memref<32x768xf32, #tpu.memory_space<vmem>>, vector<1x16xf32>,
        %get3A_772 = vector.shape_cast %get3A_771 : vector<1x16xf32> to vector<16xf32>
        %add3A_773 = arith.addf %get3A_767, %get3A_772 : vector<16xf32>
        %add3A_774 = arith.addf %add3A_773, %get3A_367 : vector<16xf32>
        %swap3A_775 = arith.constant 22 : i32
        %swap3A_776 = arith.index_cast %swap3A_775 : i32 to index
        %swap3A_777 = arith.index_cast %mul3A_365 : i32 to index
        %swap3A_778 = tpu.vector_load %arg9[%swap3A_776, %swap3A_777] {strides = array<i32>} : memref<32x768xf32, #tpu.memory_space<vmem>>, vector<1x16xf32>,
        %swap3A_779 = vector.shape_cast %swap3A_778 : vector<1x16xf32> to vector<16xf32>
        %swap3A_780 = vector.shape_cast %add3A_774 : vector<16xf32> to vector<1x16xf32>
        tpu.vector_store %arg9[%swap3A_776, %swap3A_777], %swap3A_780 {strides = array<i32>} : memref<32x768xf32, #tpu.memory_space<vmem>>, vector<1x16xf32>,
        %get3A_781 = arith.constant 23 : i32
        %get3A_782 = arith.index_cast %get3A_781 : i32 to index
        %get3A_783 = arith.index_cast %mul3A_365 : i32 to index
        %get3A_784 = tpu.vector_load %arg9[%get3A_782, %get3A_783] {strides = array<i32>} : memref<32x768xf32, #tpu.memory_space<vmem>>, vector<1x16xf32>,
        %get3A_785 = vector.shape_cast %get3A_784 : vector<1x16xf32> to vector<16xf32>
        %get3A_786 = arith.constant 23 : i32
        %get3A_787 = arith.index_cast %get3A_786 : i32 to index
        %get3A_788 = arith.index_cast %mul3A_365 : i32 to index
        %get3A_789 = tpu.vector_load %arg11[%get3A_787, %get3A_788] {strides = array<i32>} : memref<32x768xf32, #tpu.memory_space<vmem>>, vector<1x16xf32>,
        %get3A_790 = vector.shape_cast %get3A_789 : vector<1x16xf32> to vector<16xf32>
        %add3A_791 = arith.addf %get3A_785, %get3A_790 : vector<16xf32>
        %add3A_792 = arith.addf %add3A_791, %get3A_367 : vector<16xf32>
        %swap3A_793 = arith.constant 23 : i32
        %swap3A_794 = arith.index_cast %swap3A_793 : i32 to index
        %swap3A_795 = arith.index_cast %mul3A_365 : i32 to index
        %swap3A_796 = tpu.vector_load %arg9[%swap3A_794, %swap3A_795] {strides = array<i32>} : memref<32x768xf32, #tpu.memory_space<vmem>>, vector<1x16xf32>,
        %swap3A_797 = vector.shape_cast %swap3A_796 : vector<1x16xf32> to vector<16xf32>
        %swap3A_798 = vector.shape_cast %add3A_792 : vector<16xf32> to vector<1x16xf32>
        tpu.vector_store %arg9[%swap3A_794, %swap3A_795], %swap3A_798 {strides = array<i32>} : memref<32x768xf32, #tpu.memory_space<vmem>>, vector<1x16xf32>,
        %get3A_799 = arith.constant 24 : i32
        %get3A_800 = arith.index_cast %get3A_799 : i32 to index
        %get3A_801 = arith.index_cast %mul3A_365 : i32 to index
        %get3A_802 = tpu.vector_load %arg9[%get3A_800, %get3A_801] {strides = array<i32>} : memref<32x768xf32, #tpu.memory_space<vmem>>, vector<1x16xf32>,
        %get3A_803 = vector.shape_cast %get3A_802 : vector<1x16xf32> to vector<16xf32>
        %get3A_804 = arith.constant 24 : i32
        %get3A_805 = arith.index_cast %get3A_804 : i32 to index
        %get3A_806 = arith.index_cast %mul3A_365 : i32 to index
        %get3A_807 = tpu.vector_load %arg11[%get3A_805, %get3A_806] {strides = array<i32>} : memref<32x768xf32, #tpu.memory_space<vmem>>, vector<1x16xf32>,
        %get3A_808 = vector.shape_cast %get3A_807 : vector<1x16xf32> to vector<16xf32>
        %add3A_809 = arith.addf %get3A_803, %get3A_808 : vector<16xf32>
        %add3A_810 = arith.addf %add3A_809, %get3A_367 : vector<16xf32>
        %swap3A_811 = arith.constant 24 : i32
        %swap3A_812 = arith.index_cast %swap3A_811 : i32 to index
        %swap3A_813 = arith.index_cast %mul3A_365 : i32 to index
        %swap3A_814 = tpu.vector_load %arg9[%swap3A_812, %swap3A_813] {strides = array<i32>} : memref<32x768xf32, #tpu.memory_space<vmem>>, vector<1x16xf32>,
        %swap3A_815 = vector.shape_cast %swap3A_814 : vector<1x16xf32> to vector<16xf32>
        %swap3A_816 = vector.shape_cast %add3A_810 : vector<16xf32> to vector<1x16xf32>
        tpu.vector_store %arg9[%swap3A_812, %swap3A_813], %swap3A_816 {strides = array<i32>} : memref<32x768xf32, #tpu.memory_space<vmem>>, vector<1x16xf32>,
        %get3A_817 = arith.constant 25 : i32
        %get3A_818 = arith.index_cast %get3A_817 : i32 to index
        %get3A_819 = arith.index_cast %mul3A_365 : i32 to index
        %get3A_820 = tpu.vector_load %arg9[%get3A_818, %get3A_819] {strides = array<i32>} : memref<32x768xf32, #tpu.memory_space<vmem>>, vector<1x16xf32>,
        %get3A_821 = vector.shape_cast %get3A_820 : vector<1x16xf32> to vector<16xf32>
        %get3A_822 = arith.constant 25 : i32
        %get3A_823 = arith.index_cast %get3A_822 : i32 to index
        %get3A_824 = arith.index_cast %mul3A_365 : i32 to index
        %get3A_825 = tpu.vector_load %arg11[%get3A_823, %get3A_824] {strides = array<i32>} : memref<32x768xf32, #tpu.memory_space<vmem>>, vector<1x16xf32>,
        %get3A_826 = vector.shape_cast %get3A_825 : vector<1x16xf32> to vector<16xf32>
        %add3A_827 = arith.addf %get3A_821, %get3A_826 : vector<16xf32>
        %add3A_828 = arith.addf %add3A_827, %get3A_367 : vector<16xf32>
        %swap3A_829 = arith.constant 25 : i32
        %swap3A_830 = arith.index_cast %swap3A_829 : i32 to index
        %swap3A_831 = arith.index_cast %mul3A_365 : i32 to index
        %swap3A_832 = tpu.vector_load %arg9[%swap3A_830, %swap3A_831] {strides = array<i32>} : memref<32x768xf32, #tpu.memory_space<vmem>>, vector<1x16xf32>,
        %swap3A_833 = vector.shape_cast %swap3A_832 : vector<1x16xf32> to vector<16xf32>
        %swap3A_834 = vector.shape_cast %add3A_828 : vector<16xf32> to vector<1x16xf32>
        tpu.vector_store %arg9[%swap3A_830, %swap3A_831], %swap3A_834 {strides = array<i32>} : memref<32x768xf32, #tpu.memory_space<vmem>>, vector<1x16xf32>,
        %get3A_835 = arith.constant 26 : i32
        %get3A_836 = arith.index_cast %get3A_835 : i32 to index
        %get3A_837 = arith.index_cast %mul3A_365 : i32 to index
        %get3A_838 = tpu.vector_load %arg9[%get3A_836, %get3A_837] {strides = array<i32>} : memref<32x768xf32, #tpu.memory_space<vmem>>, vector<1x16xf32>,
        %get3A_839 = vector.shape_cast %get3A_838 : vector<1x16xf32> to vector<16xf32>
        %get3A_840 = arith.constant 26 : i32
        %get3A_841 = arith.index_cast %get3A_840 : i32 to index
        %get3A_842 = arith.index_cast %mul3A_365 : i32 to index
        %get3A_843 = tpu.vector_load %arg11[%get3A_841, %get3A_842] {strides = array<i32>} : memref<32x768xf32, #tpu.memory_space<vmem>>, vector<1x16xf32>,
        %get3A_844 = vector.shape_cast %get3A_843 : vector<1x16xf32> to vector<16xf32>
        %add3A_845 = arith.addf %get3A_839, %get3A_844 : vector<16xf32>
        %add3A_846 = arith.addf %add3A_845, %get3A_367 : vector<16xf32>
        %swap3A_847 = arith.constant 26 : i32
        %swap3A_848 = arith.index_cast %swap3A_847 : i32 to index
        %swap3A_849 = arith.index_cast %mul3A_365 : i32 to index
        %swap3A_850 = tpu.vector_load %arg9[%swap3A_848, %swap3A_849] {strides = array<i32>} : memref<32x768xf32, #tpu.memory_space<vmem>>, vector<1x16xf32>,
        %swap3A_851 = vector.shape_cast %swap3A_850 : vector<1x16xf32> to vector<16xf32>
        %swap3A_852 = vector.shape_cast %add3A_846 : vector<16xf32> to vector<1x16xf32>
        tpu.vector_store %arg9[%swap3A_848, %swap3A_849], %swap3A_852 {strides = array<i32>} : memref<32x768xf32, #tpu.memory_space<vmem>>, vector<1x16xf32>,
        %get3A_853 = arith.constant 27 : i32
        %get3A_854 = arith.index_cast %get3A_853 : i32 to index
        %get3A_855 = arith.index_cast %mul3A_365 : i32 to index
        %get3A_856 = tpu.vector_load %arg9[%get3A_854, %get3A_855] {strides = array<i32>} : memref<32x768xf32, #tpu.memory_space<vmem>>, vector<1x16xf32>,
        %get3A_857 = vector.shape_cast %get3A_856 : vector<1x16xf32> to vector<16xf32>
        %get3A_858 = arith.constant 27 : i32
        %get3A_859 = arith.index_cast %get3A_858 : i32 to index
        %get3A_860 = arith.index_cast %mul3A_365 : i32 to index
        %get3A_861 = tpu.vector_load %arg11[%get3A_859, %get3A_860] {strides = array<i32>} : memref<32x768xf32, #tpu.memory_space<vmem>>, vector<1x16xf32>,
        %get3A_862 = vector.shape_cast %get3A_861 : vector<1x16xf32> to vector<16xf32>
        %add3A_863 = arith.addf %get3A_857, %get3A_862 : vector<16xf32>
        %add3A_864 = arith.addf %add3A_863, %get3A_367 : vector<16xf32>
        %swap3A_865 = arith.constant 27 : i32
        %swap3A_866 = arith.index_cast %swap3A_865 : i32 to index
        %swap3A_867 = arith.index_cast %mul3A_365 : i32 to index
        %swap3A_868 = tpu.vector_load %arg9[%swap3A_866, %swap3A_867] {strides = array<i32>} : memref<32x768xf32, #tpu.memory_space<vmem>>, vector<1x16xf32>,
        %swap3A_869 = vector.shape_cast %swap3A_868 : vector<1x16xf32> to vector<16xf32>
        %swap3A_870 = vector.shape_cast %add3A_864 : vector<16xf32> to vector<1x16xf32>
        tpu.vector_store %arg9[%swap3A_866, %swap3A_867], %swap3A_870 {strides = array<i32>} : memref<32x768xf32, #tpu.memory_space<vmem>>, vector<1x16xf32>,
        %get3A_871 = arith.constant 28 : i32
        %get3A_872 = arith.index_cast %get3A_871 : i32 to index
        %get3A_873 = arith.index_cast %mul3A_365 : i32 to index
        %get3A_874 = tpu.vector_load %arg9[%get3A_872, %get3A_873] {strides = array<i32>} : memref<32x768xf32, #tpu.memory_space<vmem>>, vector<1x16xf32>,
        %get3A_875 = vector.shape_cast %get3A_874 : vector<1x16xf32> to vector<16xf32>
        %get3A_876 = arith.constant 28 : i32
        %get3A_877 = arith.index_cast %get3A_876 : i32 to index
        %get3A_878 = arith.index_cast %mul3A_365 : i32 to index
        %get3A_879 = tpu.vector_load %arg11[%get3A_877, %get3A_878] {strides = array<i32>} : memref<32x768xf32, #tpu.memory_space<vmem>>, vector<1x16xf32>,
        %get3A_880 = vector.shape_cast %get3A_879 : vector<1x16xf32> to vector<16xf32>
        %add3A_881 = arith.addf %get3A_875, %get3A_880 : vector<16xf32>
        %add3A_882 = arith.addf %add3A_881, %get3A_367 : vector<16xf32>
        %swap3A_883 = arith.constant 28 : i32
        %swap3A_884 = arith.index_cast %swap3A_883 : i32 to index
        %swap3A_885 = arith.index_cast %mul3A_365 : i32 to index
        %swap3A_886 = tpu.vector_load %arg9[%swap3A_884, %swap3A_885] {strides = array<i32>} : memref<32x768xf32, #tpu.memory_space<vmem>>, vector<1x16xf32>,
        %swap3A_887 = vector.shape_cast %swap3A_886 : vector<1x16xf32> to vector<16xf32>
        %swap3A_888 = vector.shape_cast %add3A_882 : vector<16xf32> to vector<1x16xf32>
        tpu.vector_store %arg9[%swap3A_884, %swap3A_885], %swap3A_888 {strides = array<i32>} : memref<32x768xf32, #tpu.memory_space<vmem>>, vector<1x16xf32>,
        %get3A_889 = arith.constant 29 : i32
        %get3A_890 = arith.index_cast %get3A_889 : i32 to index
        %get3A_891 = arith.index_cast %mul3A_365 : i32 to index
        %get3A_892 = tpu.vector_load %arg9[%get3A_890, %get3A_891] {strides = array<i32>} : memref<32x768xf32, #tpu.memory_space<vmem>>, vector<1x16xf32>,
        %get3A_893 = vector.shape_cast %get3A_892 : vector<1x16xf32> to vector<16xf32>
        %get3A_894 = arith.constant 29 : i32
        %get3A_895 = arith.index_cast %get3A_894 : i32 to index
        %get3A_896 = arith.index_cast %mul3A_365 : i32 to index
        %get3A_897 = tpu.vector_load %arg11[%get3A_895, %get3A_896] {strides = array<i32>} : memref<32x768xf32, #tpu.memory_space<vmem>>, vector<1x16xf32>,
        %get3A_898 = vector.shape_cast %get3A_897 : vector<1x16xf32> to vector<16xf32>
        %add3A_899 = arith.addf %get3A_893, %get3A_898 : vector<16xf32>
        %add3A_900 = arith.addf %add3A_899, %get3A_367 : vector<16xf32>
        %swap3A_901 = arith.constant 29 : i32
        %swap3A_902 = arith.index_cast %swap3A_901 : i32 to index
        %swap3A_903 = arith.index_cast %mul3A_365 : i32 to index
        %swap3A_904 = tpu.vector_load %arg9[%swap3A_902, %swap3A_903] {strides = array<i32>} : memref<32x768xf32, #tpu.memory_space<vmem>>, vector<1x16xf32>,
        %swap3A_905 = vector.shape_cast %swap3A_904 : vector<1x16xf32> to vector<16xf32>
        %swap3A_906 = vector.shape_cast %add3A_900 : vector<16xf32> to vector<1x16xf32>
        tpu.vector_store %arg9[%swap3A_902, %swap3A_903], %swap3A_906 {strides = array<i32>} : memref<32x768xf32, #tpu.memory_space<vmem>>, vector<1x16xf32>,
        %get3A_907 = arith.constant 30 : i32
        %get3A_908 = arith.index_cast %get3A_907 : i32 to index
        %get3A_909 = arith.index_cast %mul3A_365 : i32 to index
        %get3A_910 = tpu.vector_load %arg9[%get3A_908, %get3A_909] {strides = array<i32>} : memref<32x768xf32, #tpu.memory_space<vmem>>, vector<1x16xf32>,
        %get3A_911 = vector.shape_cast %get3A_910 : vector<1x16xf32> to vector<16xf32>
        %get3A_912 = arith.constant 30 : i32
        %get3A_913 = arith.index_cast %get3A_912 : i32 to index
        %get3A_914 = arith.index_cast %mul3A_365 : i32 to index
        %get3A_915 = tpu.vector_load %arg11[%get3A_913, %get3A_914] {strides = array<i32>} : memref<32x768xf32, #tpu.memory_space<vmem>>, vector<1x16xf32>,
        %get3A_916 = vector.shape_cast %get3A_915 : vector<1x16xf32> to vector<16xf32>
        %add3A_917 = arith.addf %get3A_911, %get3A_916 : vector<16xf32>
        %add3A_918 = arith.addf %add3A_917, %get3A_367 : vector<16xf32>
        %swap3A_919 = arith.constant 30 : i32
        %swap3A_920 = arith.index_cast %swap3A_919 : i32 to index
        %swap3A_921 = arith.index_cast %mul3A_365 : i32 to index
        %swap3A_922 = tpu.vector_load %arg9[%swap3A_920, %swap3A_921] {strides = array<i32>} : memref<32x768xf32, #tpu.memory_space<vmem>>, vector<1x16xf32>,
        %swap3A_923 = vector.shape_cast %swap3A_922 : vector<1x16xf32> to vector<16xf32>
        %swap3A_924 = vector.shape_cast %add3A_918 : vector<16xf32> to vector<1x16xf32>
        tpu.vector_store %arg9[%swap3A_920, %swap3A_921], %swap3A_924 {strides = array<i32>} : memref<32x768xf32, #tpu.memory_space<vmem>>, vector<1x16xf32>,
        %get3A_925 = arith.constant 31 : i32
        %get3A_926 = arith.index_cast %get3A_925 : i32 to index
        %get3A_927 = arith.index_cast %mul3A_365 : i32 to index
        %get3A_928 = tpu.vector_load %arg9[%get3A_926, %get3A_927] {strides = array<i32>} : memref<32x768xf32, #tpu.memory_space<vmem>>, vector<1x16xf32>,
        %get3A_929 = vector.shape_cast %get3A_928 : vector<1x16xf32> to vector<16xf32>
        %get3A_930 = arith.constant 31 : i32
        %get3A_931 = arith.index_cast %get3A_930 : i32 to index
        %get3A_932 = arith.index_cast %mul3A_365 : i32 to index
        %get3A_933 = tpu.vector_load %arg11[%get3A_931, %get3A_932] {strides = array<i32>} : memref<32x768xf32, #tpu.memory_space<vmem>>, vector<1x16xf32>,
        %get3A_934 = vector.shape_cast %get3A_933 : vector<1x16xf32> to vector<16xf32>
        %add3A_935 = arith.addf %get3A_929, %get3A_934 : vector<16xf32>
        %add3A_936 = arith.addf %add3A_935, %get3A_367 : vector<16xf32>
        %swap3A_937 = arith.constant 31 : i32
        %swap3A_938 = arith.index_cast %swap3A_937 : i32 to index
        %swap3A_939 = arith.index_cast %mul3A_365 : i32 to index
        %swap3A_940 = tpu.vector_load %arg9[%swap3A_938, %swap3A_939] {strides = array<i32>} : memref<32x768xf32, #tpu.memory_space<vmem>>, vector<1x16xf32>,
        %swap3A_941 = vector.shape_cast %swap3A_940 : vector<1x16xf32> to vector<16xf32>
        %swap3A_942 = vector.shape_cast %add3A_936 : vector<16xf32> to vector<1x16xf32>
        tpu.vector_store %arg9[%swap3A_938, %swap3A_939], %swap3A_942 {strides = array<i32>} : memref<32x768xf32, #tpu.memory_space<vmem>>, vector<1x16xf32>,
        %scan3A_943 = arith.constant 0 : i32
        scf.yield %scan3A_943 : i32
      }
      %scan3A_253 = arith.constant 48 : i32
      %mul3A_254 = arith.constant 32 : i32
      %mul3A_255 = arith.muli %mul3A_114, %mul3A_254 : i32
      %add3A_256 = arith.addi %mul3A_34, %mul3A_255 : i32
      %dma_start3A_257 = arith.constant 0 : i32
      %dma_start3A_258 = tpu.memref_slice %arg6[%select_n3A, %add3A_256, %dma_start3A_257] : memref<4x4097x768xf32, #tpu.memory_space<hbm>> -> memref<1x32x768xf32, #tpu.memory_space<hbm>>
      %dma_start3A_259 = tpu.memref_squeeze %dma_start3A_258 : memref<1x32x768xf32, #tpu.memory_space<hbm>> -> memref<32x768xf32, #tpu.memory_space<hbm>>
      %dma_start3A_260 = arith.constant 0 : i32
      %dma_start3A_261 = tpu.memref_slice %arg6[%select_n3A, %add3A_256, %dma_start3A_260] : memref<4x4097x768xf32, #tpu.memory_space<hbm>> -> memref<1x32x768xf32, #tpu.memory_space<hbm>>
      %dma_start3A_262 = tpu.memref_squeeze %dma_start3A_261 : memref<1x32x768xf32, #tpu.memory_space<hbm>> -> memref<32x768xf32, #tpu.memory_space<hbm>>
      tpu.enqueue_dma source(%arg9 : memref<32x768xf32, #tpu.memory_space<vmem>>) target(%dma_start3A_262 : memref<32x768xf32, #tpu.memory_space<hbm>>) target_semaphore(%arg17 : memref<!tpu.dma_semaphore, #tpu.memory_space<semaphore_mem>>)
      %add3A_263 = arith.constant 1 : i32
      %add3A_264 = arith.addi %mul3A_114, %add3A_263 : i32
      %mul3A_265 = arith.constant 32 : i32
      %mul3A_266 = arith.muli %add3A_264, %mul3A_265 : i32
      %add3A_267 = arith.addi %mul3A_34, %mul3A_266 : i32
      %jit3A_268 = arith.constant 128 : i32
      %div3A_269 = arith.divsi %add3A_267, %jit3A_268 : i32
      %sign3A_270 = arith.constant 0 : i32
      %sign3A_271 = arith.cmpi sgt, %add3A_267, %sign3A_270 : i32
      %sign3A_272 = arith.extui %sign3A_271 : i1 to i32
      %sign3A_273 = arith.constant 0 : i32
      %sign3A_274 = arith.cmpi slt, %add3A_267, %sign3A_273 : i32
      %sign3A_275 = arith.extui %sign3A_274 : i1 to i32
      %sign3A_276 = arith.subi %sign3A_272, %sign3A_275 : i32
      %sign3A_277 = arith.constant 0 : i32
      %sign3A_278 = arith.cmpi sgt, %jit3A_268, %sign3A_277 : i32
      %sign3A_279 = arith.extui %sign3A_278 : i1 to i32
      %sign3A_280 = arith.constant 0 : i32
      %sign3A_281 = arith.cmpi slt, %jit3A_268, %sign3A_280 : i32
      %sign3A_282 = arith.extui %sign3A_281 : i1 to i32
      %sign3A_283 = arith.subi %sign3A_279, %sign3A_282 : i32
      %ne3A_284 = arith.cmpi ne, %sign3A_276, %sign3A_283 : i32
      %rem3A_285 = arith.remsi %add3A_267, %jit3A_268 : i32
      %ne3A_286 = arith.constant 0 : i32
      %ne3A_287 = arith.cmpi ne, %rem3A_285, %ne3A_286 : i32
      %and3A_288 = arith.andi %ne3A_284, %ne3A_287 : i1
      %sub3A_289 = arith.constant 1 : i32
      %sub3A_290 = arith.subi %div3A_269, %sub3A_289 : i32
      %select_n3A_291 = arith.select %and3A_288, %sub3A_290, %div3A_269 : i32
      %jit3A_292 = arith.constant 128 : i32
      %eq3A_293 = arith.constant 0 : i32
      %eq3A_294 = arith.cmpi eq, %jit3A_292, %eq3A_293 : i32
      %jit3A_295 = arith.constant 1 : i32
      %select_n3A_296 = arith.select %eq3A_294, %jit3A_295, %jit3A_292 : i32
      %rem3A_297 = arith.remsi %add3A_267, %select_n3A_296 : i32
      %ne3A_298 = arith.constant 0 : i32
      %ne3A_299 = arith.cmpi ne, %rem3A_297, %ne3A_298 : i32
      %lt3A_300 = arith.constant 0 : i32
      %lt3A_301 = arith.cmpi slt, %rem3A_297, %lt3A_300 : i32
      %lt3A_302 = arith.constant 0 : i32
      %lt3A_303 = arith.cmpi slt, %select_n3A_296, %lt3A_302 : i32
      %ne3A_304 = arith.xori %lt3A_301, %lt3A_303 : i1
      %and3A_305 = arith.andi %ne3A_304, %ne3A_299 : i1
      %add3A_306 = arith.addi %rem3A_297, %select_n3A_296 : i32
      %select_n3A_307 = arith.select %and3A_305, %add3A_306, %rem3A_297 : i32
      %dma_wait3A_308 = tpu.memref_slice %arg7[%select_n3A_291, %select_n3A_307] : memref<33x128xi32, #tpu.memory_space<vmem>> -> memref<1x32xi32, #tpu.memory_space<vmem>>
      %dma_wait3A_309 = tpu.memref_squeeze %dma_wait3A_308 : memref<1x32xi32, #tpu.memory_space<vmem>> -> memref<32xi32, #tpu.memory_space<vmem>>
      %dma_wait3A_310 = arith.constant 0 : i32
      %dma_wait3A_311 = arith.constant 0 : i32
      %dma_wait3A_312 = tpu.memref_slice %arg2[%select_n3A, %dma_wait3A_310, %dma_wait3A_311] : memref<4x4097x768xf32, #tpu.memory_space<hbm>> -> memref<1x4097x768xf32, #tpu.memory_space<hbm>>
      %dma_wait3A_313 = tpu.memref_squeeze %dma_wait3A_312 : memref<1x4097x768xf32, #tpu.memory_space<hbm>> -> memref<4097x768xf32, #tpu.memory_space<hbm>>
      %dma_wait3A_314 = arith.constant 0 : i32
      %dma_wait3A_315 = arith.constant 0 : i32
      %dma_wait3A_316 = tpu.memref_slice %dma_wait3A_313[%dma_wait3A_314, %dma_wait3A_315] : memref<4097x768xf32, #tpu.memory_space<hbm>> -> memref<4097x768xf32, #tpu.memory_space<hbm>>
      tpu.wait_indirect_dma semaphore(%arg14 : memref<!tpu.dma_semaphore, #tpu.memory_space<semaphore_mem>>) src(%dma_wait3A_316 : memref<4097x768xf32, #tpu.memory_space<hbm>>) dst(%arg10 : memref<32x768xf32, #tpu.memory_space<vmem>>)
      %add3A_317 = arith.constant 1 : i32
      %add3A_318 = arith.addi %mul3A_114, %add3A_317 : i32
      %mul3A_319 = arith.constant 32 : i32
      %mul3A_320 = arith.muli %add3A_318, %mul3A_319 : i32
      %add3A_321 = arith.addi %mul3A_34, %mul3A_320 : i32
      %dma_wait3A_322 = arith.constant 0 : i32
      %dma_wait3A_323 = arith.constant 0 : i32
      %dma_wait3A_324 = tpu.memref_slice %arg5[%dma_wait3A_322, %add3A_321, %dma_wait3A_323] : memref<1x4097x768xf32, #tpu.memory_space<hbm>> -> memref<1x32x768xf32, #tpu.memory_space<hbm>>
      %dma_wait3A_325 = tpu.memref_squeeze %dma_wait3A_324 : memref<1x32x768xf32, #tpu.memory_space<hbm>> -> memref<32x768xf32, #tpu.memory_space<hbm>>
      %dma_wait3A_326 = arith.constant 0 : i32
      %dma_wait3A_327 = tpu.memref_slice %arg5[%dma_wait3A_322, %add3A_321, %dma_wait3A_326] : memref<1x4097x768xf32, #tpu.memory_space<hbm>> -> memref<1x32x768xf32, #tpu.memory_space<hbm>>
      %dma_wait3A_328 = tpu.memref_squeeze %dma_wait3A_327 : memref<1x32x768xf32, #tpu.memory_space<hbm>> -> memref<32x768xf32, #tpu.memory_space<hbm>>
      tpu.wait_dma2 semaphore(%arg16 : memref<!tpu.dma_semaphore, #tpu.memory_space<semaphore_mem>>) src(%dma_wait3A_328 : memref<32x768xf32, #tpu.memory_space<hbm>>) dst(%arg12 : memref<32x768xf32, #tpu.memory_space<vmem>>)
      %mul3A_329 = arith.constant 32 : i32
      %mul3A_330 = arith.muli %mul3A_114, %mul3A_329 : i32
      %add3A_331 = arith.addi %mul3A_34, %mul3A_330 : i32
      %dma_wait3A_332 = arith.constant 0 : i32
      %dma_wait3A_333 = tpu.memref_slice %arg6[%select_n3A, %add3A_331, %dma_wait3A_332] : memref<4x4097x768xf32, #tpu.memory_space<hbm>> -> memref<1x32x768xf32, #tpu.memory_space<hbm>>
      %dma_wait3A_334 = tpu.memref_squeeze %dma_wait3A_333 : memref<1x32x768xf32, #tpu.memory_space<hbm>> -> memref<32x768xf32, #tpu.memory_space<hbm>>
      %dma_wait3A_335 = arith.constant 0 : i32
      %dma_wait3A_336 = tpu.memref_slice %arg6[%select_n3A, %add3A_331, %dma_wait3A_335] : memref<4x4097x768xf32, #tpu.memory_space<hbm>> -> memref<1x32x768xf32, #tpu.memory_space<hbm>>
      %dma_wait3A_337 = tpu.memref_squeeze %dma_wait3A_336 : memref<1x32x768xf32, #tpu.memory_space<hbm>> -> memref<32x768xf32, #tpu.memory_space<hbm>>
      tpu.wait_dma2 semaphore(%arg17 : memref<!tpu.dma_semaphore, #tpu.memory_space<semaphore_mem>>) src(%arg9 : memref<32x768xf32, #tpu.memory_space<vmem>>) dst(%dma_wait3A_337 : memref<32x768xf32, #tpu.memory_space<hbm>>)
      %lt3A_338 = arith.constant 7 : i32
      %lt3A_339 = arith.cmpi slt, %scan3A_111, %lt3A_338 : i32
      %convert_element_type3A_340 = arith.extui %lt3A_339 : i1 to i32
      %cond3A_341 = arith.constant 0 : i32
      %cond3A_342 = arith.cmpi ne, %convert_element_type3A_340, %cond3A_341 : i32
      scf.if %cond3A_342 {
        %add3A_362 = arith.constant 2 : i32
        %add3A_363 = arith.addi %mul3A_114, %add3A_362 : i32
        %mul3A_364 = arith.constant 32 : i32
        %mul3A_365 = arith.muli %add3A_363, %mul3A_364 : i32
        %add3A_366 = arith.addi %mul3A_34, %mul3A_365 : i32
        %jit3A_367 = arith.constant 128 : i32
        %div3A_368 = arith.divsi %add3A_366, %jit3A_367 : i32
        %sign3A_369 = arith.constant 0 : i32
        %sign3A_370 = arith.cmpi sgt, %add3A_366, %sign3A_369 : i32
        %sign3A_371 = arith.extui %sign3A_370 : i1 to i32
        %sign3A_372 = arith.constant 0 : i32
        %sign3A_373 = arith.cmpi slt, %add3A_366, %sign3A_372 : i32
        %sign3A_374 = arith.extui %sign3A_373 : i1 to i32
        %sign3A_375 = arith.subi %sign3A_371, %sign3A_374 : i32
        %sign3A_376 = arith.constant 0 : i32
        %sign3A_377 = arith.cmpi sgt, %jit3A_367, %sign3A_376 : i32
        %sign3A_378 = arith.extui %sign3A_377 : i1 to i32
        %sign3A_379 = arith.constant 0 : i32
        %sign3A_380 = arith.cmpi slt, %jit3A_367, %sign3A_379 : i32
        %sign3A_381 = arith.extui %sign3A_380 : i1 to i32
        %sign3A_382 = arith.subi %sign3A_378, %sign3A_381 : i32
        %ne3A_383 = arith.cmpi ne, %sign3A_375, %sign3A_382 : i32
        %rem3A_384 = arith.remsi %add3A_366, %jit3A_367 : i32
        %ne3A_385 = arith.constant 0 : i32
        %ne3A_386 = arith.cmpi ne, %rem3A_384, %ne3A_385 : i32
        %and3A_387 = arith.andi %ne3A_383, %ne3A_386 : i1
        %sub3A_388 = arith.constant 1 : i32
        %sub3A_389 = arith.subi %div3A_368, %sub3A_388 : i32
        %select_n3A_390 = arith.select %and3A_387, %sub3A_389, %div3A_368 : i32
        %jit3A_391 = arith.constant 128 : i32
        %eq3A_392 = arith.constant 0 : i32
        %eq3A_393 = arith.cmpi eq, %jit3A_391, %eq3A_392 : i32
        %jit3A_394 = arith.constant 1 : i32
        %select_n3A_395 = arith.select %eq3A_393, %jit3A_394, %jit3A_391 : i32
        %rem3A_396 = arith.remsi %add3A_366, %select_n3A_395 : i32
        %ne3A_397 = arith.constant 0 : i32
        %ne3A_398 = arith.cmpi ne, %rem3A_396, %ne3A_397 : i32
        %lt3A_399 = arith.constant 0 : i32
        %lt3A_400 = arith.cmpi slt, %rem3A_396, %lt3A_399 : i32
        %lt3A_401 = arith.constant 0 : i32
        %lt3A_402 = arith.cmpi slt, %select_n3A_395, %lt3A_401 : i32
        %ne3A_403 = arith.xori %lt3A_400, %lt3A_402 : i1
        %and3A_404 = arith.andi %ne3A_403, %ne3A_398 : i1
        %add3A_405 = arith.addi %rem3A_396, %select_n3A_395 : i32
        %select_n3A_406 = arith.select %and3A_404, %add3A_405, %rem3A_396 : i32
        %dma_start3A_407 = tpu.memref_slice %arg7[%select_n3A_390, %select_n3A_406] : memref<33x128xi32, #tpu.memory_space<vmem>> -> memref<1x32xi32, #tpu.memory_space<vmem>>
        %dma_start3A_408 = tpu.memref_squeeze %dma_start3A_407 : memref<1x32xi32, #tpu.memory_space<vmem>> -> memref<32xi32, #tpu.memory_space<vmem>>
        %dma_start3A_409 = arith.constant 0 : i32
        %dma_start3A_410 = arith.constant 0 : i32
        %dma_start3A_411 = tpu.memref_slice %arg2[%select_n3A, %dma_start3A_409, %dma_start3A_410] : memref<4x4097x768xf32, #tpu.memory_space<hbm>> -> memref<1x4097x768xf32, #tpu.memory_space<hbm>>
        %dma_start3A_412 = tpu.memref_squeeze %dma_start3A_411 : memref<1x4097x768xf32, #tpu.memory_space<hbm>> -> memref<4097x768xf32, #tpu.memory_space<hbm>>
        %dma_start3A_413 = arith.constant 0 : i32
        %dma_start3A_414 = arith.constant 0 : i32
        %dma_start3A_415 = tpu.memref_slice %dma_start3A_412[%dma_start3A_413, %dma_start3A_414] : memref<4097x768xf32, #tpu.memory_space<hbm>> -> memref<4097x768xf32, #tpu.memory_space<hbm>>
        tpu.enqueue_indirect_dma source(%dma_start3A_415 : memref<4097x768xf32, #tpu.memory_space<hbm>>) target(%arg9 : memref<32x768xf32, #tpu.memory_space<vmem>>) offsets(%dma_start3A_408 : memref<32xi32, #tpu.memory_space<vmem>>) semaphore(%arg13 : memref<!tpu.dma_semaphore, #tpu.memory_space<semaphore_mem>>)
        %add3A_416 = arith.constant 2 : i32
        %add3A_417 = arith.addi %mul3A_114, %add3A_416 : i32
        %mul3A_418 = arith.constant 32 : i32
        %mul3A_419 = arith.muli %add3A_417, %mul3A_418 : i32
        %add3A_420 = arith.addi %mul3A_34, %mul3A_419 : i32
        %dma_start3A_421 = arith.constant 0 : i32
        %dma_start3A_422 = arith.constant 0 : i32
        %dma_start3A_423 = tpu.memref_slice %arg5[%dma_start3A_421, %add3A_420, %dma_start3A_422] : memref<1x4097x768xf32, #tpu.memory_space<hbm>> -> memref<1x32x768xf32, #tpu.memory_space<hbm>>
        %dma_start3A_424 = tpu.memref_squeeze %dma_start3A_423 : memref<1x32x768xf32, #tpu.memory_space<hbm>> -> memref<32x768xf32, #tpu.memory_space<hbm>>
        %dma_start3A_425 = arith.constant 0 : i32
        %dma_start3A_426 = tpu.memref_slice %arg5[%dma_start3A_421, %add3A_420, %dma_start3A_425] : memref<1x4097x768xf32, #tpu.memory_space<hbm>> -> memref<1x32x768xf32, #tpu.memory_space<hbm>>
        %dma_start3A_427 = tpu.memref_squeeze %dma_start3A_426 : memref<1x32x768xf32, #tpu.memory_space<hbm>> -> memref<32x768xf32, #tpu.memory_space<hbm>>
        tpu.enqueue_dma source(%dma_start3A_427 : memref<32x768xf32, #tpu.memory_space<hbm>>) target(%arg11 : memref<32x768xf32, #tpu.memory_space<vmem>>) target_semaphore(%arg15 : memref<!tpu.dma_semaphore, #tpu.memory_space<semaphore_mem>>)
      } else {
      }
      %scan3A_343 = arith.constant 0 : i32
      %scan3A_344 = arith.constant 0 : i32
      %scan3A_345 = arith.constant 48 : i32
      %scan3A_346 = arith.addi %scan3A_344, %scan3A_345 : i32
      %scan3A_347 = arith.constant 1 : i32
      %scan3A_348 = scf.for %scan3A_362 = %scan3A_344 to %scan3A_346 step %scan3A_347 iter_args(%scan3A_363 = %scan3A_343) -> (i32)  : i32 {
        %mul3A_364 = arith.constant 16 : i32
        %mul3A_365 = arith.muli %scan3A_362, %mul3A_364 : i32
        %get3A = arith.index_cast %mul3A_365 : i32 to index
        %get3A_366 = tpu.vector_load %arg8[%get3A] {strides = array<i32>} : memref<768xf32, #tpu.memory_space<vmem>>, vector<16xf32>,
        %get3A_367 = vector.shape_cast %get3A_366 : vector<16xf32> to vector<16xf32>
        %get3A_368 = arith.constant 0 : i32
        %get3A_369 = arith.index_cast %get3A_368 : i32 to index
        %get3A_370 = arith.index_cast %mul3A_365 : i32 to index
        %get3A_371 = tpu.vector_load %arg10[%get3A_369, %get3A_370] {strides = array<i32>} : memref<32x768xf32, #tpu.memory_space<vmem>>, vector<1x16xf32>,
        %get3A_372 = vector.shape_cast %get3A_371 : vector<1x16xf32> to vector<16xf32>
        %get3A_373 = arith.constant 0 : i32
        %get3A_374 = arith.index_cast %get3A_373 : i32 to index
        %get3A_375 = arith.index_cast %mul3A_365 : i32 to index
        %get3A_376 = tpu.vector_load %arg12[%get3A_374, %get3A_375] {strides = array<i32>} : memref<32x768xf32, #tpu.memory_space<vmem>>, vector<1x16xf32>,
        %get3A_377 = vector.shape_cast %get3A_376 : vector<1x16xf32> to vector<16xf32>
        %add3A_378 = arith.addf %get3A_372, %get3A_377 : vector<16xf32>
        %add3A_379 = arith.addf %add3A_378, %get3A_367 : vector<16xf32>
        %swap3A = arith.constant 0 : i32
        %swap3A_380 = arith.index_cast %swap3A : i32 to index
        %swap3A_381 = arith.index_cast %mul3A_365 : i32 to index
        %swap3A_382 = tpu.vector_load %arg10[%swap3A_380, %swap3A_381] {strides = array<i32>} : memref<32x768xf32, #tpu.memory_space<vmem>>, vector<1x16xf32>,
        %swap3A_383 = vector.shape_cast %swap3A_382 : vector<1x16xf32> to vector<16xf32>
        %swap3A_384 = vector.shape_cast %add3A_379 : vector<16xf32> to vector<1x16xf32>
        tpu.vector_store %arg10[%swap3A_380, %swap3A_381], %swap3A_384 {strides = array<i32>} : memref<32x768xf32, #tpu.memory_space<vmem>>, vector<1x16xf32>,
        %get3A_385 = arith.constant 1 : i32
        %get3A_386 = arith.index_cast %get3A_385 : i32 to index
        %get3A_387 = arith.index_cast %mul3A_365 : i32 to index
        %get3A_388 = tpu.vector_load %arg10[%get3A_386, %get3A_387] {strides = array<i32>} : memref<32x768xf32, #tpu.memory_space<vmem>>, vector<1x16xf32>,
        %get3A_389 = vector.shape_cast %get3A_388 : vector<1x16xf32> to vector<16xf32>
        %get3A_390 = arith.constant 1 : i32
        %get3A_391 = arith.index_cast %get3A_390 : i32 to index
        %get3A_392 = arith.index_cast %mul3A_365 : i32 to index
        %get3A_393 = tpu.vector_load %arg12[%get3A_391, %get3A_392] {strides = array<i32>} : memref<32x768xf32, #tpu.memory_space<vmem>>, vector<1x16xf32>,
        %get3A_394 = vector.shape_cast %get3A_393 : vector<1x16xf32> to vector<16xf32>
        %add3A_395 = arith.addf %get3A_389, %get3A_394 : vector<16xf32>
        %add3A_396 = arith.addf %add3A_395, %get3A_367 : vector<16xf32>
        %swap3A_397 = arith.constant 1 : i32
        %swap3A_398 = arith.index_cast %swap3A_397 : i32 to index
        %swap3A_399 = arith.index_cast %mul3A_365 : i32 to index
        %swap3A_400 = tpu.vector_load %arg10[%swap3A_398, %swap3A_399] {strides = array<i32>} : memref<32x768xf32, #tpu.memory_space<vmem>>, vector<1x16xf32>,
        %swap3A_401 = vector.shape_cast %swap3A_400 : vector<1x16xf32> to vector<16xf32>
        %swap3A_402 = vector.shape_cast %add3A_396 : vector<16xf32> to vector<1x16xf32>
        tpu.vector_store %arg10[%swap3A_398, %swap3A_399], %swap3A_402 {strides = array<i32>} : memref<32x768xf32, #tpu.memory_space<vmem>>, vector<1x16xf32>,
        %get3A_403 = arith.constant 2 : i32
        %get3A_404 = arith.index_cast %get3A_403 : i32 to index
        %get3A_405 = arith.index_cast %mul3A_365 : i32 to index
        %get3A_406 = tpu.vector_load %arg10[%get3A_404, %get3A_405] {strides = array<i32>} : memref<32x768xf32, #tpu.memory_space<vmem>>, vector<1x16xf32>,
        %get3A_407 = vector.shape_cast %get3A_406 : vector<1x16xf32> to vector<16xf32>
        %get3A_408 = arith.constant 2 : i32
        %get3A_409 = arith.index_cast %get3A_408 : i32 to index
        %get3A_410 = arith.index_cast %mul3A_365 : i32 to index
        %get3A_411 = tpu.vector_load %arg12[%get3A_409, %get3A_410] {strides = array<i32>} : memref<32x768xf32, #tpu.memory_space<vmem>>, vector<1x16xf32>,
        %get3A_412 = vector.shape_cast %get3A_411 : vector<1x16xf32> to vector<16xf32>
        %add3A_413 = arith.addf %get3A_407, %get3A_412 : vector<16xf32>
        %add3A_414 = arith.addf %add3A_413, %get3A_367 : vector<16xf32>
        %swap3A_415 = arith.constant 2 : i32
        %swap3A_416 = arith.index_cast %swap3A_415 : i32 to index
        %swap3A_417 = arith.index_cast %mul3A_365 : i32 to index
        %swap3A_418 = tpu.vector_load %arg10[%swap3A_416, %swap3A_417] {strides = array<i32>} : memref<32x768xf32, #tpu.memory_space<vmem>>, vector<1x16xf32>,
        %swap3A_419 = vector.shape_cast %swap3A_418 : vector<1x16xf32> to vector<16xf32>
        %swap3A_420 = vector.shape_cast %add3A_414 : vector<16xf32> to vector<1x16xf32>
        tpu.vector_store %arg10[%swap3A_416, %swap3A_417], %swap3A_420 {strides = array<i32>} : memref<32x768xf32, #tpu.memory_space<vmem>>, vector<1x16xf32>,
        %get3A_421 = arith.constant 3 : i32
        %get3A_422 = arith.index_cast %get3A_421 : i32 to index
        %get3A_423 = arith.index_cast %mul3A_365 : i32 to index
        %get3A_424 = tpu.vector_load %arg10[%get3A_422, %get3A_423] {strides = array<i32>} : memref<32x768xf32, #tpu.memory_space<vmem>>, vector<1x16xf32>,
        %get3A_425 = vector.shape_cast %get3A_424 : vector<1x16xf32> to vector<16xf32>
        %get3A_426 = arith.constant 3 : i32
        %get3A_427 = arith.index_cast %get3A_426 : i32 to index
        %get3A_428 = arith.index_cast %mul3A_365 : i32 to index
        %get3A_429 = tpu.vector_load %arg12[%get3A_427, %get3A_428] {strides = array<i32>} : memref<32x768xf32, #tpu.memory_space<vmem>>, vector<1x16xf32>,
        %get3A_430 = vector.shape_cast %get3A_429 : vector<1x16xf32> to vector<16xf32>
        %add3A_431 = arith.addf %get3A_425, %get3A_430 : vector<16xf32>
        %add3A_432 = arith.addf %add3A_431, %get3A_367 : vector<16xf32>
        %swap3A_433 = arith.constant 3 : i32
        %swap3A_434 = arith.index_cast %swap3A_433 : i32 to index
        %swap3A_435 = arith.index_cast %mul3A_365 : i32 to index
        %swap3A_436 = tpu.vector_load %arg10[%swap3A_434, %swap3A_435] {strides = array<i32>} : memref<32x768xf32, #tpu.memory_space<vmem>>, vector<1x16xf32>,
        %swap3A_437 = vector.shape_cast %swap3A_436 : vector<1x16xf32> to vector<16xf32>
        %swap3A_438 = vector.shape_cast %add3A_432 : vector<16xf32> to vector<1x16xf32>
        tpu.vector_store %arg10[%swap3A_434, %swap3A_435], %swap3A_438 {strides = array<i32>} : memref<32x768xf32, #tpu.memory_space<vmem>>, vector<1x16xf32>,
        %get3A_439 = arith.constant 4 : i32
        %get3A_440 = arith.index_cast %get3A_439 : i32 to index
        %get3A_441 = arith.index_cast %mul3A_365 : i32 to index
        %get3A_442 = tpu.vector_load %arg10[%get3A_440, %get3A_441] {strides = array<i32>} : memref<32x768xf32, #tpu.memory_space<vmem>>, vector<1x16xf32>,
        %get3A_443 = vector.shape_cast %get3A_442 : vector<1x16xf32> to vector<16xf32>
        %get3A_444 = arith.constant 4 : i32
        %get3A_445 = arith.index_cast %get3A_444 : i32 to index
        %get3A_446 = arith.index_cast %mul3A_365 : i32 to index
        %get3A_447 = tpu.vector_load %arg12[%get3A_445, %get3A_446] {strides = array<i32>} : memref<32x768xf32, #tpu.memory_space<vmem>>, vector<1x16xf32>,
        %get3A_448 = vector.shape_cast %get3A_447 : vector<1x16xf32> to vector<16xf32>
        %add3A_449 = arith.addf %get3A_443, %get3A_448 : vector<16xf32>
        %add3A_450 = arith.addf %add3A_449, %get3A_367 : vector<16xf32>
        %swap3A_451 = arith.constant 4 : i32
        %swap3A_452 = arith.index_cast %swap3A_451 : i32 to index
        %swap3A_453 = arith.index_cast %mul3A_365 : i32 to index
        %swap3A_454 = tpu.vector_load %arg10[%swap3A_452, %swap3A_453] {strides = array<i32>} : memref<32x768xf32, #tpu.memory_space<vmem>>, vector<1x16xf32>,
        %swap3A_455 = vector.shape_cast %swap3A_454 : vector<1x16xf32> to vector<16xf32>
        %swap3A_456 = vector.shape_cast %add3A_450 : vector<16xf32> to vector<1x16xf32>
        tpu.vector_store %arg10[%swap3A_452, %swap3A_453], %swap3A_456 {strides = array<i32>} : memref<32x768xf32, #tpu.memory_space<vmem>>, vector<1x16xf32>,
        %get3A_457 = arith.constant 5 : i32
        %get3A_458 = arith.index_cast %get3A_457 : i32 to index
        %get3A_459 = arith.index_cast %mul3A_365 : i32 to index
        %get3A_460 = tpu.vector_load %arg10[%get3A_458, %get3A_459] {strides = array<i32>} : memref<32x768xf32, #tpu.memory_space<vmem>>, vector<1x16xf32>,
        %get3A_461 = vector.shape_cast %get3A_460 : vector<1x16xf32> to vector<16xf32>
        %get3A_462 = arith.constant 5 : i32
        %get3A_463 = arith.index_cast %get3A_462 : i32 to index
        %get3A_464 = arith.index_cast %mul3A_365 : i32 to index
        %get3A_465 = tpu.vector_load %arg12[%get3A_463, %get3A_464] {strides = array<i32>} : memref<32x768xf32, #tpu.memory_space<vmem>>, vector<1x16xf32>,
        %get3A_466 = vector.shape_cast %get3A_465 : vector<1x16xf32> to vector<16xf32>
        %add3A_467 = arith.addf %get3A_461, %get3A_466 : vector<16xf32>
        %add3A_468 = arith.addf %add3A_467, %get3A_367 : vector<16xf32>
        %swap3A_469 = arith.constant 5 : i32
        %swap3A_470 = arith.index_cast %swap3A_469 : i32 to index
        %swap3A_471 = arith.index_cast %mul3A_365 : i32 to index
        %swap3A_472 = tpu.vector_load %arg10[%swap3A_470, %swap3A_471] {strides = array<i32>} : memref<32x768xf32, #tpu.memory_space<vmem>>, vector<1x16xf32>,
        %swap3A_473 = vector.shape_cast %swap3A_472 : vector<1x16xf32> to vector<16xf32>
        %swap3A_474 = vector.shape_cast %add3A_468 : vector<16xf32> to vector<1x16xf32>
        tpu.vector_store %arg10[%swap3A_470, %swap3A_471], %swap3A_474 {strides = array<i32>} : memref<32x768xf32, #tpu.memory_space<vmem>>, vector<1x16xf32>,
        %get3A_475 = arith.constant 6 : i32
        %get3A_476 = arith.index_cast %get3A_475 : i32 to index
        %get3A_477 = arith.index_cast %mul3A_365 : i32 to index
        %get3A_478 = tpu.vector_load %arg10[%get3A_476, %get3A_477] {strides = array<i32>} : memref<32x768xf32, #tpu.memory_space<vmem>>, vector<1x16xf32>,
        %get3A_479 = vector.shape_cast %get3A_478 : vector<1x16xf32> to vector<16xf32>
        %get3A_480 = arith.constant 6 : i32
        %get3A_481 = arith.index_cast %get3A_480 : i32 to index
        %get3A_482 = arith.index_cast %mul3A_365 : i32 to index
        %get3A_483 = tpu.vector_load %arg12[%get3A_481, %get3A_482] {strides = array<i32>} : memref<32x768xf32, #tpu.memory_space<vmem>>, vector<1x16xf32>,
        %get3A_484 = vector.shape_cast %get3A_483 : vector<1x16xf32> to vector<16xf32>
        %add3A_485 = arith.addf %get3A_479, %get3A_484 : vector<16xf32>
        %add3A_486 = arith.addf %add3A_485, %get3A_367 : vector<16xf32>
        %swap3A_487 = arith.constant 6 : i32
        %swap3A_488 = arith.index_cast %swap3A_487 : i32 to index
        %swap3A_489 = arith.index_cast %mul3A_365 : i32 to index
        %swap3A_490 = tpu.vector_load %arg10[%swap3A_488, %swap3A_489] {strides = array<i32>} : memref<32x768xf32, #tpu.memory_space<vmem>>, vector<1x16xf32>,
        %swap3A_491 = vector.shape_cast %swap3A_490 : vector<1x16xf32> to vector<16xf32>
        %swap3A_492 = vector.shape_cast %add3A_486 : vector<16xf32> to vector<1x16xf32>
        tpu.vector_store %arg10[%swap3A_488, %swap3A_489], %swap3A_492 {strides = array<i32>} : memref<32x768xf32, #tpu.memory_space<vmem>>, vector<1x16xf32>,
        %get3A_493 = arith.constant 7 : i32
        %get3A_494 = arith.index_cast %get3A_493 : i32 to index
        %get3A_495 = arith.index_cast %mul3A_365 : i32 to index
        %get3A_496 = tpu.vector_load %arg10[%get3A_494, %get3A_495] {strides = array<i32>} : memref<32x768xf32, #tpu.memory_space<vmem>>, vector<1x16xf32>,
        %get3A_497 = vector.shape_cast %get3A_496 : vector<1x16xf32> to vector<16xf32>
        %get3A_498 = arith.constant 7 : i32
        %get3A_499 = arith.index_cast %get3A_498 : i32 to index
        %get3A_500 = arith.index_cast %mul3A_365 : i32 to index
        %get3A_501 = tpu.vector_load %arg12[%get3A_499, %get3A_500] {strides = array<i32>} : memref<32x768xf32, #tpu.memory_space<vmem>>, vector<1x16xf32>,
        %get3A_502 = vector.shape_cast %get3A_501 : vector<1x16xf32> to vector<16xf32>
        %add3A_503 = arith.addf %get3A_497, %get3A_502 : vector<16xf32>
        %add3A_504 = arith.addf %add3A_503, %get3A_367 : vector<16xf32>
        %swap3A_505 = arith.constant 7 : i32
        %swap3A_506 = arith.index_cast %swap3A_505 : i32 to index
        %swap3A_507 = arith.index_cast %mul3A_365 : i32 to index
        %swap3A_508 = tpu.vector_load %arg10[%swap3A_506, %swap3A_507] {strides = array<i32>} : memref<32x768xf32, #tpu.memory_space<vmem>>, vector<1x16xf32>,
        %swap3A_509 = vector.shape_cast %swap3A_508 : vector<1x16xf32> to vector<16xf32>
        %swap3A_510 = vector.shape_cast %add3A_504 : vector<16xf32> to vector<1x16xf32>
        tpu.vector_store %arg10[%swap3A_506, %swap3A_507], %swap3A_510 {strides = array<i32>} : memref<32x768xf32, #tpu.memory_space<vmem>>, vector<1x16xf32>,
        %get3A_511 = arith.constant 8 : i32
        %get3A_512 = arith.index_cast %get3A_511 : i32 to index
        %get3A_513 = arith.index_cast %mul3A_365 : i32 to index
        %get3A_514 = tpu.vector_load %arg10[%get3A_512, %get3A_513] {strides = array<i32>} : memref<32x768xf32, #tpu.memory_space<vmem>>, vector<1x16xf32>,
        %get3A_515 = vector.shape_cast %get3A_514 : vector<1x16xf32> to vector<16xf32>
        %get3A_516 = arith.constant 8 : i32
        %get3A_517 = arith.index_cast %get3A_516 : i32 to index
        %get3A_518 = arith.index_cast %mul3A_365 : i32 to index
        %get3A_519 = tpu.vector_load %arg12[%get3A_517, %get3A_518] {strides = array<i32>} : memref<32x768xf32, #tpu.memory_space<vmem>>, vector<1x16xf32>,
        %get3A_520 = vector.shape_cast %get3A_519 : vector<1x16xf32> to vector<16xf32>
        %add3A_521 = arith.addf %get3A_515, %get3A_520 : vector<16xf32>
        %add3A_522 = arith.addf %add3A_521, %get3A_367 : vector<16xf32>
        %swap3A_523 = arith.constant 8 : i32
        %swap3A_524 = arith.index_cast %swap3A_523 : i32 to index
        %swap3A_525 = arith.index_cast %mul3A_365 : i32 to index
        %swap3A_526 = tpu.vector_load %arg10[%swap3A_524, %swap3A_525] {strides = array<i32>} : memref<32x768xf32, #tpu.memory_space<vmem>>, vector<1x16xf32>,
        %swap3A_527 = vector.shape_cast %swap3A_526 : vector<1x16xf32> to vector<16xf32>
        %swap3A_528 = vector.shape_cast %add3A_522 : vector<16xf32> to vector<1x16xf32>
        tpu.vector_store %arg10[%swap3A_524, %swap3A_525], %swap3A_528 {strides = array<i32>} : memref<32x768xf32, #tpu.memory_space<vmem>>, vector<1x16xf32>,
        %get3A_529 = arith.constant 9 : i32
        %get3A_530 = arith.index_cast %get3A_529 : i32 to index
        %get3A_531 = arith.index_cast %mul3A_365 : i32 to index
        %get3A_532 = tpu.vector_load %arg10[%get3A_530, %get3A_531] {strides = array<i32>} : memref<32x768xf32, #tpu.memory_space<vmem>>, vector<1x16xf32>,
        %get3A_533 = vector.shape_cast %get3A_532 : vector<1x16xf32> to vector<16xf32>
        %get3A_534 = arith.constant 9 : i32
        %get3A_535 = arith.index_cast %get3A_534 : i32 to index
        %get3A_536 = arith.index_cast %mul3A_365 : i32 to index
        %get3A_537 = tpu.vector_load %arg12[%get3A_535, %get3A_536] {strides = array<i32>} : memref<32x768xf32, #tpu.memory_space<vmem>>, vector<1x16xf32>,
        %get3A_538 = vector.shape_cast %get3A_537 : vector<1x16xf32> to vector<16xf32>
        %add3A_539 = arith.addf %get3A_533, %get3A_538 : vector<16xf32>
        %add3A_540 = arith.addf %add3A_539, %get3A_367 : vector<16xf32>
        %swap3A_541 = arith.constant 9 : i32
        %swap3A_542 = arith.index_cast %swap3A_541 : i32 to index
        %swap3A_543 = arith.index_cast %mul3A_365 : i32 to index
        %swap3A_544 = tpu.vector_load %arg10[%swap3A_542, %swap3A_543] {strides = array<i32>} : memref<32x768xf32, #tpu.memory_space<vmem>>, vector<1x16xf32>,
        %swap3A_545 = vector.shape_cast %swap3A_544 : vector<1x16xf32> to vector<16xf32>
        %swap3A_546 = vector.shape_cast %add3A_540 : vector<16xf32> to vector<1x16xf32>
        tpu.vector_store %arg10[%swap3A_542, %swap3A_543], %swap3A_546 {strides = array<i32>} : memref<32x768xf32, #tpu.memory_space<vmem>>, vector<1x16xf32>,
        %get3A_547 = arith.constant 10 : i32
        %get3A_548 = arith.index_cast %get3A_547 : i32 to index
        %get3A_549 = arith.index_cast %mul3A_365 : i32 to index
        %get3A_550 = tpu.vector_load %arg10[%get3A_548, %get3A_549] {strides = array<i32>} : memref<32x768xf32, #tpu.memory_space<vmem>>, vector<1x16xf32>,
        %get3A_551 = vector.shape_cast %get3A_550 : vector<1x16xf32> to vector<16xf32>
        %get3A_552 = arith.constant 10 : i32
        %get3A_553 = arith.index_cast %get3A_552 : i32 to index
        %get3A_554 = arith.index_cast %mul3A_365 : i32 to index
        %get3A_555 = tpu.vector_load %arg12[%get3A_553, %get3A_554] {strides = array<i32>} : memref<32x768xf32, #tpu.memory_space<vmem>>, vector<1x16xf32>,
        %get3A_556 = vector.shape_cast %get3A_555 : vector<1x16xf32> to vector<16xf32>
        %add3A_557 = arith.addf %get3A_551, %get3A_556 : vector<16xf32>
        %add3A_558 = arith.addf %add3A_557, %get3A_367 : vector<16xf32>
        %swap3A_559 = arith.constant 10 : i32
        %swap3A_560 = arith.index_cast %swap3A_559 : i32 to index
        %swap3A_561 = arith.index_cast %mul3A_365 : i32 to index
        %swap3A_562 = tpu.vector_load %arg10[%swap3A_560, %swap3A_561] {strides = array<i32>} : memref<32x768xf32, #tpu.memory_space<vmem>>, vector<1x16xf32>,
        %swap3A_563 = vector.shape_cast %swap3A_562 : vector<1x16xf32> to vector<16xf32>
        %swap3A_564 = vector.shape_cast %add3A_558 : vector<16xf32> to vector<1x16xf32>
        tpu.vector_store %arg10[%swap3A_560, %swap3A_561], %swap3A_564 {strides = array<i32>} : memref<32x768xf32, #tpu.memory_space<vmem>>, vector<1x16xf32>,
        %get3A_565 = arith.constant 11 : i32
        %get3A_566 = arith.index_cast %get3A_565 : i32 to index
        %get3A_567 = arith.index_cast %mul3A_365 : i32 to index
        %get3A_568 = tpu.vector_load %arg10[%get3A_566, %get3A_567] {strides = array<i32>} : memref<32x768xf32, #tpu.memory_space<vmem>>, vector<1x16xf32>,
        %get3A_569 = vector.shape_cast %get3A_568 : vector<1x16xf32> to vector<16xf32>
        %get3A_570 = arith.constant 11 : i32
        %get3A_571 = arith.index_cast %get3A_570 : i32 to index
        %get3A_572 = arith.index_cast %mul3A_365 : i32 to index
        %get3A_573 = tpu.vector_load %arg12[%get3A_571, %get3A_572] {strides = array<i32>} : memref<32x768xf32, #tpu.memory_space<vmem>>, vector<1x16xf32>,
        %get3A_574 = vector.shape_cast %get3A_573 : vector<1x16xf32> to vector<16xf32>
        %add3A_575 = arith.addf %get3A_569, %get3A_574 : vector<16xf32>
        %add3A_576 = arith.addf %add3A_575, %get3A_367 : vector<16xf32>
        %swap3A_577 = arith.constant 11 : i32
        %swap3A_578 = arith.index_cast %swap3A_577 : i32 to index
        %swap3A_579 = arith.index_cast %mul3A_365 : i32 to index
        %swap3A_580 = tpu.vector_load %arg10[%swap3A_578, %swap3A_579] {strides = array<i32>} : memref<32x768xf32, #tpu.memory_space<vmem>>, vector<1x16xf32>,
        %swap3A_581 = vector.shape_cast %swap3A_580 : vector<1x16xf32> to vector<16xf32>
        %swap3A_582 = vector.shape_cast %add3A_576 : vector<16xf32> to vector<1x16xf32>
        tpu.vector_store %arg10[%swap3A_578, %swap3A_579], %swap3A_582 {strides = array<i32>} : memref<32x768xf32, #tpu.memory_space<vmem>>, vector<1x16xf32>,
        %get3A_583 = arith.constant 12 : i32
        %get3A_584 = arith.index_cast %get3A_583 : i32 to index
        %get3A_585 = arith.index_cast %mul3A_365 : i32 to index
        %get3A_586 = tpu.vector_load %arg10[%get3A_584, %get3A_585] {strides = array<i32>} : memref<32x768xf32, #tpu.memory_space<vmem>>, vector<1x16xf32>,
        %get3A_587 = vector.shape_cast %get3A_586 : vector<1x16xf32> to vector<16xf32>
        %get3A_588 = arith.constant 12 : i32
        %get3A_589 = arith.index_cast %get3A_588 : i32 to index
        %get3A_590 = arith.index_cast %mul3A_365 : i32 to index
        %get3A_591 = tpu.vector_load %arg12[%get3A_589, %get3A_590] {strides = array<i32>} : memref<32x768xf32, #tpu.memory_space<vmem>>, vector<1x16xf32>,
        %get3A_592 = vector.shape_cast %get3A_591 : vector<1x16xf32> to vector<16xf32>
        %add3A_593 = arith.addf %get3A_587, %get3A_592 : vector<16xf32>
        %add3A_594 = arith.addf %add3A_593, %get3A_367 : vector<16xf32>
        %swap3A_595 = arith.constant 12 : i32
        %swap3A_596 = arith.index_cast %swap3A_595 : i32 to index
        %swap3A_597 = arith.index_cast %mul3A_365 : i32 to index
        %swap3A_598 = tpu.vector_load %arg10[%swap3A_596, %swap3A_597] {strides = array<i32>} : memref<32x768xf32, #tpu.memory_space<vmem>>, vector<1x16xf32>,
        %swap3A_599 = vector.shape_cast %swap3A_598 : vector<1x16xf32> to vector<16xf32>
        %swap3A_600 = vector.shape_cast %add3A_594 : vector<16xf32> to vector<1x16xf32>
        tpu.vector_store %arg10[%swap3A_596, %swap3A_597], %swap3A_600 {strides = array<i32>} : memref<32x768xf32, #tpu.memory_space<vmem>>, vector<1x16xf32>,
        %get3A_601 = arith.constant 13 : i32
        %get3A_602 = arith.index_cast %get3A_601 : i32 to index
        %get3A_603 = arith.index_cast %mul3A_365 : i32 to index
        %get3A_604 = tpu.vector_load %arg10[%get3A_602, %get3A_603] {strides = array<i32>} : memref<32x768xf32, #tpu.memory_space<vmem>>, vector<1x16xf32>,
        %get3A_605 = vector.shape_cast %get3A_604 : vector<1x16xf32> to vector<16xf32>
        %get3A_606 = arith.constant 13 : i32
        %get3A_607 = arith.index_cast %get3A_606 : i32 to index
        %get3A_608 = arith.index_cast %mul3A_365 : i32 to index
        %get3A_609 = tpu.vector_load %arg12[%get3A_607, %get3A_608] {strides = array<i32>} : memref<32x768xf32, #tpu.memory_space<vmem>>, vector<1x16xf32>,
        %get3A_610 = vector.shape_cast %get3A_609 : vector<1x16xf32> to vector<16xf32>
        %add3A_611 = arith.addf %get3A_605, %get3A_610 : vector<16xf32>
        %add3A_612 = arith.addf %add3A_611, %get3A_367 : vector<16xf32>
        %swap3A_613 = arith.constant 13 : i32
        %swap3A_614 = arith.index_cast %swap3A_613 : i32 to index
        %swap3A_615 = arith.index_cast %mul3A_365 : i32 to index
        %swap3A_616 = tpu.vector_load %arg10[%swap3A_614, %swap3A_615] {strides = array<i32>} : memref<32x768xf32, #tpu.memory_space<vmem>>, vector<1x16xf32>,
        %swap3A_617 = vector.shape_cast %swap3A_616 : vector<1x16xf32> to vector<16xf32>
        %swap3A_618 = vector.shape_cast %add3A_612 : vector<16xf32> to vector<1x16xf32>
        tpu.vector_store %arg10[%swap3A_614, %swap3A_615], %swap3A_618 {strides = array<i32>} : memref<32x768xf32, #tpu.memory_space<vmem>>, vector<1x16xf32>,
        %get3A_619 = arith.constant 14 : i32
        %get3A_620 = arith.index_cast %get3A_619 : i32 to index
        %get3A_621 = arith.index_cast %mul3A_365 : i32 to index
        %get3A_622 = tpu.vector_load %arg10[%get3A_620, %get3A_621] {strides = array<i32>} : memref<32x768xf32, #tpu.memory_space<vmem>>, vector<1x16xf32>,
        %get3A_623 = vector.shape_cast %get3A_622 : vector<1x16xf32> to vector<16xf32>
        %get3A_624 = arith.constant 14 : i32
        %get3A_625 = arith.index_cast %get3A_624 : i32 to index
        %get3A_626 = arith.index_cast %mul3A_365 : i32 to index
        %get3A_627 = tpu.vector_load %arg12[%get3A_625, %get3A_626] {strides = array<i32>} : memref<32x768xf32, #tpu.memory_space<vmem>>, vector<1x16xf32>,
        %get3A_628 = vector.shape_cast %get3A_627 : vector<1x16xf32> to vector<16xf32>
        %add3A_629 = arith.addf %get3A_623, %get3A_628 : vector<16xf32>
        %add3A_630 = arith.addf %add3A_629, %get3A_367 : vector<16xf32>
        %swap3A_631 = arith.constant 14 : i32
        %swap3A_632 = arith.index_cast %swap3A_631 : i32 to index
        %swap3A_633 = arith.index_cast %mul3A_365 : i32 to index
        %swap3A_634 = tpu.vector_load %arg10[%swap3A_632, %swap3A_633] {strides = array<i32>} : memref<32x768xf32, #tpu.memory_space<vmem>>, vector<1x16xf32>,
        %swap3A_635 = vector.shape_cast %swap3A_634 : vector<1x16xf32> to vector<16xf32>
        %swap3A_636 = vector.shape_cast %add3A_630 : vector<16xf32> to vector<1x16xf32>
        tpu.vector_store %arg10[%swap3A_632, %swap3A_633], %swap3A_636 {strides = array<i32>} : memref<32x768xf32, #tpu.memory_space<vmem>>, vector<1x16xf32>,
        %get3A_637 = arith.constant 15 : i32
        %get3A_638 = arith.index_cast %get3A_637 : i32 to index
        %get3A_639 = arith.index_cast %mul3A_365 : i32 to index
        %get3A_640 = tpu.vector_load %arg10[%get3A_638, %get3A_639] {strides = array<i32>} : memref<32x768xf32, #tpu.memory_space<vmem>>, vector<1x16xf32>,
        %get3A_641 = vector.shape_cast %get3A_640 : vector<1x16xf32> to vector<16xf32>
        %get3A_642 = arith.constant 15 : i32
        %get3A_643 = arith.index_cast %get3A_642 : i32 to index
        %get3A_644 = arith.index_cast %mul3A_365 : i32 to index
        %get3A_645 = tpu.vector_load %arg12[%get3A_643, %get3A_644] {strides = array<i32>} : memref<32x768xf32, #tpu.memory_space<vmem>>, vector<1x16xf32>,
        %get3A_646 = vector.shape_cast %get3A_645 : vector<1x16xf32> to vector<16xf32>
        %add3A_647 = arith.addf %get3A_641, %get3A_646 : vector<16xf32>
        %add3A_648 = arith.addf %add3A_647, %get3A_367 : vector<16xf32>
        %swap3A_649 = arith.constant 15 : i32
        %swap3A_650 = arith.index_cast %swap3A_649 : i32 to index
        %swap3A_651 = arith.index_cast %mul3A_365 : i32 to index
        %swap3A_652 = tpu.vector_load %arg10[%swap3A_650, %swap3A_651] {strides = array<i32>} : memref<32x768xf32, #tpu.memory_space<vmem>>, vector<1x16xf32>,
        %swap3A_653 = vector.shape_cast %swap3A_652 : vector<1x16xf32> to vector<16xf32>
        %swap3A_654 = vector.shape_cast %add3A_648 : vector<16xf32> to vector<1x16xf32>
        tpu.vector_store %arg10[%swap3A_650, %swap3A_651], %swap3A_654 {strides = array<i32>} : memref<32x768xf32, #tpu.memory_space<vmem>>, vector<1x16xf32>,
        %get3A_655 = arith.constant 16 : i32
        %get3A_656 = arith.index_cast %get3A_655 : i32 to index
        %get3A_657 = arith.index_cast %mul3A_365 : i32 to index
        %get3A_658 = tpu.vector_load %arg10[%get3A_656, %get3A_657] {strides = array<i32>} : memref<32x768xf32, #tpu.memory_space<vmem>>, vector<1x16xf32>,
        %get3A_659 = vector.shape_cast %get3A_658 : vector<1x16xf32> to vector<16xf32>
        %get3A_660 = arith.constant 16 : i32
        %get3A_661 = arith.index_cast %get3A_660 : i32 to index
        %get3A_662 = arith.index_cast %mul3A_365 : i32 to index
        %get3A_663 = tpu.vector_load %arg12[%get3A_661, %get3A_662] {strides = array<i32>} : memref<32x768xf32, #tpu.memory_space<vmem>>, vector<1x16xf32>,
        %get3A_664 = vector.shape_cast %get3A_663 : vector<1x16xf32> to vector<16xf32>
        %add3A_665 = arith.addf %get3A_659, %get3A_664 : vector<16xf32>
        %add3A_666 = arith.addf %add3A_665, %get3A_367 : vector<16xf32>
        %swap3A_667 = arith.constant 16 : i32
        %swap3A_668 = arith.index_cast %swap3A_667 : i32 to index
        %swap3A_669 = arith.index_cast %mul3A_365 : i32 to index
        %swap3A_670 = tpu.vector_load %arg10[%swap3A_668, %swap3A_669] {strides = array<i32>} : memref<32x768xf32, #tpu.memory_space<vmem>>, vector<1x16xf32>,
        %swap3A_671 = vector.shape_cast %swap3A_670 : vector<1x16xf32> to vector<16xf32>
        %swap3A_672 = vector.shape_cast %add3A_666 : vector<16xf32> to vector<1x16xf32>
        tpu.vector_store %arg10[%swap3A_668, %swap3A_669], %swap3A_672 {strides = array<i32>} : memref<32x768xf32, #tpu.memory_space<vmem>>, vector<1x16xf32>,
        %get3A_673 = arith.constant 17 : i32
        %get3A_674 = arith.index_cast %get3A_673 : i32 to index
        %get3A_675 = arith.index_cast %mul3A_365 : i32 to index
        %get3A_676 = tpu.vector_load %arg10[%get3A_674, %get3A_675] {strides = array<i32>} : memref<32x768xf32, #tpu.memory_space<vmem>>, vector<1x16xf32>,
        %get3A_677 = vector.shape_cast %get3A_676 : vector<1x16xf32> to vector<16xf32>
        %get3A_678 = arith.constant 17 : i32
        %get3A_679 = arith.index_cast %get3A_678 : i32 to index
        %get3A_680 = arith.index_cast %mul3A_365 : i32 to index
        %get3A_681 = tpu.vector_load %arg12[%get3A_679, %get3A_680] {strides = array<i32>} : memref<32x768xf32, #tpu.memory_space<vmem>>, vector<1x16xf32>,
        %get3A_682 = vector.shape_cast %get3A_681 : vector<1x16xf32> to vector<16xf32>
        %add3A_683 = arith.addf %get3A_677, %get3A_682 : vector<16xf32>
        %add3A_684 = arith.addf %add3A_683, %get3A_367 : vector<16xf32>
        %swap3A_685 = arith.constant 17 : i32
        %swap3A_686 = arith.index_cast %swap3A_685 : i32 to index
        %swap3A_687 = arith.index_cast %mul3A_365 : i32 to index
        %swap3A_688 = tpu.vector_load %arg10[%swap3A_686, %swap3A_687] {strides = array<i32>} : memref<32x768xf32, #tpu.memory_space<vmem>>, vector<1x16xf32>,
        %swap3A_689 = vector.shape_cast %swap3A_688 : vector<1x16xf32> to vector<16xf32>
        %swap3A_690 = vector.shape_cast %add3A_684 : vector<16xf32> to vector<1x16xf32>
        tpu.vector_store %arg10[%swap3A_686, %swap3A_687], %swap3A_690 {strides = array<i32>} : memref<32x768xf32, #tpu.memory_space<vmem>>, vector<1x16xf32>,
        %get3A_691 = arith.constant 18 : i32
        %get3A_692 = arith.index_cast %get3A_691 : i32 to index
        %get3A_693 = arith.index_cast %mul3A_365 : i32 to index
        %get3A_694 = tpu.vector_load %arg10[%get3A_692, %get3A_693] {strides = array<i32>} : memref<32x768xf32, #tpu.memory_space<vmem>>, vector<1x16xf32>,
        %get3A_695 = vector.shape_cast %get3A_694 : vector<1x16xf32> to vector<16xf32>
        %get3A_696 = arith.constant 18 : i32
        %get3A_697 = arith.index_cast %get3A_696 : i32 to index
        %get3A_698 = arith.index_cast %mul3A_365 : i32 to index
        %get3A_699 = tpu.vector_load %arg12[%get3A_697, %get3A_698] {strides = array<i32>} : memref<32x768xf32, #tpu.memory_space<vmem>>, vector<1x16xf32>,
        %get3A_700 = vector.shape_cast %get3A_699 : vector<1x16xf32> to vector<16xf32>
        %add3A_701 = arith.addf %get3A_695, %get3A_700 : vector<16xf32>
        %add3A_702 = arith.addf %add3A_701, %get3A_367 : vector<16xf32>
        %swap3A_703 = arith.constant 18 : i32
        %swap3A_704 = arith.index_cast %swap3A_703 : i32 to index
        %swap3A_705 = arith.index_cast %mul3A_365 : i32 to index
        %swap3A_706 = tpu.vector_load %arg10[%swap3A_704, %swap3A_705] {strides = array<i32>} : memref<32x768xf32, #tpu.memory_space<vmem>>, vector<1x16xf32>,
        %swap3A_707 = vector.shape_cast %swap3A_706 : vector<1x16xf32> to vector<16xf32>
        %swap3A_708 = vector.shape_cast %add3A_702 : vector<16xf32> to vector<1x16xf32>
        tpu.vector_store %arg10[%swap3A_704, %swap3A_705], %swap3A_708 {strides = array<i32>} : memref<32x768xf32, #tpu.memory_space<vmem>>, vector<1x16xf32>,
        %get3A_709 = arith.constant 19 : i32
        %get3A_710 = arith.index_cast %get3A_709 : i32 to index
        %get3A_711 = arith.index_cast %mul3A_365 : i32 to index
        %get3A_712 = tpu.vector_load %arg10[%get3A_710, %get3A_711] {strides = array<i32>} : memref<32x768xf32, #tpu.memory_space<vmem>>, vector<1x16xf32>,
        %get3A_713 = vector.shape_cast %get3A_712 : vector<1x16xf32> to vector<16xf32>
        %get3A_714 = arith.constant 19 : i32
        %get3A_715 = arith.index_cast %get3A_714 : i32 to index
        %get3A_716 = arith.index_cast %mul3A_365 : i32 to index
        %get3A_717 = tpu.vector_load %arg12[%get3A_715, %get3A_716] {strides = array<i32>} : memref<32x768xf32, #tpu.memory_space<vmem>>, vector<1x16xf32>,
        %get3A_718 = vector.shape_cast %get3A_717 : vector<1x16xf32> to vector<16xf32>
        %add3A_719 = arith.addf %get3A_713, %get3A_718 : vector<16xf32>
        %add3A_720 = arith.addf %add3A_719, %get3A_367 : vector<16xf32>
        %swap3A_721 = arith.constant 19 : i32
        %swap3A_722 = arith.index_cast %swap3A_721 : i32 to index
        %swap3A_723 = arith.index_cast %mul3A_365 : i32 to index
        %swap3A_724 = tpu.vector_load %arg10[%swap3A_722, %swap3A_723] {strides = array<i32>} : memref<32x768xf32, #tpu.memory_space<vmem>>, vector<1x16xf32>,
        %swap3A_725 = vector.shape_cast %swap3A_724 : vector<1x16xf32> to vector<16xf32>
        %swap3A_726 = vector.shape_cast %add3A_720 : vector<16xf32> to vector<1x16xf32>
        tpu.vector_store %arg10[%swap3A_722, %swap3A_723], %swap3A_726 {strides = array<i32>} : memref<32x768xf32, #tpu.memory_space<vmem>>, vector<1x16xf32>,
        %get3A_727 = arith.constant 20 : i32
        %get3A_728 = arith.index_cast %get3A_727 : i32 to index
        %get3A_729 = arith.index_cast %mul3A_365 : i32 to index
        %get3A_730 = tpu.vector_load %arg10[%get3A_728, %get3A_729] {strides = array<i32>} : memref<32x768xf32, #tpu.memory_space<vmem>>, vector<1x16xf32>,
        %get3A_731 = vector.shape_cast %get3A_730 : vector<1x16xf32> to vector<16xf32>
        %get3A_732 = arith.constant 20 : i32
        %get3A_733 = arith.index_cast %get3A_732 : i32 to index
        %get3A_734 = arith.index_cast %mul3A_365 : i32 to index
        %get3A_735 = tpu.vector_load %arg12[%get3A_733, %get3A_734] {strides = array<i32>} : memref<32x768xf32, #tpu.memory_space<vmem>>, vector<1x16xf32>,
        %get3A_736 = vector.shape_cast %get3A_735 : vector<1x16xf32> to vector<16xf32>
        %add3A_737 = arith.addf %get3A_731, %get3A_736 : vector<16xf32>
        %add3A_738 = arith.addf %add3A_737, %get3A_367 : vector<16xf32>
        %swap3A_739 = arith.constant 20 : i32
        %swap3A_740 = arith.index_cast %swap3A_739 : i32 to index
        %swap3A_741 = arith.index_cast %mul3A_365 : i32 to index
        %swap3A_742 = tpu.vector_load %arg10[%swap3A_740, %swap3A_741] {strides = array<i32>} : memref<32x768xf32, #tpu.memory_space<vmem>>, vector<1x16xf32>,
        %swap3A_743 = vector.shape_cast %swap3A_742 : vector<1x16xf32> to vector<16xf32>
        %swap3A_744 = vector.shape_cast %add3A_738 : vector<16xf32> to vector<1x16xf32>
        tpu.vector_store %arg10[%swap3A_740, %swap3A_741], %swap3A_744 {strides = array<i32>} : memref<32x768xf32, #tpu.memory_space<vmem>>, vector<1x16xf32>,
        %get3A_745 = arith.constant 21 : i32
        %get3A_746 = arith.index_cast %get3A_745 : i32 to index
        %get3A_747 = arith.index_cast %mul3A_365 : i32 to index
        %get3A_748 = tpu.vector_load %arg10[%get3A_746, %get3A_747] {strides = array<i32>} : memref<32x768xf32, #tpu.memory_space<vmem>>, vector<1x16xf32>,
        %get3A_749 = vector.shape_cast %get3A_748 : vector<1x16xf32> to vector<16xf32>
        %get3A_750 = arith.constant 21 : i32
        %get3A_751 = arith.index_cast %get3A_750 : i32 to index
        %get3A_752 = arith.index_cast %mul3A_365 : i32 to index
        %get3A_753 = tpu.vector_load %arg12[%get3A_751, %get3A_752] {strides = array<i32>} : memref<32x768xf32, #tpu.memory_space<vmem>>, vector<1x16xf32>,
        %get3A_754 = vector.shape_cast %get3A_753 : vector<1x16xf32> to vector<16xf32>
        %add3A_755 = arith.addf %get3A_749, %get3A_754 : vector<16xf32>
        %add3A_756 = arith.addf %add3A_755, %get3A_367 : vector<16xf32>
        %swap3A_757 = arith.constant 21 : i32
        %swap3A_758 = arith.index_cast %swap3A_757 : i32 to index
        %swap3A_759 = arith.index_cast %mul3A_365 : i32 to index
        %swap3A_760 = tpu.vector_load %arg10[%swap3A_758, %swap3A_759] {strides = array<i32>} : memref<32x768xf32, #tpu.memory_space<vmem>>, vector<1x16xf32>,
        %swap3A_761 = vector.shape_cast %swap3A_760 : vector<1x16xf32> to vector<16xf32>
        %swap3A_762 = vector.shape_cast %add3A_756 : vector<16xf32> to vector<1x16xf32>
        tpu.vector_store %arg10[%swap3A_758, %swap3A_759], %swap3A_762 {strides = array<i32>} : memref<32x768xf32, #tpu.memory_space<vmem>>, vector<1x16xf32>,
        %get3A_763 = arith.constant 22 : i32
        %get3A_764 = arith.index_cast %get3A_763 : i32 to index
        %get3A_765 = arith.index_cast %mul3A_365 : i32 to index
        %get3A_766 = tpu.vector_load %arg10[%get3A_764, %get3A_765] {strides = array<i32>} : memref<32x768xf32, #tpu.memory_space<vmem>>, vector<1x16xf32>,
        %get3A_767 = vector.shape_cast %get3A_766 : vector<1x16xf32> to vector<16xf32>
        %get3A_768 = arith.constant 22 : i32
        %get3A_769 = arith.index_cast %get3A_768 : i32 to index
        %get3A_770 = arith.index_cast %mul3A_365 : i32 to index
        %get3A_771 = tpu.vector_load %arg12[%get3A_769, %get3A_770] {strides = array<i32>} : memref<32x768xf32, #tpu.memory_space<vmem>>, vector<1x16xf32>,
        %get3A_772 = vector.shape_cast %get3A_771 : vector<1x16xf32> to vector<16xf32>
        %add3A_773 = arith.addf %get3A_767, %get3A_772 : vector<16xf32>
        %add3A_774 = arith.addf %add3A_773, %get3A_367 : vector<16xf32>
        %swap3A_775 = arith.constant 22 : i32
        %swap3A_776 = arith.index_cast %swap3A_775 : i32 to index
        %swap3A_777 = arith.index_cast %mul3A_365 : i32 to index
        %swap3A_778 = tpu.vector_load %arg10[%swap3A_776, %swap3A_777] {strides = array<i32>} : memref<32x768xf32, #tpu.memory_space<vmem>>, vector<1x16xf32>,
        %swap3A_779 = vector.shape_cast %swap3A_778 : vector<1x16xf32> to vector<16xf32>
        %swap3A_780 = vector.shape_cast %add3A_774 : vector<16xf32> to vector<1x16xf32>
        tpu.vector_store %arg10[%swap3A_776, %swap3A_777], %swap3A_780 {strides = array<i32>} : memref<32x768xf32, #tpu.memory_space<vmem>>, vector<1x16xf32>,
        %get3A_781 = arith.constant 23 : i32
        %get3A_782 = arith.index_cast %get3A_781 : i32 to index
        %get3A_783 = arith.index_cast %mul3A_365 : i32 to index
        %get3A_784 = tpu.vector_load %arg10[%get3A_782, %get3A_783] {strides = array<i32>} : memref<32x768xf32, #tpu.memory_space<vmem>>, vector<1x16xf32>,
        %get3A_785 = vector.shape_cast %get3A_784 : vector<1x16xf32> to vector<16xf32>
        %get3A_786 = arith.constant 23 : i32
        %get3A_787 = arith.index_cast %get3A_786 : i32 to index
        %get3A_788 = arith.index_cast %mul3A_365 : i32 to index
        %get3A_789 = tpu.vector_load %arg12[%get3A_787, %get3A_788] {strides = array<i32>} : memref<32x768xf32, #tpu.memory_space<vmem>>, vector<1x16xf32>,
        %get3A_790 = vector.shape_cast %get3A_789 : vector<1x16xf32> to vector<16xf32>
        %add3A_791 = arith.addf %get3A_785, %get3A_790 : vector<16xf32>
        %add3A_792 = arith.addf %add3A_791, %get3A_367 : vector<16xf32>
        %swap3A_793 = arith.constant 23 : i32
        %swap3A_794 = arith.index_cast %swap3A_793 : i32 to index
        %swap3A_795 = arith.index_cast %mul3A_365 : i32 to index
        %swap3A_796 = tpu.vector_load %arg10[%swap3A_794, %swap3A_795] {strides = array<i32>} : memref<32x768xf32, #tpu.memory_space<vmem>>, vector<1x16xf32>,
        %swap3A_797 = vector.shape_cast %swap3A_796 : vector<1x16xf32> to vector<16xf32>
        %swap3A_798 = vector.shape_cast %add3A_792 : vector<16xf32> to vector<1x16xf32>
        tpu.vector_store %arg10[%swap3A_794, %swap3A_795], %swap3A_798 {strides = array<i32>} : memref<32x768xf32, #tpu.memory_space<vmem>>, vector<1x16xf32>,
        %get3A_799 = arith.constant 24 : i32
        %get3A_800 = arith.index_cast %get3A_799 : i32 to index
        %get3A_801 = arith.index_cast %mul3A_365 : i32 to index
        %get3A_802 = tpu.vector_load %arg10[%get3A_800, %get3A_801] {strides = array<i32>} : memref<32x768xf32, #tpu.memory_space<vmem>>, vector<1x16xf32>,
        %get3A_803 = vector.shape_cast %get3A_802 : vector<1x16xf32> to vector<16xf32>
        %get3A_804 = arith.constant 24 : i32
        %get3A_805 = arith.index_cast %get3A_804 : i32 to index
        %get3A_806 = arith.index_cast %mul3A_365 : i32 to index
        %get3A_807 = tpu.vector_load %arg12[%get3A_805, %get3A_806] {strides = array<i32>} : memref<32x768xf32, #tpu.memory_space<vmem>>, vector<1x16xf32>,
        %get3A_808 = vector.shape_cast %get3A_807 : vector<1x16xf32> to vector<16xf32>
        %add3A_809 = arith.addf %get3A_803, %get3A_808 : vector<16xf32>
        %add3A_810 = arith.addf %add3A_809, %get3A_367 : vector<16xf32>
        %swap3A_811 = arith.constant 24 : i32
        %swap3A_812 = arith.index_cast %swap3A_811 : i32 to index
        %swap3A_813 = arith.index_cast %mul3A_365 : i32 to index
        %swap3A_814 = tpu.vector_load %arg10[%swap3A_812, %swap3A_813] {strides = array<i32>} : memref<32x768xf32, #tpu.memory_space<vmem>>, vector<1x16xf32>,
        %swap3A_815 = vector.shape_cast %swap3A_814 : vector<1x16xf32> to vector<16xf32>
        %swap3A_816 = vector.shape_cast %add3A_810 : vector<16xf32> to vector<1x16xf32>
        tpu.vector_store %arg10[%swap3A_812, %swap3A_813], %swap3A_816 {strides = array<i32>} : memref<32x768xf32, #tpu.memory_space<vmem>>, vector<1x16xf32>,
        %get3A_817 = arith.constant 25 : i32
        %get3A_818 = arith.index_cast %get3A_817 : i32 to index
        %get3A_819 = arith.index_cast %mul3A_365 : i32 to index
        %get3A_820 = tpu.vector_load %arg10[%get3A_818, %get3A_819] {strides = array<i32>} : memref<32x768xf32, #tpu.memory_space<vmem>>, vector<1x16xf32>,
        %get3A_821 = vector.shape_cast %get3A_820 : vector<1x16xf32> to vector<16xf32>
        %get3A_822 = arith.constant 25 : i32
        %get3A_823 = arith.index_cast %get3A_822 : i32 to index
        %get3A_824 = arith.index_cast %mul3A_365 : i32 to index
        %get3A_825 = tpu.vector_load %arg12[%get3A_823, %get3A_824] {strides = array<i32>} : memref<32x768xf32, #tpu.memory_space<vmem>>, vector<1x16xf32>,
        %get3A_826 = vector.shape_cast %get3A_825 : vector<1x16xf32> to vector<16xf32>
        %add3A_827 = arith.addf %get3A_821, %get3A_826 : vector<16xf32>
        %add3A_828 = arith.addf %add3A_827, %get3A_367 : vector<16xf32>
        %swap3A_829 = arith.constant 25 : i32
        %swap3A_830 = arith.index_cast %swap3A_829 : i32 to index
        %swap3A_831 = arith.index_cast %mul3A_365 : i32 to index
        %swap3A_832 = tpu.vector_load %arg10[%swap3A_830, %swap3A_831] {strides = array<i32>} : memref<32x768xf32, #tpu.memory_space<vmem>>, vector<1x16xf32>,
        %swap3A_833 = vector.shape_cast %swap3A_832 : vector<1x16xf32> to vector<16xf32>
        %swap3A_834 = vector.shape_cast %add3A_828 : vector<16xf32> to vector<1x16xf32>
        tpu.vector_store %arg10[%swap3A_830, %swap3A_831], %swap3A_834 {strides = array<i32>} : memref<32x768xf32, #tpu.memory_space<vmem>>, vector<1x16xf32>,
        %get3A_835 = arith.constant 26 : i32
        %get3A_836 = arith.index_cast %get3A_835 : i32 to index
        %get3A_837 = arith.index_cast %mul3A_365 : i32 to index
        %get3A_838 = tpu.vector_load %arg10[%get3A_836, %get3A_837] {strides = array<i32>} : memref<32x768xf32, #tpu.memory_space<vmem>>, vector<1x16xf32>,
        %get3A_839 = vector.shape_cast %get3A_838 : vector<1x16xf32> to vector<16xf32>
        %get3A_840 = arith.constant 26 : i32
        %get3A_841 = arith.index_cast %get3A_840 : i32 to index
        %get3A_842 = arith.index_cast %mul3A_365 : i32 to index
        %get3A_843 = tpu.vector_load %arg12[%get3A_841, %get3A_842] {strides = array<i32>} : memref<32x768xf32, #tpu.memory_space<vmem>>, vector<1x16xf32>,
        %get3A_844 = vector.shape_cast %get3A_843 : vector<1x16xf32> to vector<16xf32>
        %add3A_845 = arith.addf %get3A_839, %get3A_844 : vector<16xf32>
        %add3A_846 = arith.addf %add3A_845, %get3A_367 : vector<16xf32>
        %swap3A_847 = arith.constant 26 : i32
        %swap3A_848 = arith.index_cast %swap3A_847 : i32 to index
        %swap3A_849 = arith.index_cast %mul3A_365 : i32 to index
        %swap3A_850 = tpu.vector_load %arg10[%swap3A_848, %swap3A_849] {strides = array<i32>} : memref<32x768xf32, #tpu.memory_space<vmem>>, vector<1x16xf32>,
        %swap3A_851 = vector.shape_cast %swap3A_850 : vector<1x16xf32> to vector<16xf32>
        %swap3A_852 = vector.shape_cast %add3A_846 : vector<16xf32> to vector<1x16xf32>
        tpu.vector_store %arg10[%swap3A_848, %swap3A_849], %swap3A_852 {strides = array<i32>} : memref<32x768xf32, #tpu.memory_space<vmem>>, vector<1x16xf32>,
        %get3A_853 = arith.constant 27 : i32
        %get3A_854 = arith.index_cast %get3A_853 : i32 to index
        %get3A_855 = arith.index_cast %mul3A_365 : i32 to index
        %get3A_856 = tpu.vector_load %arg10[%get3A_854, %get3A_855] {strides = array<i32>} : memref<32x768xf32, #tpu.memory_space<vmem>>, vector<1x16xf32>,
        %get3A_857 = vector.shape_cast %get3A_856 : vector<1x16xf32> to vector<16xf32>
        %get3A_858 = arith.constant 27 : i32
        %get3A_859 = arith.index_cast %get3A_858 : i32 to index
        %get3A_860 = arith.index_cast %mul3A_365 : i32 to index
        %get3A_861 = tpu.vector_load %arg12[%get3A_859, %get3A_860] {strides = array<i32>} : memref<32x768xf32, #tpu.memory_space<vmem>>, vector<1x16xf32>,
        %get3A_862 = vector.shape_cast %get3A_861 : vector<1x16xf32> to vector<16xf32>
        %add3A_863 = arith.addf %get3A_857, %get3A_862 : vector<16xf32>
        %add3A_864 = arith.addf %add3A_863, %get3A_367 : vector<16xf32>
        %swap3A_865 = arith.constant 27 : i32
        %swap3A_866 = arith.index_cast %swap3A_865 : i32 to index
        %swap3A_867 = arith.index_cast %mul3A_365 : i32 to index
        %swap3A_868 = tpu.vector_load %arg10[%swap3A_866, %swap3A_867] {strides = array<i32>} : memref<32x768xf32, #tpu.memory_space<vmem>>, vector<1x16xf32>,
        %swap3A_869 = vector.shape_cast %swap3A_868 : vector<1x16xf32> to vector<16xf32>
        %swap3A_870 = vector.shape_cast %add3A_864 : vector<16xf32> to vector<1x16xf32>
        tpu.vector_store %arg10[%swap3A_866, %swap3A_867], %swap3A_870 {strides = array<i32>} : memref<32x768xf32, #tpu.memory_space<vmem>>, vector<1x16xf32>,
        %get3A_871 = arith.constant 28 : i32
        %get3A_872 = arith.index_cast %get3A_871 : i32 to index
        %get3A_873 = arith.index_cast %mul3A_365 : i32 to index
        %get3A_874 = tpu.vector_load %arg10[%get3A_872, %get3A_873] {strides = array<i32>} : memref<32x768xf32, #tpu.memory_space<vmem>>, vector<1x16xf32>,
        %get3A_875 = vector.shape_cast %get3A_874 : vector<1x16xf32> to vector<16xf32>
        %get3A_876 = arith.constant 28 : i32
        %get3A_877 = arith.index_cast %get3A_876 : i32 to index
        %get3A_878 = arith.index_cast %mul3A_365 : i32 to index
        %get3A_879 = tpu.vector_load %arg12[%get3A_877, %get3A_878] {strides = array<i32>} : memref<32x768xf32, #tpu.memory_space<vmem>>, vector<1x16xf32>,
        %get3A_880 = vector.shape_cast %get3A_879 : vector<1x16xf32> to vector<16xf32>
        %add3A_881 = arith.addf %get3A_875, %get3A_880 : vector<16xf32>
        %add3A_882 = arith.addf %add3A_881, %get3A_367 : vector<16xf32>
        %swap3A_883 = arith.constant 28 : i32
        %swap3A_884 = arith.index_cast %swap3A_883 : i32 to index
        %swap3A_885 = arith.index_cast %mul3A_365 : i32 to index
        %swap3A_886 = tpu.vector_load %arg10[%swap3A_884, %swap3A_885] {strides = array<i32>} : memref<32x768xf32, #tpu.memory_space<vmem>>, vector<1x16xf32>,
        %swap3A_887 = vector.shape_cast %swap3A_886 : vector<1x16xf32> to vector<16xf32>
        %swap3A_888 = vector.shape_cast %add3A_882 : vector<16xf32> to vector<1x16xf32>
        tpu.vector_store %arg10[%swap3A_884, %swap3A_885], %swap3A_888 {strides = array<i32>} : memref<32x768xf32, #tpu.memory_space<vmem>>, vector<1x16xf32>,
        %get3A_889 = arith.constant 29 : i32
        %get3A_890 = arith.index_cast %get3A_889 : i32 to index
        %get3A_891 = arith.index_cast %mul3A_365 : i32 to index
        %get3A_892 = tpu.vector_load %arg10[%get3A_890, %get3A_891] {strides = array<i32>} : memref<32x768xf32, #tpu.memory_space<vmem>>, vector<1x16xf32>,
        %get3A_893 = vector.shape_cast %get3A_892 : vector<1x16xf32> to vector<16xf32>
        %get3A_894 = arith.constant 29 : i32
        %get3A_895 = arith.index_cast %get3A_894 : i32 to index
        %get3A_896 = arith.index_cast %mul3A_365 : i32 to index
        %get3A_897 = tpu.vector_load %arg12[%get3A_895, %get3A_896] {strides = array<i32>} : memref<32x768xf32, #tpu.memory_space<vmem>>, vector<1x16xf32>,
        %get3A_898 = vector.shape_cast %get3A_897 : vector<1x16xf32> to vector<16xf32>
        %add3A_899 = arith.addf %get3A_893, %get3A_898 : vector<16xf32>
        %add3A_900 = arith.addf %add3A_899, %get3A_367 : vector<16xf32>
        %swap3A_901 = arith.constant 29 : i32
        %swap3A_902 = arith.index_cast %swap3A_901 : i32 to index
        %swap3A_903 = arith.index_cast %mul3A_365 : i32 to index
        %swap3A_904 = tpu.vector_load %arg10[%swap3A_902, %swap3A_903] {strides = array<i32>} : memref<32x768xf32, #tpu.memory_space<vmem>>, vector<1x16xf32>,
        %swap3A_905 = vector.shape_cast %swap3A_904 : vector<1x16xf32> to vector<16xf32>
        %swap3A_906 = vector.shape_cast %add3A_900 : vector<16xf32> to vector<1x16xf32>
        tpu.vector_store %arg10[%swap3A_902, %swap3A_903], %swap3A_906 {strides = array<i32>} : memref<32x768xf32, #tpu.memory_space<vmem>>, vector<1x16xf32>,
        %get3A_907 = arith.constant 30 : i32
        %get3A_908 = arith.index_cast %get3A_907 : i32 to index
        %get3A_909 = arith.index_cast %mul3A_365 : i32 to index
        %get3A_910 = tpu.vector_load %arg10[%get3A_908, %get3A_909] {strides = array<i32>} : memref<32x768xf32, #tpu.memory_space<vmem>>, vector<1x16xf32>,
        %get3A_911 = vector.shape_cast %get3A_910 : vector<1x16xf32> to vector<16xf32>
        %get3A_912 = arith.constant 30 : i32
        %get3A_913 = arith.index_cast %get3A_912 : i32 to index
        %get3A_914 = arith.index_cast %mul3A_365 : i32 to index
        %get3A_915 = tpu.vector_load %arg12[%get3A_913, %get3A_914] {strides = array<i32>} : memref<32x768xf32, #tpu.memory_space<vmem>>, vector<1x16xf32>,
        %get3A_916 = vector.shape_cast %get3A_915 : vector<1x16xf32> to vector<16xf32>
        %add3A_917 = arith.addf %get3A_911, %get3A_916 : vector<16xf32>
        %add3A_918 = arith.addf %add3A_917, %get3A_367 : vector<16xf32>
        %swap3A_919 = arith.constant 30 : i32
        %swap3A_920 = arith.index_cast %swap3A_919 : i32 to index
        %swap3A_921 = arith.index_cast %mul3A_365 : i32 to index
        %swap3A_922 = tpu.vector_load %arg10[%swap3A_920, %swap3A_921] {strides = array<i32>} : memref<32x768xf32, #tpu.memory_space<vmem>>, vector<1x16xf32>,
        %swap3A_923 = vector.shape_cast %swap3A_922 : vector<1x16xf32> to vector<16xf32>
        %swap3A_924 = vector.shape_cast %add3A_918 : vector<16xf32> to vector<1x16xf32>
        tpu.vector_store %arg10[%swap3A_920, %swap3A_921], %swap3A_924 {strides = array<i32>} : memref<32x768xf32, #tpu.memory_space<vmem>>, vector<1x16xf32>,
        %get3A_925 = arith.constant 31 : i32
        %get3A_926 = arith.index_cast %get3A_925 : i32 to index
        %get3A_927 = arith.index_cast %mul3A_365 : i32 to index
        %get3A_928 = tpu.vector_load %arg10[%get3A_926, %get3A_927] {strides = array<i32>} : memref<32x768xf32, #tpu.memory_space<vmem>>, vector<1x16xf32>,
        %get3A_929 = vector.shape_cast %get3A_928 : vector<1x16xf32> to vector<16xf32>
        %get3A_930 = arith.constant 31 : i32
        %get3A_931 = arith.index_cast %get3A_930 : i32 to index
        %get3A_932 = arith.index_cast %mul3A_365 : i32 to index
        %get3A_933 = tpu.vector_load %arg12[%get3A_931, %get3A_932] {strides = array<i32>} : memref<32x768xf32, #tpu.memory_space<vmem>>, vector<1x16xf32>,
        %get3A_934 = vector.shape_cast %get3A_933 : vector<1x16xf32> to vector<16xf32>
        %add3A_935 = arith.addf %get3A_929, %get3A_934 : vector<16xf32>
        %add3A_936 = arith.addf %add3A_935, %get3A_367 : vector<16xf32>
        %swap3A_937 = arith.constant 31 : i32
        %swap3A_938 = arith.index_cast %swap3A_937 : i32 to index
        %swap3A_939 = arith.index_cast %mul3A_365 : i32 to index
        %swap3A_940 = tpu.vector_load %arg10[%swap3A_938, %swap3A_939] {strides = array<i32>} : memref<32x768xf32, #tpu.memory_space<vmem>>, vector<1x16xf32>,
        %swap3A_941 = vector.shape_cast %swap3A_940 : vector<1x16xf32> to vector<16xf32>
        %swap3A_942 = vector.shape_cast %add3A_936 : vector<16xf32> to vector<1x16xf32>
        tpu.vector_store %arg10[%swap3A_938, %swap3A_939], %swap3A_942 {strides = array<i32>} : memref<32x768xf32, #tpu.memory_space<vmem>>, vector<1x16xf32>,
        %scan3A_943 = arith.constant 0 : i32
        scf.yield %scan3A_943 : i32
      }
      %scan3A_349 = arith.constant 48 : i32
      %add3A_350 = arith.constant 1 : i32
      %add3A_351 = arith.addi %mul3A_114, %add3A_350 : i32
      %mul3A_352 = arith.constant 32 : i32
      %mul3A_353 = arith.muli %add3A_351, %mul3A_352 : i32
      %add3A_354 = arith.addi %mul3A_34, %mul3A_353 : i32
      %dma_start3A_355 = arith.constant 0 : i32
      %dma_start3A_356 = tpu.memref_slice %arg6[%select_n3A, %add3A_354, %dma_start3A_355] : memref<4x4097x768xf32, #tpu.memory_space<hbm>> -> memref<1x32x768xf32, #tpu.memory_space<hbm>>
      %dma_start3A_357 = tpu.memref_squeeze %dma_start3A_356 : memref<1x32x768xf32, #tpu.memory_space<hbm>> -> memref<32x768xf32, #tpu.memory_space<hbm>>
      %dma_start3A_358 = arith.constant 0 : i32
      %dma_start3A_359 = tpu.memref_slice %arg6[%select_n3A, %add3A_354, %dma_start3A_358] : memref<4x4097x768xf32, #tpu.memory_space<hbm>> -> memref<1x32x768xf32, #tpu.memory_space<hbm>>
      %dma_start3A_360 = tpu.memref_squeeze %dma_start3A_359 : memref<1x32x768xf32, #tpu.memory_space<hbm>> -> memref<32x768xf32, #tpu.memory_space<hbm>>
      tpu.enqueue_dma source(%arg10 : memref<32x768xf32, #tpu.memory_space<vmem>>) target(%dma_start3A_360 : memref<32x768xf32, #tpu.memory_space<hbm>>) target_semaphore(%arg18 : memref<!tpu.dma_semaphore, #tpu.memory_space<semaphore_mem>>)
      %scan3A_361 = arith.constant 0 : i32
      scf.yield %scan3A_361 : i32
    }
    %scan3A_100 = arith.constant 8 : i32
    %add3A_101 = arith.constant 480 : i32
    %add3A_102 = arith.addi %mul3A_34, %add3A_101 : i32
    %dma_wait3A = arith.constant 0 : i32
    %dma_wait3A_103 = tpu.memref_slice %arg6[%select_n3A, %add3A_102, %dma_wait3A] : memref<4x4097x768xf32, #tpu.memory_space<hbm>> -> memref<1x32x768xf32, #tpu.memory_space<hbm>>
    %dma_wait3A_104 = tpu.memref_squeeze %dma_wait3A_103 : memref<1x32x768xf32, #tpu.memory_space<hbm>> -> memref<32x768xf32, #tpu.memory_space<hbm>>
    %dma_wait3A_105 = arith.constant 0 : i32
    %dma_wait3A_106 = tpu.memref_slice %arg6[%select_n3A, %add3A_102, %dma_wait3A_105] : memref<4x4097x768xf32, #tpu.memory_space<hbm>> -> memref<1x32x768xf32, #tpu.memory_space<hbm>>
    %dma_wait3A_107 = tpu.memref_squeeze %dma_wait3A_106 : memref<1x32x768xf32, #tpu.memory_space<hbm>> -> memref<32x768xf32, #tpu.memory_space<hbm>>
    tpu.wait_dma2 semaphore(%arg18 : memref<!tpu.dma_semaphore, #tpu.memory_space<semaphore_mem>>) src(%arg10 : memref<32x768xf32, #tpu.memory_space<vmem>>) dst(%dma_wait3A_107 : memref<32x768xf32, #tpu.memory_space<hbm>>)
    %eq3A_108 = arith.constant 7 : i32
    %eq3A_109 = arith.cmpi eq, %select_n3A_30, %eq3A_108 : i32
    %convert_element_type3A = arith.extui %eq3A_109 : i1 to i32
    %cond3A = arith.constant 0 : i32
    %cond3A_110 = arith.cmpi ne, %convert_element_type3A, %cond3A : i32
    scf.if %cond3A_110 {
      %dma_start3A_111 = arith.constant 32 : i32
      %dma_start3A_112 = arith.constant 0 : i32
      %dma_start3A_113 = arith.constant 0 : i32
      %dma_start3A_114 = tpu.memref_slice %arg9[%dma_start3A_112, %dma_start3A_113] : memref<32x768xf32, #tpu.memory_space<vmem>> -> memref<16x768xf32, #tpu.memory_space<vmem>>
      %dma_start3A_115 = arith.constant 0 : i32
      %dma_start3A_116 = tpu.memref_slice %arg7[%dma_start3A_111, %dma_start3A_115] : memref<33x128xi32, #tpu.memory_space<vmem>> -> memref<1x16xi32, #tpu.memory_space<vmem>>
      %dma_start3A_117 = tpu.memref_squeeze %dma_start3A_116 : memref<1x16xi32, #tpu.memory_space<vmem>> -> memref<16xi32, #tpu.memory_space<vmem>>
      %dma_start3A_118 = arith.constant 0 : i32
      %dma_start3A_119 = arith.constant 0 : i32
      %dma_start3A_120 = tpu.memref_slice %arg2[%select_n3A, %dma_start3A_118, %dma_start3A_119] : memref<4x4097x768xf32, #tpu.memory_space<hbm>> -> memref<1x4097x768xf32, #tpu.memory_space<hbm>>
      %dma_start3A_121 = tpu.memref_squeeze %dma_start3A_120 : memref<1x4097x768xf32, #tpu.memory_space<hbm>> -> memref<4097x768xf32, #tpu.memory_space<hbm>>
      %dma_start3A_122 = arith.constant 0 : i32
      %dma_start3A_123 = arith.constant 0 : i32
      %dma_start3A_124 = tpu.memref_slice %dma_start3A_121[%dma_start3A_122, %dma_start3A_123] : memref<4097x768xf32, #tpu.memory_space<hbm>> -> memref<4097x768xf32, #tpu.memory_space<hbm>>
      tpu.enqueue_indirect_dma source(%dma_start3A_124 : memref<4097x768xf32, #tpu.memory_space<hbm>>) target(%dma_start3A_114 : memref<16x768xf32, #tpu.memory_space<vmem>>) offsets(%dma_start3A_117 : memref<16xi32, #tpu.memory_space<vmem>>) semaphore(%arg13 : memref<!tpu.dma_semaphore, #tpu.memory_space<semaphore_mem>>)
      %run_scoped3A_125 = arith.constant 0 : i32
      "tpu.region"() ({
        %run_scoped3A_147 = tpu.sem_alloc : memref<!tpu.dma_semaphore, #tpu.memory_space<semaphore_mem>>
        %dma_start3A_148 = arith.constant 0 : i32
        %dma_start3A_149 = arith.constant 0 : i32
        %dma_start3A_150 = tpu.memref_slice %arg11[%dma_start3A_148, %dma_start3A_149] : memref<32x768xf32, #tpu.memory_space<vmem>> -> memref<1x768xf32, #tpu.memory_space<vmem>>
        %dma_start3A_151 = arith.constant 4096 : i32
        %dma_start3A_152 = arith.constant 0 : i32
        %dma_start3A_153 = tpu.memref_slice %arg5[%run_scoped3A_125, %dma_start3A_151, %dma_start3A_152] : memref<1x4097x768xf32, #tpu.memory_space<hbm>> -> memref<1x1x768xf32, #tpu.memory_space<hbm>>
        %dma_start3A_154 = tpu.memref_squeeze %dma_start3A_153 : memref<1x1x768xf32, #tpu.memory_space<hbm>> -> memref<1x768xf32, #tpu.memory_space<hbm>>
        %dma_start3A_155 = arith.constant 0 : i32
        %dma_start3A_156 = arith.constant 0 : i32
        %dma_start3A_157 = tpu.memref_slice %arg11[%dma_start3A_155, %dma_start3A_156] : memref<32x768xf32, #tpu.memory_space<vmem>> -> memref<1x768xf32, #tpu.memory_space<vmem>>
        %dma_start3A_158 = arith.constant 4096 : i32
        %dma_start3A_159 = arith.constant 0 : i32
        %dma_start3A_160 = tpu.memref_slice %arg5[%run_scoped3A_125, %dma_start3A_158, %dma_start3A_159] : memref<1x4097x768xf32, #tpu.memory_space<hbm>> -> memref<1x1x768xf32, #tpu.memory_space<hbm>>
        %dma_start3A_161 = tpu.memref_squeeze %dma_start3A_160 : memref<1x1x768xf32, #tpu.memory_space<hbm>> -> memref<1x768xf32, #tpu.memory_space<hbm>>
        tpu.enqueue_dma source(%dma_start3A_161 : memref<1x768xf32, #tpu.memory_space<hbm>>) target(%dma_start3A_157 : memref<1x768xf32, #tpu.memory_space<vmem>>) target_semaphore(%run_scoped3A_147 : memref<!tpu.dma_semaphore, #tpu.memory_space<semaphore_mem>>)
        %dma_wait3A_162 = arith.constant 0 : i32
        %dma_wait3A_163 = arith.constant 0 : i32
        %dma_wait3A_164 = tpu.memref_slice %arg11[%dma_wait3A_162, %dma_wait3A_163] : memref<32x768xf32, #tpu.memory_space<vmem>> -> memref<1x768xf32, #tpu.memory_space<vmem>>
        %dma_wait3A_165 = arith.constant 4096 : i32
        %dma_wait3A_166 = arith.constant 0 : i32
        %dma_wait3A_167 = tpu.memref_slice %arg5[%run_scoped3A_125, %dma_wait3A_165, %dma_wait3A_166] : memref<1x4097x768xf32, #tpu.memory_space<hbm>> -> memref<1x1x768xf32, #tpu.memory_space<hbm>>
        %dma_wait3A_168 = tpu.memref_squeeze %dma_wait3A_167 : memref<1x1x768xf32, #tpu.memory_space<hbm>> -> memref<1x768xf32, #tpu.memory_space<hbm>>
        %dma_wait3A_169 = arith.constant 0 : i32
        %dma_wait3A_170 = arith.constant 0 : i32
        %dma_wait3A_171 = tpu.memref_slice %arg11[%dma_wait3A_169, %dma_wait3A_170] : memref<32x768xf32, #tpu.memory_space<vmem>> -> memref<1x768xf32, #tpu.memory_space<vmem>>
        %dma_wait3A_172 = arith.constant 4096 : i32
        %dma_wait3A_173 = arith.constant 0 : i32
        %dma_wait3A_174 = tpu.memref_slice %arg5[%run_scoped3A_125, %dma_wait3A_172, %dma_wait3A_173] : memref<1x4097x768xf32, #tpu.memory_space<hbm>> -> memref<1x1x768xf32, #tpu.memory_space<hbm>>
        %dma_wait3A_175 = tpu.memref_squeeze %dma_wait3A_174 : memref<1x1x768xf32, #tpu.memory_space<hbm>> -> memref<1x768xf32, #tpu.memory_space<hbm>>
        tpu.wait_dma2 semaphore(%run_scoped3A_147 : memref<!tpu.dma_semaphore, #tpu.memory_space<semaphore_mem>>) src(%dma_wait3A_175 : memref<1x768xf32, #tpu.memory_space<hbm>>) dst(%dma_wait3A_171 : memref<1x768xf32, #tpu.memory_space<vmem>>)
        tpu.yield
      }) : () -> ()
      %dma_wait3A_126 = arith.constant 32 : i32
      %dma_wait3A_127 = arith.constant 0 : i32
      %dma_wait3A_128 = arith.constant 0 : i32
      %dma_wait3A_129 = tpu.memref_slice %arg9[%dma_wait3A_127, %dma_wait3A_128] : memref<32x768xf32, #tpu.memory_space<vmem>> -> memref<16x768xf32, #tpu.memory_space<vmem>>
      %dma_wait3A_130 = arith.constant 0 : i32
      %dma_wait3A_131 = tpu.memref_slice %arg7[%dma_wait3A_126, %dma_wait3A_130] : memref<33x128xi32, #tpu.memory_space<vmem>> -> memref<1x16xi32, #tpu.memory_space<vmem>>
      %dma_wait3A_132 = tpu.memref_squeeze %dma_wait3A_131 : memref<1x16xi32, #tpu.memory_space<vmem>> -> memref<16xi32, #tpu.memory_space<vmem>>
      %dma_wait3A_133 = arith.constant 0 : i32
      %dma_wait3A_134 = arith.constant 0 : i32
      %dma_wait3A_135 = tpu.memref_slice %arg2[%select_n3A, %dma_wait3A_133, %dma_wait3A_134] : memref<4x4097x768xf32, #tpu.memory_space<hbm>> -> memref<1x4097x768xf32, #tpu.memory_space<hbm>>
      %dma_wait3A_136 = tpu.memref_squeeze %dma_wait3A_135 : memref<1x4097x768xf32, #tpu.memory_space<hbm>> -> memref<4097x768xf32, #tpu.memory_space<hbm>>
      %dma_wait3A_137 = arith.constant 0 : i32
      %dma_wait3A_138 = arith.constant 0 : i32
      %dma_wait3A_139 = tpu.memref_slice %dma_wait3A_136[%dma_wait3A_137, %dma_wait3A_138] : memref<4097x768xf32, #tpu.memory_space<hbm>> -> memref<4097x768xf32, #tpu.memory_space<hbm>>
      tpu.wait_indirect_dma semaphore(%arg13 : memref<!tpu.dma_semaphore, #tpu.memory_space<semaphore_mem>>) src(%dma_wait3A_139 : memref<4097x768xf32, #tpu.memory_space<hbm>>) dst(%dma_wait3A_129 : memref<16x768xf32, #tpu.memory_space<vmem>>)
      %scan3A_140 = arith.constant 0 : i32
      %scan3A_141 = arith.constant 0 : i32
      %scan3A_142 = arith.constant 48 : i32
      %scan3A_143 = arith.addi %scan3A_141, %scan3A_142 : i32
      %scan3A_144 = arith.constant 1 : i32
      %scan3A_145 = scf.for %scan3A_147 = %scan3A_141 to %scan3A_143 step %scan3A_144 iter_args(%scan3A_148 = %scan3A_140) -> (i32)  : i32 {
        %mul3A_149 = arith.constant 16 : i32
        %mul3A_150 = arith.muli %scan3A_147, %mul3A_149 : i32
        %get3A = arith.constant 0 : i32
        %get3A_151 = arith.index_cast %get3A : i32 to index
        %get3A_152 = arith.index_cast %mul3A_150 : i32 to index
        %get3A_153 = tpu.vector_load %arg9[%get3A_151, %get3A_152] {strides = array<i32>} : memref<32x768xf32, #tpu.memory_space<vmem>>, vector<1x16xf32>,
        %get3A_154 = vector.shape_cast %get3A_153 : vector<1x16xf32> to vector<16xf32>
        %get3A_155 = arith.constant 0 : i32
        %get3A_156 = arith.index_cast %get3A_155 : i32 to index
        %get3A_157 = arith.index_cast %mul3A_150 : i32 to index
        %get3A_158 = tpu.vector_load %arg11[%get3A_156, %get3A_157] {strides = array<i32>} : memref<32x768xf32, #tpu.memory_space<vmem>>, vector<1x16xf32>,
        %get3A_159 = vector.shape_cast %get3A_158 : vector<1x16xf32> to vector<16xf32>
        %add3A_160 = arith.addf %get3A_154, %get3A_159 : vector<16xf32>
        %get3A_161 = arith.index_cast %mul3A_150 : i32 to index
        %get3A_162 = tpu.vector_load %arg8[%get3A_161] {strides = array<i32>} : memref<768xf32, #tpu.memory_space<vmem>>, vector<16xf32>,
        %get3A_163 = vector.shape_cast %get3A_162 : vector<16xf32> to vector<16xf32>
        %add3A_164 = arith.addf %add3A_160, %get3A_163 : vector<16xf32>
        %swap3A = arith.constant 0 : i32
        %swap3A_165 = arith.index_cast %swap3A : i32 to index
        %swap3A_166 = arith.index_cast %mul3A_150 : i32 to index
        %swap3A_167 = tpu.vector_load %arg9[%swap3A_165, %swap3A_166] {strides = array<i32>} : memref<32x768xf32, #tpu.memory_space<vmem>>, vector<1x16xf32>,
        %swap3A_168 = vector.shape_cast %swap3A_167 : vector<1x16xf32> to vector<16xf32>
        %swap3A_169 = vector.shape_cast %add3A_164 : vector<16xf32> to vector<1x16xf32>
        tpu.vector_store %arg9[%swap3A_165, %swap3A_166], %swap3A_169 {strides = array<i32>} : memref<32x768xf32, #tpu.memory_space<vmem>>, vector<1x16xf32>,
        %scan3A_170 = arith.constant 0 : i32
        scf.yield %scan3A_170 : i32
      }
      %scan3A_146 = arith.constant 48 : i32
      "tpu.region"() ({
        %run_scoped3A_147 = tpu.sem_alloc : memref<!tpu.dma_semaphore, #tpu.memory_space<semaphore_mem>>
        %dma_start3A_148 = arith.constant 0 : i32
        %dma_start3A_149 = arith.constant 0 : i32
        %dma_start3A_150 = tpu.memref_slice %arg9[%dma_start3A_148, %dma_start3A_149] : memref<32x768xf32, #tpu.memory_space<vmem>> -> memref<1x768xf32, #tpu.memory_space<vmem>>
        %dma_start3A_151 = arith.constant 4096 : i32
        %dma_start3A_152 = arith.constant 0 : i32
        %dma_start3A_153 = tpu.memref_slice %arg6[%select_n3A, %dma_start3A_151, %dma_start3A_152] : memref<4x4097x768xf32, #tpu.memory_space<hbm>> -> memref<1x1x768xf32, #tpu.memory_space<hbm>>
        %dma_start3A_154 = tpu.memref_squeeze %dma_start3A_153 : memref<1x1x768xf32, #tpu.memory_space<hbm>> -> memref<1x768xf32, #tpu.memory_space<hbm>>
        %dma_start3A_155 = arith.constant 4096 : i32
        %dma_start3A_156 = arith.constant 0 : i32
        %dma_start3A_157 = tpu.memref_slice %arg6[%select_n3A, %dma_start3A_155, %dma_start3A_156] : memref<4x4097x768xf32, #tpu.memory_space<hbm>> -> memref<1x1x768xf32, #tpu.memory_space<hbm>>
        %dma_start3A_158 = tpu.memref_squeeze %dma_start3A_157 : memref<1x1x768xf32, #tpu.memory_space<hbm>> -> memref<1x768xf32, #tpu.memory_space<hbm>>
        %dma_start3A_159 = arith.constant 0 : i32
        %dma_start3A_160 = arith.constant 0 : i32
        %dma_start3A_161 = tpu.memref_slice %arg9[%dma_start3A_159, %dma_start3A_160] : memref<32x768xf32, #tpu.memory_space<vmem>> -> memref<1x768xf32, #tpu.memory_space<vmem>>
        tpu.enqueue_dma source(%dma_start3A_161 : memref<1x768xf32, #tpu.memory_space<vmem>>) target(%dma_start3A_158 : memref<1x768xf32, #tpu.memory_space<hbm>>) target_semaphore(%run_scoped3A_147 : memref<!tpu.dma_semaphore, #tpu.memory_space<semaphore_mem>>)
        %dma_wait3A_162 = arith.constant 0 : i32
        %dma_wait3A_163 = arith.constant 0 : i32
        %dma_wait3A_164 = tpu.memref_slice %arg9[%dma_wait3A_162, %dma_wait3A_163] : memref<32x768xf32, #tpu.memory_space<vmem>> -> memref<1x768xf32, #tpu.memory_space<vmem>>
        %dma_wait3A_165 = arith.constant 4096 : i32
        %dma_wait3A_166 = arith.constant 0 : i32
        %dma_wait3A_167 = tpu.memref_slice %arg6[%select_n3A, %dma_wait3A_165, %dma_wait3A_166] : memref<4x4097x768xf32, #tpu.memory_space<hbm>> -> memref<1x1x768xf32, #tpu.memory_space<hbm>>
        %dma_wait3A_168 = tpu.memref_squeeze %dma_wait3A_167 : memref<1x1x768xf32, #tpu.memory_space<hbm>> -> memref<1x768xf32, #tpu.memory_space<hbm>>
        %dma_wait3A_169 = arith.constant 4096 : i32
        %dma_wait3A_170 = arith.constant 0 : i32
        %dma_wait3A_171 = tpu.memref_slice %arg6[%select_n3A, %dma_wait3A_169, %dma_wait3A_170] : memref<4x4097x768xf32, #tpu.memory_space<hbm>> -> memref<1x1x768xf32, #tpu.memory_space<hbm>>
        %dma_wait3A_172 = tpu.memref_squeeze %dma_wait3A_171 : memref<1x1x768xf32, #tpu.memory_space<hbm>> -> memref<1x768xf32, #tpu.memory_space<hbm>>
        %dma_wait3A_173 = arith.constant 0 : i32
        %dma_wait3A_174 = arith.constant 0 : i32
        %dma_wait3A_175 = tpu.memref_slice %arg9[%dma_wait3A_173, %dma_wait3A_174] : memref<32x768xf32, #tpu.memory_space<vmem>> -> memref<1x768xf32, #tpu.memory_space<vmem>>
        tpu.wait_dma2 semaphore(%run_scoped3A_147 : memref<!tpu.dma_semaphore, #tpu.memory_space<semaphore_mem>>) src(%dma_wait3A_175 : memref<1x768xf32, #tpu.memory_space<vmem>>) dst(%dma_wait3A_172 : memref<1x768xf32, #tpu.memory_space<hbm>>)
        tpu.yield
      }) : () -> ()
    } else {
    }
    return
  }
}

module attributes {stable_mosaic.version = 14 : i64} {
  func.func @_index_body(%arg0: i32, %arg1: memref<1x33x128xf32, #tpu.memory_space<vmem>>, %arg2: memref<1x33x128xi32, #tpu.memory_space<vmem>>) attributes {dimension_semantics = [#tpu.dimension_semantics<arbitrary>], iteration_bounds = array<i64: 4>, scalar_prefetch = 0 : i64, scratch_operands = 0 : i64, tpu.core_type = #tpu.core_type<tc>, window_params = [{transform_indices = @transform_0, window_bounds = array<i64: 1, 33, 128>}, {transform_indices = @transform_1, window_bounds = array<i64: 1, 33, 128>}]} {
    %get3A = arith.constant 0 : index
    %get3A_0 = arith.constant 0 : index
    %get3A_1 = arith.constant 0 : index
    %get3A_2 = vector.load %arg1[%get3A, %get3A_0, %get3A_1] : memref<1x33x128xf32, #tpu.memory_space<vmem>>, vector<1x33x128xf32>
    %get3A_3 = vector.shape_cast %get3A_2 : vector<1x33x128xf32> to vector<33x128xf32>
    %gt3A = arith.constant 0.000000e+00 : f32
    %gt3A_4 = vector.broadcast %gt3A : f32 to vector<33x128xf32>
    %gt3A_5 = arith.cmpf ogt, %get3A_3, %gt3A_4 : vector<33x128xf32>
    %convert_element_type3A = arith.extui %gt3A_5 : vector<33x128xi1> to vector<33x128xi32>
    %convert_element_type3A_6 = arith.sitofp %convert_element_type3A : vector<33x128xi32> to vector<33x128xf32>
    %iota3A = tpu.iota {dimensions = array<i32: 0>} : vector<128x128xi32>
    %iota3A_7 = tpu.iota {dimensions = array<i32: 1>} : vector<128x128xi32>
    %le3A = arith.cmpi sle, %iota3A, %iota3A_7 : vector<128x128xi32>
    %convert_element_type3A_8 = arith.extui %le3A : vector<128x128xi1> to vector<128x128xi32>
    %convert_element_type3A_9 = arith.sitofp %convert_element_type3A_8 : vector<128x128xi32> to vector<128x128xf32>
    %iota3A_10 = tpu.iota {dimensions = array<i32: 0>} : vector<33x33xi32>
    %iota3A_11 = tpu.iota {dimensions = array<i32: 1>} : vector<33x33xi32>
    %lt3A = arith.cmpi slt, %iota3A_11, %iota3A_10 : vector<33x33xi32>
    %convert_element_type3A_12 = arith.extui %lt3A : vector<33x33xi1> to vector<33x33xi32>
    %convert_element_type3A_13 = arith.sitofp %convert_element_type3A_12 : vector<33x33xi32> to vector<33x33xf32>
    %dot_general3A = arith.constant dense<0.000000e+00> : vector<33x128xf32>
    %dot_general3A_14 = tpu.matmul %convert_element_type3A_6, %convert_element_type3A_9, %dot_general3A {dimension_numbers = #tpu.dot_dimension_numbers<[1], [0], [0], [1], [0, 0, 1, 1], [], []>, transpose_lhs_hint = false} : vector<33x128xf32>, vector<128x128xf32>, vector<33x128xf32> -> vector<33x128xf32>
    %slice3A = vector.extract_strided_slice %dot_general3A_14 {offsets = [0, 127], sizes = [33, 1], strides = [1, 1]} : vector<33x128xf32> to vector<33x1xf32>
    %dot_general3A_15 = arith.constant dense<0.000000e+00> : vector<33x1xf32>
    %dot_general3A_16 = tpu.matmul %convert_element_type3A_13, %slice3A, %dot_general3A_15 {dimension_numbers = #tpu.dot_dimension_numbers<[1], [0], [0], [1], [0, 0, 1, 1], [], []>, transpose_lhs_hint = false} : vector<33x33xf32>, vector<33x1xf32>, vector<33x1xf32> -> vector<33x1xf32>
    %add3A = vector.broadcast %dot_general3A_16 : vector<33x1xf32> to vector<33x128xf32>
    %add3A_17 = arith.addf %dot_general3A_14, %add3A : vector<33x128xf32>
    %slice3A_18 = vector.extract_strided_slice %add3A_17 {offsets = [32, 127], sizes = [1, 1], strides = [1, 1]} : vector<33x128xf32> to vector<1x1xf32>
    %iota3A_19 = tpu.iota {dimensions = array<i32: 0>} : vector<33x128xi32>
    %mul3A = arith.constant 128 : i32
    %mul3A_20 = vector.broadcast %mul3A : i32 to vector<33x128xi32>
    %mul3A_21 = arith.muli %iota3A_19, %mul3A_20 : vector<33x128xi32>
    %iota3A_22 = tpu.iota {dimensions = array<i32: 1>} : vector<33x128xi32>
    %add3A_23 = arith.addi %mul3A_21, %iota3A_22 : vector<33x128xi32>
    %convert_element_type3A_24 = arith.sitofp %add3A_23 : vector<33x128xi32> to vector<33x128xf32>
    %sub3A = arith.subf %add3A_17, %convert_element_type3A_6 : vector<33x128xf32>
    %add3A_25 = vector.broadcast %slice3A_18 : vector<1x1xf32> to vector<33x128xf32>
    %add3A_26 = arith.addf %add3A_25, %convert_element_type3A_24 : vector<33x128xf32>
    %sub3A_27 = arith.subf %add3A_26, %add3A_17 : vector<33x128xf32>
    %gt3A_28 = arith.constant 0.000000e+00 : f32
    %gt3A_29 = vector.broadcast %gt3A_28 : f32 to vector<33x128xf32>
    %gt3A_30 = arith.cmpf ogt, %convert_element_type3A_6, %gt3A_29 : vector<33x128xf32>
    %select_n3A = arith.select %gt3A_30, %sub3A, %sub3A_27 : vector<33x128xi1>, vector<33x128xf32>
    %min3A = arith.constant 4.096000e+03 : f32
    %min3A_31 = vector.broadcast %min3A : f32 to vector<33x128xf32>
    %min3A_32 = arith.minimumf %select_n3A, %min3A_31 : vector<33x128xf32>
    %convert_element_type3A_33 = arith.fptosi %min3A_32 : vector<33x128xf32> to vector<33x128xi32>
    %swap3A = arith.constant 0 : index
    %swap3A_34 = arith.constant 0 : index
    %swap3A_35 = arith.constant 0 : index
    %swap3A_36 = vector.load %arg2[%swap3A, %swap3A_34, %swap3A_35] : memref<1x33x128xi32, #tpu.memory_space<vmem>>, vector<1x33x128xi32>
    %swap3A_37 = vector.shape_cast %swap3A_36 : vector<1x33x128xi32> to vector<33x128xi32>
    %swap3A_38 = vector.shape_cast %convert_element_type3A_33 : vector<33x128xi32> to vector<1x33x128xi32>
    tpu.vector_store %arg2[%swap3A, %swap3A_34, %swap3A_35], %swap3A_38 {strides = array<i32>} : memref<1x33x128xi32, #tpu.memory_space<vmem>>, vector<1x33x128xi32>,
    return
  }
  func.func @transform_0(%arg0: i32) -> (i32, i32, i32) {
    %c0_i32 = arith.constant 0 : i32
    %c0_i32_0 = arith.constant 0 : i32
    %c0_i32_1 = arith.constant 0 : i32
    return %arg0, %c0_i32, %c0_i32_0 : i32, i32, i32
  }
  func.func @transform_1(%arg0: i32) -> (i32, i32, i32) {
    %c0_i32 = arith.constant 0 : i32
    %c0_i32_0 = arith.constant 0 : i32
    %c0_i32_1 = arith.constant 0 : i32
    return %arg0, %c0_i32, %c0_i32_0 : i32, i32, i32
  }
}

</mosaic_0001>

<sc_bundles>
// kernel: kernel.4.cloned.1.call-start
scs
__scs_entry_jumppad:
0x0: {  	(pc) =	sbr.rel $0x88, $3  }
0x1: {  	(tag) =	ssettag $0x0;
	lr =	simm.s32 $0x1  }
0x2: {  	[smem:$0x3F9D] =	sst lr;
	_ =	strace $0xD0000000  }
0x3: {  	_ = 	snop  }
0x4: {  	_ = 	snop  }
0x5: {  	_ = 	snop  }
0x6: {  	_ = 	snop  }
0x7: {  	_ = 	snop  }
__scs_overlays_trampoline_lowered:
0x8: {  	[smem:$0x3FAC] =	sst s0  }
0x9: {  	[smem:$0x3FAD] =	sst s1  }
0xa: {  	[smem:$0x3FAE] =	sst s2  }
0xb: {  	[smem:$0x3FAF] =	sst s3  }
0xc: {  	[smem:$0x3FB0] =	sst s4  }
0xd: {  	[smem:$0x3FB1] =	sst s5  }
0xe: {  	[smem:$0x3FB2] =	sst s6  }
0xf: {  	[smem:$0x3FB3] =	sst s7  }
0x10: {  	[smem:$0x3FB4] =	sst s8  }
0x11: {  	[smem:$0x3FB5] =	sst s9;
	s0 =	simm.s32 @!p0 $0x0  }
0x12: {  	s1 =	sld [smem:$0x3F9B];
	s0 =	simm.s32 @p0 $0x1  }
0x13: {  	[smem:$0x3FB6] =	sst s0;
	s0 =	simm.s32 @!p1 $0x0  }
0x14: {  	s2 =	sld [smem:$0x3F9A];
	s0 =	simm.s32 @p1 $0x1  }
0x15: {  	[smem:$0x3FB7] =	sst s0;
	s0 =	simm.s32 @!p2 $0x0  }
0x16: {  	s3 =	sld [smem:$0x3FDB];
	s0 =	simm.s32 @p2 $0x1  }
0x17: {  	s4 =	simm.s32 $0x1BF5;
	[smem:$0x3FB9] =	sst s0  }
0x18: {  	s0 =	sld [smem:$0x3F9C];
	_ =	swait.ge [sflag:s4], $0x0  }
0x19: {  	s7 =	sld [smem:$0x3F9D]  }
0x1a: {  	s8 =	sadd.s32 $0xFFFFE003, lr  }
0x1b: {  	s9 =	sadd.s32 $0xFFFFFEF7, lr;
	s5 =	simm.s32 $0xFFFFFFFF;
	p2 =	slt.u32 s8, $0xFFFFF086  }
0x1c: {  	p1 =	slt.u32 s9, $0xF7A;
	s5 =	simm.s32 @!p2 $0x0  }
0x1d: {  	s5 =	simm.s32 @p1 $0x1;
	p0 =	seq.s32 s7, s2  }
0x1e: {  	s7 =	smul.u32 @!p0 $0xF7A, s2;
	p2 =	seq.s32 @!p0 s5, $0x0  }
0x1f: {  	s9 =	smul.u32 $0xF7A, s1;
	s8 =	simm.s32 @!p0 $0x1BF5;
	p2 =	por !p2, p0  }
0x20: {  	[sflag:s8] =	ssyncset.s32 @!p0 $0xFFFFF086;
	s6 =	sadd.s32 @!p0 s3, s7;
	s7 =	simm.s32 @!p0 $0x108  }
0x21: {  	s3 =	sadd.s32 s3, s9;
	s6 =	sadd.s32 @!p0 $0x88, s6;
	s7 =	simm.s32 @p2 $0x1082  }
0x22: {  	[simem:s7], [sflag:s8] =	dma.local @!p0 [hbm:s6], $0xF7A  }
0x23: {  	s9 =	sor.u32 $0xD0000000, s2;
	s6 =	simm.s32 $0x108;
	_ =	swait.ge @!p0 [sflag:s8], $0x0  }
0x24: {  	s3 =	sadd.s32 $0x88, s3;
	s6 =	simm.s32 @!p1 $0x1082;
	[sflag:s4] =	ssyncset.s32 $0xFFFFF086  }
0x25: {  	[simem:s6], [sflag:s4] =	dma.local [hbm:s3], $0xF7A  }
0x26: {  	[smem:$0x3F9D] =	sst s1;
	(tag) =	ssettag s2;
	_ =	strace s9  }
0x27: {  	s1 =	sld [smem:$0x3FAD]  }
0x28: {  	s2 =	sld [smem:$0x3FAE]  }
0x29: {  	s4 =	sld [smem:$0x3FB0]  }
0x2a: {  	p0 =	seq.s32 s5, $0x0;
	s5 =	sld [smem:$0x3FB1]  }
0x2b: {  	s6 =	sld [smem:$0x3FB2]  }
0x2c: {  	s7 =	sld [smem:$0x3FB3]  }
0x2d: {  	s3 =	simm.s32 $0x108;
	s8 =	sld [smem:$0x3FB4]  }
0x2e: {  	s3 =	simm.s32 @!p0 $0x1082;
	s9 =	sld [smem:$0x3FB5]  }
0x2f: {  	lr =	sadd.s32 s0, s3;
	s0 =	sld [smem:$0x3FAC]  }
0x30: {  	s3 =	sld [smem:$0x3FAF]  }
0x31: {  	[smem:$0x3FB8] =	sst s10  }
0x32: {  	s10 =	sld [smem:$0x3FB6];
	_ =	sdelay $0x3  }
0x33: {  	p0 =	seq.s32 s10, $0x1;
	s10 =	sld [smem:$0x3FB8];
	_ =	sdelay $0x3  }
0x34: {  	[smem:$0x3FB8] =	sst s10  }
0x35: {  	s10 =	sld [smem:$0x3FB7];
	_ =	sdelay $0x3  }
0x36: {  	p1 =	seq.s32 s10, $0x1;
	s10 =	sld [smem:$0x3FB8];
	_ =	sdelay $0x3  }
0x37: {  	[smem:$0x3FB8] =	sst s10  }
0x38: {  	s10 =	sld [smem:$0x3FB9]  }
0x39: {  	_ = 	snop;
	(pc) =	sbr.ind lr, $3  }
0x3a: {  	_ = 	snop  }
0x3b: {  	_ = 	snop  }
0x3c: {  	p2 =	seq.s32 s10, $0x1;
	s10 =	sld [smem:$0x3FB8]  }
0x3d: {  	_ =	shalt  }
0x3e: {  	_ =	shalt  }
0x3f: {  	_ =	shalt  }
0x40: {  	_ =	shalt  }
0x41: {  	_ =	shalt  }
0x42: {  	_ =	shalt  }
0x43: {  	_ =	shalt  }
0x44: {  	_ =	shalt  }
0x45: {  	_ =	shalt  }
0x46: {  	_ =	shalt  }
0x47: {  	_ =	shalt  }
0x48: {  	_ =	shalt  }
0x49: {  	_ =	shalt  }
0x4a: {  	_ =	shalt  }
0x4b: {  	_ =	shalt  }
0x4c: {  	_ =	shalt  }
0x4d: {  	_ =	shalt  }
0x4e: {  	_ =	shalt  }
0x4f: {  	_ =	shalt  }
0x50: {  	_ =	shalt  }
0x51: {  	_ =	shalt  }
0x52: {  	_ =	shalt  }
0x53: {  	_ =	shalt  }
0x54: {  	_ =	shalt  }
0x55: {  	_ =	shalt  }
0x56: {  	_ =	shalt  }
0x57: {  	_ =	shalt  }
0x58: {  	_ =	shalt  }
0x59: {  	_ =	shalt  }
0x5a: {  	_ =	shalt  }
0x5b: {  	_ =	shalt  }
0x5c: {  	_ =	shalt  }
0x5d: {  	_ =	shalt  }
0x5e: {  	_ =	shalt  }
0x5f: {  	_ =	shalt  }
0x60: {  	_ =	shalt  }
0x61: {  	_ =	shalt  }
0x62: {  	_ =	shalt  }
0x63: {  	_ =	shalt  }
0x64: {  	_ =	shalt  }
0x65: {  	_ =	shalt  }
0x66: {  	_ =	shalt  }
0x67: {  	_ =	shalt  }
0x68: {  	_ =	shalt  }
0x69: {  	_ =	shalt  }
0x6a: {  	_ =	shalt  }
0x6b: {  	_ =	shalt  }
0x6c: {  	_ =	shalt  }
0x6d: {  	_ =	shalt  }
0x6e: {  	_ =	shalt  }
0x6f: {  	_ =	shalt  }
0x70: {  	_ =	shalt  }
0x71: {  	_ =	shalt  }
0x72: {  	_ =	shalt  }
0x73: {  	_ =	shalt  }
0x74: {  	_ =	shalt  }
0x75: {  	_ =	shalt  }
0x76: {  	_ =	shalt  }
0x77: {  	_ =	shalt  }
0x78: {  	_ =	shalt  }
0x79: {  	_ =	shalt  }
0x7a: {  	_ =	shalt  }
0x7b: {  	_ =	shalt  }
0x7c: {  	_ =	shalt  }
0x7d: {  	_ =	shalt  }
0x7e: {  	_ =	shalt  }
0x7f: {  	_ =	shalt  }
0x80: {  	_ =	shalt  }
0x81: {  	_ =	shalt  }
0x82: {  	_ =	shalt  }
0x83: {  	_ =	shalt  }
0x84: {  	_ =	shalt  }
0x85: {  	_ =	shalt  }
0x86: {  	_ =	shalt  }
0x87: {  	_ =	shalt  }
.Lfunc_end0:
.L_simem_size_0:
called_computation_lowered:
.L_overlay_start_0:
0x88: {  	s2 =	sld [smem:$0x3FD9]  }
0x89: {  	s3 =	sld [smem:$0x3FFE];
	_ =	sdelay $0x1  }
0x8a: {  	s1 =	srdreg.scid  }
0x8b: {  	s0 =	sand.u32 $0x1, s1  }
0x8c: {  	s17 =	sshll.u32 s0, $0xA;
	s2 =	sadd.s32 s3, s2  }
0x8d: {  	s2 =	sadd.s32 s2, s17  }
0x8e: {  	[smem:$0x3FC4] =	sst s2  }
0x8f: {  	_ = 	snop  }
0x90: {  	s2 =	sld [smem:$0x3FC7]  }
0x91: {  	s18 =	sld [smem:$0x3FD0];
	(tm) =	ssettm $0x1  }
0x92: {  	s4 =	sld [smem:$0x3FFB];
	_ =	sdelay $0x3  }
0x93: {  	_ =	strace s4  }
0x94: {  	s4 =	sld [smem:$0x3FFC];
	_ =	sdelay $0x3  }
0x95: {  	_ =	strace s4  }
0x96: {  	s4 =	sld [smem:$0x3FFD];
	_ =	sdelay $0x3  }
0x97: {  	_ =	strace s4  }
0x98: {  	_ =	strace $0x8FFFFFFF  }
0x99: {  	s19 =	sld [smem:$0x3FDB];
	_ =	sdelay $0x1  }
0x9a: {  	s5 =	simm.s32 $_scs_section_size  }
0x9b: {  	s6 =	simm.s32 $_size__tile_overlayer_lowered;
	s7 =	simm.s32 $_tile_overlayer_lowered  }
0x9c: {  	s22 =	simm.s32 $0x1BFF;
	s21 =	sshll.u32 s7, $0x1;
	s4 =	sadd.s32 s5, s19  }
0x9d: {  	s8 =	simm.s32 $0x0;
	s20 =	sshll.u32 s6, $0x1;
	s6 =	sadd.s32 s21, s4  }
0x9e: {  	[timem:s8], [sflag:s22] =	dma.local [hbm:s6], s20  }
0x9f: {  	_ =	swait.ge [sflag:s22], s20  }
0xa0: {  	s5 =	ssub.s32 $0x0, s20;
	[sflag:s22] =	ssyncset.done $0x0  }
0xa1: {  	[sflag:s22] =	ssyncadd.s32 s5;
	_ =	sdelay $0x1  }
0xa2: {  	s23 =	simm.s32 $0x1B8B  }
0xa3: {  	_ =	swait.ge [sflag:s23], $0x1  }
0xa4: {  	[sflag:s23] =	ssyncset.done $0x0  }
0xa5: {  	s25 =	simm.s32 $0x1B8E;
	s24 =	sld [smem:$0x3FFE];
	[sflag:s23] =	ssyncadd.s32 $0xFFFFFFFF  }
0xa6: {  	s26 =	simm.s32 $execute0_lowered;
	[smem:$0x3FD2] =	sst s25  }
0xa7: {  	s6 =	sshll.u32 s26, $0x1;
	_ =	strace $0x80000046;
	[dreg:$0x1] =	wrdreg $0xFFFFFFFF  }
0xa8: {  	s28 =	simm.s32 $_size_execute0_lowered;
	s4 =	sadd.s32 s4, s6;
	[dreg:$0x0] =	wrdreg $0x0  }
0xa9: {  	s6 =	sshll.u32 s28, $0x1;
	[dreg:$0x2] =	wrdreg s4  }
0xaa: {  	[dreg:$0x3] =	wrdreg s6  }
0xab: {  	[dreg:$0x4] =	wrdreg $0xC0  }
0xac: {  	_ =	task [dreg:s8], $0x5FFFF  }
0xad: {  	[dreg:$0x1] =	wrdreg $0xFFFFFFFF  }
0xae: {  	[dreg:$0x0] =	wrdreg $0x60  }
0xaf: {  	[dreg:$0x2] =	wrdreg s24  }
0xb0: {  	[dreg:$0x3] =	wrdreg s2  }
0xb1: {  	[dreg:$0x4] =	wrdreg s18  }
0xb2: {  	[dreg:$0x5] =	wrdreg $0x9  }
0xb3: {  	_ =	task.clear_ibuf [dreg:s8], $0x6FFFF;
	_ =	strace $0x90000046  }
0xb4: {  	s29 =	simm.s32 $0x9;
	_ =	strace $0x80000048  }
0xb5: {  	_ =	swait.ge [sflag:s29], $0x1  }
0xb6: {  	[sflag:s29] =	ssyncadd.s32 $0xFFFFFFFF  }
0xb7: {  	_ =	strace $0x90000048  }
0xb8: {  	_ =	sfence  }
0xb9: {  	s30 =	sld [smem:$0x0];
	_ =	sdelay $0x2  }
0xba: {  	s31 =	sshll.u32 s1, $0xD;
	s1 =	sshrl.u32 s1, $0x2  }
0xbb: {  	s3 =	sand.u32 $0x4000, s31;
	s1 =	sadd.s32 s1, s30  }
0xbc: {  	s0 =	sor.u32 s3, s0;
	s1 =	sshll.u32 s1, $0x11  }
0xbd: {  	s0 =	sor.u32 s1, s0  }
0xbe: {  	s0 =	sadd.s32 $0x8F2B, s0  }
0xbf: {  	[sflag:s0] =	ssyncadd.remote.s32 $0x1  }
0xc0: {  	_ =	sfence.sel $0xFFFF  }
0xc1: {  	[dreg:$0x0] =	wrdreg $0xFFFFFFFF;
	(pc) =	sbr.abs _section_cstart, $3  }
0xc2: {  	[dreg:$0x1] =	wrdreg $0xFFFFFFFF  }
0xc3: {  	_ =	task.clear_ibuf [dreg:s8], $0x2FFFF;
	_ =	strace $0x9FFFFFFF  }
0xc4: {  	(tm) =	ssettm $0x7FFFFFFF  }
0xc5: {  	_ =	shalt  }
tec
execute0_lowered:
.L_overlay_start_1:
0x0: {  	(tag) =	ssettag $0x1  }
0x1: {  	s0 =	rddreg [dreg:$0x0]  }
0x2: {  	s7 =	stileid.u32;
	s3 =	rddreg [dreg:$0x2]  }
0x3: {  	s4 =	simm.s32 $0x0;
	s6 =	srdreg.scid;
	s16 =	simm.s32 $0x1700  }
0x4: {  	s28 =	simm.s32 $0x2700;
	s29 =	simm.s32 $0xA700;
	s30 =	simm.s32 $0xAF00  }
0x5: {  	s21 =	simm.s32 $0xB700;
	s31 =	simm.s32 $0xCF00;
	s18 =	simm.s32 $0x2  }
0x6: {  	s20 =	simm.s32 $0x5;
	s12 =	simm.s32 $0x0;
	s1 =	sshrl.u32 s7, $0x2  }
0x7: {  	[smem:$0x7FF] =	sst s4;
	s6 =	sand.u32 $0x1, s6;
	s25 =	sadd.s32 $0x60000, s3  }
0x8: {  	s7 =	sshll.u32 s7, $0x1;
	s5 =	smul.u32 $0x301800, s1;
	_ =	strace $0x80000047  }
0x9: {  	s1 =	smul.u32 $0x280, s1;
	s9 =	ssub.s32 $0x2, s6;
	s7 =	sand.u32 $0x6, s7  }
0xa: {  	[dreg:$0x6] =	wrdreg s25;
	s25 =	simm.s32 $0x7;
	s10 =	sshrl.u32 s9, $0x1  }
0xb: {  	s11 =	sor.u32 s6, s7;
	s6 =	sadd.s32 $0x181C00, s0;
	s2 =	sshrl.u32 s5, $0x3  }
0xc: {  	s1 =	sadd.s32 s1, s0;
	s22 =	ssub.s32 s9, s10;
	s23 =	smul.u32 $0xC000, s11  }
0xd: {  	s7 =	sshll.u32 s11, $0x9;
	p0 =	sne.s32 s11, $0x7;
	s10 =	simm.s32 $0x4  }
0xe: {  	s8 =	sadd.s32 s2, s0;
	s1 =	sadd.s32 $0x600, s1;
	s26 =	sadd.s32 s6, s2  }
0xf: {  	s0 =	smax.u32 s22, $0x1;
	s2 =	simm.s32 $0x7700;
	s22 =	simm.s32 $0xBF00  }
.Ltmp0:
0x10: {  	[dreg:$0x4] =	wrdreg s1;
	s9 =	sadd.s32 $0x1000, s8;
	(pc) =	sbr.rel .LBB2_1-.Ltmp0, $4  }
0x11: {  	s24 =	sadd.s32 s3, s23;
	s1 =	sadd.s32 $0x60000, s26;
	[dreg:$0x8] =	wrdreg s0  }
0x12: {  	v2 =	vlaneseq.u32;
	s26 =	simm.s32 $0x1F00;
	s0 =	simm.s32 $0x3;
	[dreg:$0x5] =	wrdreg s24  }
0x13: {  	vm0 =	vmmov $0xffff;
	v1 =	vshrl.u32 v2, $0x3;
	s23 =	simm.s32 $0xC700;
	s8 =	simm.s32 $0x13700;
	[dreg:$0x7] =	wrdreg s1  }
0x14: {  	v0 =	vand.u32 $0x7, v2;
	v2 =	vor.u32 $0x8, v2;
	v1 =	vmul.u32 $0x8, v1;
	s17 =	sadd.s32 $0x100, s9;
	s19 =	sadd.s32 $0x200, s9;
	s1 =	simm.s32 $0x1  }
.LBB2_10:
0x15: {  	v4 =	vld [tilespmem:s15+$0xD700];
	[tilespmem:s11+$0x1700] =	vst v3  }
0x16: {  	v3 =	vld [tilespmem:s15+$0x1700]  }
0x17: {  	s14 =	sadd.s32 $0x10, s12  }
0x18: {  	v5 =	vld [tilespmem:s14+$0x0];
	_ =	sdelay $0x2  }
0x19: {  	v3 =	vadd.f32 v4, v3;
	_ =	sdelay $0x1  }
0x1a: {  	v3 =	vadd.f32 v5, v3;
	_ =	sdelay $0x1  }
0x1b: {  	s12 =	rddreg [dreg:$0x7];
	[tilespmem:s15+$0x1700] =	vst v3  }
0x1c: {  	[hbm4b:s12+s4] =	stream.linear.scatter [tilespmem:s16], [sflag:$0x7], $0x80, $0x38;
	[tilespmem:$0x19700] =	vst v63  }
0x1d: {  	s13 =	simm.s32 $0x1B00;
	s24 =	sadd.s32 $0x80, s12  }
0x1e: {  	[hbm4b:s24+s4] =	stream.linear.scatter [tilespmem:s13], [sflag:$0x7], $0x80, $0x38;
	[tilespmem:$0x19700] =	vst v63  }
0x1f: {  	s14 =	sadd.s32 $0x100, s12  }
0x20: {  	[hbm4b:s14+s4] =	stream.linear.scatter [tilespmem:s26], [sflag:$0x7], $0x80, $0x38;
	[tilespmem:$0x19700] =	vst v63  }
0x21: {  	s15 =	sadd.s32 $0x180, s12;
	s24 =	simm.s32 $0x2300  }
0x22: {  	[hbm4b:s15+s4] =	stream.linear.scatter [tilespmem:s24], [sflag:$0x7], $0x80, $0x38;
	[tilespmem:$0x19700] =	vst v63  }
0x23: {  	s14 =	sadd.s32 $0x200, s12  }
0x24: {  	[hbm4b:s14+s4] =	stream.linear.scatter [tilespmem:s28], [sflag:$0x7], $0x80, $0x38;
	[tilespmem:$0x19700] =	vst v63  }
0x25: {  	s15 =	sadd.s32 $0x280, s12;
	s24 =	simm.s32 $0x2B00  }
0x26: {  	[hbm4b:s15+s4] =	stream.linear.scatter [tilespmem:s24], [sflag:$0x7], $0x80, $0x38;
	[tilespmem:$0x19700] =	vst v63  }
0x27: {  	_ =	swait.ge [sflag:s25], $0x300  }
0x28: {  	[sflag:s25] =	ssyncset.done $0x0  }
0x29: {  	s12 =	rddreg [dreg:$0x9];
	[sflag:s25] =	ssyncadd.s32 $0xFFFFFD00  }
.LBB2_11:
0x2a: {  	s12 =	sadd.s32 $0x1, s12;
	s11 =	rddreg [dreg:$0x8]  }
0x2b: {  	p1 =	sne.s32 s12, s11  }
.Ltmp1:
0x2c: {  	_ = 	snop;
	(pc) =	sbr.rel @!p1 .LBB2_12-.Ltmp1, $1  }
0x2d: {  	_ =	sdelay $0x3  }
.LBB2_1:
0x2e: {  	[dreg:$0x9] =	wrdreg s12  }
0x2f: {  	s11 =	rddreg [dreg:$0x4]  }
0x30: {  	[tilespmem:s4], [sflag:$0x7] =	stream.linear.gather [hbm4b:s11+s4], $0x1080, $0x38;
	[tilespmem:$0x19700] =	vst v63  }
0x31: {  	_ =	swait.ge [sflag:s25], $0x1080  }
0x32: {  	[sflag:s25] =	ssyncset.done $0x0  }
0x33: {  	[sflag:s25] =	ssyncadd.s32 $0xFFFFEF80  }
0x34: {  	s24 =	simm.s32 $0x1400;
	s15 =	rddreg [dreg:$0x1]  }
0x35: {  	[tilespmem:s24], [sflag:$0x7] =	stream.linear.gather [hbm4b:s15+s4], $0x300, $0x38;
	[tilespmem:$0x19700] =	vst v63  }
0x36: {  	_ =	swait.ge [sflag:s25], $0x300  }
0x37: {  	[sflag:s25] =	ssyncset.done $0x0  }
0x38: {  	[sflag:s25] =	ssyncadd.s32 $0xFFFFFD00  }
0x39: {  	v3 =	vld [tilespmem:s7+$0x0];
	_ =	sdelay $0x4  }
0x3a: {  	v4 =	vshrl.u32 v3, $0x3  }
0x3b: {  	v4 =	vmul.u32 $0x30, v4  }
0x3c: {  	v3 =	vand.u32 $0x7, v3  }
0x3d: {  	v3 =	vor.u32 v3, v4  }
0x3e: {  	v4 =	vperm.xlane v3, v0;
	_ =	sdelay $0x1  }
0x3f: {  	v4 =	vadd.s32 v1, v4;
	_ =	sdelay $0x3  }
0x40: {  	v3 =	vperm.xlane v3, v2  }
0x41: {  	[tilespmem:s16], [sflag:$0x1] =	stream.indirect_vreg.gather [hbm4b:s9+s4], $0x80, v4, vm0, $0xb8;
	[tilespmem:$0x19700] =	vst v63  }
0x42: {  	v3 =	vadd.s32 v1, v3  }
0x43: {  	[tilespmem:s26], [sflag:$0x1] =	stream.indirect_vreg.gather [hbm4b:s17+s4], $0x80, v4, vm0, $0xb8;
	[tilespmem:$0x19700] =	vst v63  }
0x44: {  	_ = 	snop  }
0x45: {  	[tilespmem:s28], [sflag:$0x1] =	stream.indirect_vreg.gather [hbm4b:s19+s4], $0x80, v4, vm0, $0xb8;
	[tilespmem:$0x19700] =	vst v63  }
0x46: {  	s25 =	simm.s32 $0x2F00  }
0x47: {  	[tilespmem:s25], [sflag:$0x1] =	stream.indirect_vreg.gather [hbm4b:s9+s4], $0x80, v3, vm0, $0xb8;
	[tilespmem:$0x19700] =	vst v63  }
0x48: {  	s26 =	simm.s32 $0x3700  }
0x49: {  	[tilespmem:s26], [sflag:$0x1] =	stream.indirect_vreg.gather [hbm4b:s17+s4], $0x80, v3, vm0, $0xb8;
	[tilespmem:$0x19700] =	vst v63  }
0x4a: {  	s28 =	simm.s32 $0x3F00  }
0x4b: {  	[tilespmem:s28], [sflag:$0x1] =	stream.indirect_vreg.gather [hbm4b:s19+s4], $0x80, v3, vm0, $0xb8;
	[tilespmem:$0x19700] =	vst v63  }
0x4c: {  	v3 =	vld [tilespmem:s7+$0x10];
	_ =	sdelay $0x4  }
0x4d: {  	v63 =	vshrl.u32 v3, $0x3  }
0x4e: {  	v4 =	vmul.u32 $0x30, v63  }
0x4f: {  	v3 =	vand.u32 $0x7, v3  }
0x50: {  	v3 =	vor.u32 v3, v4  }
0x51: {  	v4 =	vperm.xlane v3, v0;
	_ =	sdelay $0x1  }
0x52: {  	v4 =	vadd.s32 v1, v4;
	_ =	sdelay $0x3  }
0x53: {  	s12 =	simm.s32 $0x4700;
	v3 =	vperm.xlane v3, v2  }
0x54: {  	[tilespmem:s12], [sflag:$0x1] =	stream.indirect_vreg.gather [hbm4b:s9+s4], $0x80, v4, vm0, $0xb8;
	[tilespmem:$0x19700] =	vst v63  }
0x55: {  	s13 =	simm.s32 $0x4F00;
	v3 =	vadd.s32 v1, v3  }
0x56: {  	[tilespmem:s13], [sflag:$0x1] =	stream.indirect_vreg.gather [hbm4b:s17+s4], $0x80, v4, vm0, $0xb8;
	[tilespmem:$0x19700] =	vst v63  }
0x57: {  	s14 =	simm.s32 $0x5700  }
0x58: {  	[tilespmem:s14], [sflag:$0x1] =	stream.indirect_vreg.gather [hbm4b:s19+s4], $0x80, v4, vm0, $0xb8;
	[tilespmem:$0x19700] =	vst v63  }
0x59: {  	s15 =	simm.s32 $0x5F00  }
0x5a: {  	[tilespmem:s15], [sflag:$0x1] =	stream.indirect_vreg.gather [hbm4b:s9+s4], $0x80, v3, vm0, $0xb8;
	[tilespmem:$0x19700] =	vst v63  }
0x5b: {  	s24 =	simm.s32 $0x6700  }
0x5c: {  	[tilespmem:s24], [sflag:$0x1] =	stream.indirect_vreg.gather [hbm4b:s17+s4], $0x80, v3, vm0, $0xb8;
	[tilespmem:$0x19700] =	vst v63  }
0x5d: {  	s25 =	simm.s32 $0x6F00  }
0x5e: {  	[tilespmem:s25], [sflag:$0x1] =	stream.indirect_vreg.gather [hbm4b:s19+s4], $0x80, v3, vm0, $0xb8;
	[tilespmem:$0x19700] =	vst v63  }
0x5f: {  	s11 =	simm.s32 $0x0;
	s26 =	rddreg [dreg:$0x5];
	s28 =	simm.s32 $0xD700  }
0x60: {  	[tilespmem:s28], [sflag:$0x3] =	stream.linear.gather [hbm4b:s26+s4], $0x6000, $0x38;
	[tilespmem:$0x19700] =	vst v63  }
.LBB2_2:
0x61: {  	_ =	swait.ge [sflag:s1], $0x6000  }
0x62: {  	[sflag:s1] =	ssyncset.done $0x0  }
0x63: {  	[sflag:s1] =	ssyncadd.s32 $0xFFFFA000  }
0x64: {  	_ =	swait.ge [sflag:s0], $0x6000  }
0x65: {  	p1 =	seq.s32 s11, $0x0;
	[sflag:s0] =	ssyncset.done $0x0  }
0x66: {  	s14 =	sshll.u32 s11, $0x6;
	s12 =	simm.s32 @!p1 $0x6;
	[sflag:s0] =	ssyncadd.s32 $0xFFFFA000  }
0x67: {  	s15 =	sor.u32 $0x20, s14;
	_ =	swait.ge @!p1 [sflag:s12], $0x6000  }
0x68: {  	s13 =	sand.u32 $0xF80, s7;
	s24 =	sand.u32 $0xFE0, s15;
	[sflag:s12] =	ssyncset.done @!p1 $0x0  }
0x69: {  	[sflag:s12] =	ssyncadd.s32 @!p1 $0xFFFFA000;
	s12 =	sor.u32 s13, s24  }
0x6a: {  	v3 =	vld [tilespmem:s12+$0x0];
	_ =	sdelay $0x4  }
0x6b: {  	v4 =	vshrl.u32 v3, $0x3  }
0x6c: {  	v4 =	vmul.u32 $0x30, v4  }
0x6d: {  	v3 =	vand.u32 $0x7, v3  }
0x6e: {  	v3 =	vor.u32 v3, v4  }
0x6f: {  	v4 =	vperm.xlane v3, v0;
	_ =	sdelay $0x1  }
0x70: {  	v4 =	vadd.s32 v1, v4;
	_ =	sdelay $0x3  }
0x71: {  	s13 =	simm.s32 $0x0;
	v3 =	vperm.xlane v3, v2  }
0x72: {  	[tilespmem:s2], [sflag:$0x2] =	stream.indirect_vreg.gather [hbm4b:s9+s13], $0x80, v4, vm0, $0xb8;
	[tilespmem:$0x19700] =	vst v63  }
0x73: {  	s28 =	simm.s32 $0x7F00;
	v3 =	vadd.s32 v1, v3  }
0x74: {  	[tilespmem:s28], [sflag:$0x2] =	stream.indirect_vreg.gather [hbm4b:s17+s13], $0x80, v4, vm0, $0xb8;
	[tilespmem:$0x19700] =	vst v63  }
0x75: {  	s25 =	simm.s32 $0x8700  }
0x76: {  	[tilespmem:s25], [sflag:$0x2] =	stream.indirect_vreg.gather [hbm4b:s19+s13], $0x80, v4, vm0, $0xb8;
	[tilespmem:$0x19700] =	vst v63  }
0x77: {  	s26 =	simm.s32 $0x8F00  }
0x78: {  	[tilespmem:s26], [sflag:$0x2] =	stream.indirect_vreg.gather [hbm4b:s9+s13], $0x80, v3, vm0, $0xb8;
	[tilespmem:$0x19700] =	vst v63  }
0x79: {  	s28 =	simm.s32 $0x9700  }
0x7a: {  	[tilespmem:s28], [sflag:$0x2] =	stream.indirect_vreg.gather [hbm4b:s17+s13], $0x80, v3, vm0, $0xb8;
	[tilespmem:$0x19700] =	vst v63  }
0x7b: {  	s25 =	simm.s32 $0x9F00  }
0x7c: {  	[tilespmem:s25], [sflag:$0x2] =	stream.indirect_vreg.gather [hbm4b:s19+s13], $0x80, v3, vm0, $0xb8;
	[tilespmem:$0x19700] =	vst v63  }
0x7d: {  	v3 =	vld [tilespmem:s12+$0x10];
	_ =	sdelay $0x4  }
0x7e: {  	v63 =	vshrl.u32 v3, $0x3  }
0x7f: {  	v4 =	vmul.u32 $0x30, v63  }
0x80: {  	v3 =	vand.u32 $0x7, v3  }
0x81: {  	v3 =	vor.u32 v3, v4  }
0x82: {  	v4 =	vperm.xlane v3, v0;
	_ =	sdelay $0x1  }
0x83: {  	v4 =	vadd.s32 v1, v4;
	_ =	sdelay $0x3  }
0x84: {  	v3 =	vperm.xlane v3, v2  }
0x85: {  	[tilespmem:s29], [sflag:$0x2] =	stream.indirect_vreg.gather [hbm4b:s9+s13], $0x80, v4, vm0, $0xb8;
	[tilespmem:$0x19700] =	vst v63  }
0x86: {  	v3 =	vadd.s32 v1, v3  }
0x87: {  	[tilespmem:s30], [sflag:$0x2] =	stream.indirect_vreg.gather [hbm4b:s17+s13], $0x80, v4, vm0, $0xb8;
	[tilespmem:$0x19700] =	vst v63  }
0x88: {  	s26 =	sor.u32 s7, s15  }
0x89: {  	[tilespmem:s21], [sflag:$0x2] =	stream.indirect_vreg.gather [hbm4b:s19+s13], $0x80, v4, vm0, $0xb8;
	[tilespmem:$0x19700] =	vst v63  }
0x8a: {  	s12 =	sshrl.u32 s26, $0x3  }
0x8b: {  	[tilespmem:s22], [sflag:$0x2] =	stream.indirect_vreg.gather [hbm4b:s9+s13], $0x80, v3, vm0, $0xb8;
	[tilespmem:$0x19700] =	vst v63  }
0x8c: {  	s12 =	smul.u32 $0x1800, s12  }
0x8d: {  	[tilespmem:s23], [sflag:$0x2] =	stream.indirect_vreg.gather [hbm4b:s17+s13], $0x80, v3, vm0, $0xb8;
	[tilespmem:$0x19700] =	vst v63  }
0x8e: {  	s28 =	sshrl.u32 s12, $0x3  }
0x8f: {  	[tilespmem:s31], [sflag:$0x2] =	stream.indirect_vreg.gather [hbm4b:s19+s13], $0x80, v3, vm0, $0xb8;
	[tilespmem:$0x19700] =	vst v63  }
0x90: {  	s15 =	sadd.s32 s3, s28  }
0x91: {  	[tilespmem:s8], [sflag:$0x4] =	stream.linear.gather [hbm4b:s15+s13], $0x6000, $0x38;
	[tilespmem:$0x19700] =	vst v63  }
0x92: {  	s24 =	simm.s32 $0x1400;
	s25 =	simm.s32 $0x0;
	s15 =	sor.u32 s7, s14  }
.LBB2_3:
0x93: {  	s26 =	sand.u32 $0x70, s25;
	s28 =	sand.u32 $0x1C00, s13  }
0x94: {  	v3 =	vld [tilespmem:s24+$0x0];
	s26 =	sor.u32 s26, s28  }
0x95: {  	v4 =	vld [tilespmem:s26+$0x1700]  }
0x96: {  	v5 =	vld [tilespmem:s26+$0xD700]  }
0x97: {  	v6 =	vld [tilespmem:s26+$0x1780]  }
0x98: {  	v7 =	vld [tilespmem:s26+$0xD780]  }
0x99: {  	v8 =	vld [tilespmem:s26+$0x1800]  }
0x9a: {  	v9 =	vld [tilespmem:s26+$0xD800]  }
0x9b: {  	v10 =	vld [tilespmem:s26+$0x1880]  }
0x9c: {  	v11 =	vld [tilespmem:s26+$0xD880]  }
0x9d: {  	v12 =	vld [tilespmem:s26+$0x1900]  }
0x9e: {  	v13 =	vld [tilespmem:s26+$0xD900]  }
0x9f: {  	v14 =	vld [tilespmem:s26+$0x1980]  }
0xa0: {  	v15 =	vld [tilespmem:s26+$0xD980]  }
0xa1: {  	v25 =	vld [tilespmem:s26+$0x1A00];
	v4 =	vadd.f32 v5, v4  }
0xa2: {  	v26 =	vld [tilespmem:s26+$0xDA00];
	v6 =	vadd.f32 v7, v6  }
0xa3: {  	v8 =	vadd.f32 v9, v8;
	v4 =	vadd.f32 v4, v3  }
0xa4: {  	v27 =	vadd.f32 v11, v10;
	v6 =	vadd.f32 v6, v3  }
0xa5: {  	v29 =	vadd.f32 v13, v12;
	v28 =	vadd.f32 v8, v3;
	[tilespmem:s26+$0x1700] =	vst v4  }
0xa6: {  	v31 =	vadd.f32 v15, v14;
	v30 =	vadd.f32 v27, v3;
	[tilespmem:s26+$0x1780] =	vst v6  }
0xa7: {  	v5 =	vadd.f32 v26, v25;
	v32 =	vadd.f32 v29, v3;
	[tilespmem:s26+$0x1800] =	vst v28  }
0xa8: {  	v33 =	vadd.f32 v31, v3;
	[tilespmem:s26+$0x1880] =	vst v30  }
0xa9: {  	v34 =	vadd.f32 v5, v3;
	[tilespmem:s26+$0x1900] =	vst v32  }
0xaa: {  	s28 =	sor.u32 s13, s25;
	[tilespmem:s26+$0x1980] =	vst v33  }
0xab: {  	s28 =	sor.u32 $0x380, s28;
	[tilespmem:s26+$0x1A00] =	vst v34  }
0xac: {  	v4 =	vld [tilespmem:s28+$0x1700]  }
0xad: {  	v35 =	vld [tilespmem:s28+$0xD700];
	_ =	sdelay $0x4  }
0xae: {  	v4 =	vadd.f32 v35, v4;
	_ =	sdelay $0x1  }
0xaf: {  	v4 =	vadd.f32 v4, v3;
	_ =	sdelay $0x1  }
0xb0: {  	[tilespmem:s28+$0x1700] =	vst v4  }
0xb1: {  	v4 =	vld [tilespmem:s26+$0x2F00]  }
0xb2: {  	v36 =	vld [tilespmem:s26+$0xEF00]  }
0xb3: {  	v37 =	vld [tilespmem:s26+$0x2F80]  }
0xb4: {  	v38 =	vld [tilespmem:s26+$0xEF80]  }
0xb5: {  	v39 =	vld [tilespmem:s26+$0x3000]  }
0xb6: {  	v40 =	vld [tilespmem:s26+$0xF000]  }
0xb7: {  	v41 =	vld [tilespmem:s26+$0x3080]  }
0xb8: {  	v42 =	vld [tilespmem:s26+$0xF080]  }
0xb9: {  	v43 =	vld [tilespmem:s26+$0x3100]  }
0xba: {  	v44 =	vld [tilespmem:s26+$0xF100]  }
0xbb: {  	v45 =	vld [tilespmem:s26+$0x3180]  }
0xbc: {  	v46 =	vld [tilespmem:s26+$0xF180]  }
0xbd: {  	v16 =	vld [tilespmem:s26+$0x3200]  }
0xbe: {  	v17 =	vld [tilespmem:s26+$0xF200]  }
0xbf: {  	v18 =	vld [tilespmem:s26+$0x3280]  }
0xc0: {  	v19 =	vld [tilespmem:s26+$0xF280]  }
0xc1: {  	v20 =	vld [tilespmem:s26+$0x4700]  }
0xc2: {  	v21 =	vld [tilespmem:s26+$0x10700]  }
0xc3: {  	v22 =	vld [tilespmem:s26+$0x4780]  }
0xc4: {  	v23 =	vld [tilespmem:s26+$0x10780]  }
0xc5: {  	v24 =	vld [tilespmem:s26+$0x4800]  }
0xc6: {  	v25 =	vld [tilespmem:s26+$0x10800]  }
0xc7: {  	v26 =	vld [tilespmem:s26+$0x4880]  }
0xc8: {  	v27 =	vld [tilespmem:s26+$0x10880]  }
0xc9: {  	v28 =	vld [tilespmem:s26+$0x4900]  }
0xca: {  	v29 =	vld [tilespmem:s26+$0x10900]  }
0xcb: {  	v30 =	vld [tilespmem:s26+$0x4980]  }
0xcc: {  	v31 =	vld [tilespmem:s26+$0x10980]  }
0xcd: {  	v32 =	vld [tilespmem:s26+$0x4A00]  }
0xce: {  	v47 =	vld [tilespmem:s26+$0x10A00];
	v4 =	vadd.f32 v36, v4  }
0xcf: {  	v7 =	vld [tilespmem:s26+$0x4A80];
	v6 =	vadd.f32 v38, v37  }
0xd0: {  	v9 =	vld [tilespmem:s26+$0x10A80];
	v8 =	vadd.f32 v40, v39;
	v4 =	vadd.f32 v4, v3  }
0xd1: {  	v11 =	vld [tilespmem:s26+$0x5F00];
	v10 =	vadd.f32 v42, v41;
	v6 =	vadd.f32 v6, v3  }
0xd2: {  	v12 =	vld [tilespmem:s26+$0x11F00];
	v49 =	vadd.f32 v44, v43;
	v48 =	vadd.f32 v8, v3;
	[tilespmem:s26+$0x2F00] =	vst v4  }
0xd3: {  	v13 =	vld [tilespmem:s26+$0x5F80];
	v51 =	vadd.f32 v46, v45;
	v50 =	vadd.f32 v10, v3;
	[tilespmem:s26+$0x2F80] =	vst v6  }
0xd4: {  	v54 =	vld [tilespmem:s26+$0x11F80];
	v53 =	vadd.f32 v17, v16;
	v52 =	vadd.f32 v49, v3;
	[tilespmem:s26+$0x3000] =	vst v48  }
0xd5: {  	v57 =	vld [tilespmem:s26+$0x6000];
	v56 =	vadd.f32 v19, v18;
	v55 =	vadd.f32 v51, v3;
	[tilespmem:s26+$0x3080] =	vst v50  }
0xd6: {  	v60 =	vld [tilespmem:s26+$0x12000];
	v59 =	vadd.f32 v21, v20;
	v58 =	vadd.f32 v53, v3;
	[tilespmem:s26+$0x3100] =	vst v52  }
0xd7: {  	v63 =	vld [tilespmem:s26+$0x6080];
	v62 =	vadd.f32 v23, v22;
	v61 =	vadd.f32 v56, v3;
	[tilespmem:s26+$0x3180] =	vst v55  }
0xd8: {  	v35 =	vld [tilespmem:s26+$0x12080];
	v34 =	vadd.f32 v25, v24;
	v33 =	vadd.f32 v59, v3;
	[tilespmem:s26+$0x3200] =	vst v58  }
0xd9: {  	v37 =	vadd.f32 v27, v26;
	v38 =	vld [tilespmem:s26+$0x6100];
	v36 =	vadd.f32 v62, v3;
	[tilespmem:s26+$0x3280] =	vst v61  }
0xda: {  	v40 =	vadd.f32 v29, v28;
	v41 =	vld [tilespmem:s26+$0x12100];
	v39 =	vadd.f32 v34, v3;
	[tilespmem:s26+$0x4700] =	vst v33  }
0xdb: {  	v43 =	vadd.f32 v31, v30;
	v44 =	vld [tilespmem:s26+$0x6180];
	v42 =	vadd.f32 v37, v3;
	[tilespmem:s26+$0x4780] =	vst v36  }
0xdc: {  	v5 =	vadd.f32 v47, v32;
	v46 =	vld [tilespmem:s26+$0x12180];
	v45 =	vadd.f32 v40, v3;
	[tilespmem:s26+$0x4800] =	vst v39  }
0xdd: {  	v7 =	vadd.f32 v9, v7;
	v47 =	vadd.f32 v43, v3;
	v51 =	vld [tilespmem:s26+$0x12200];
	[tilespmem:s26+$0x4880] =	vst v42  }
0xde: {  	v49 =	vadd.f32 v5, v3;
	v53 =	vadd.f32 v54, v13;
	v54 =	vld [tilespmem:s26+$0x6280];
	[tilespmem:s26+$0x4900] =	vst v45  }
0xdf: {  	v56 =	vadd.f32 v60, v57;
	v48 =	vld [tilespmem:s26+$0x6200];
	[tilespmem:s26+$0x4980] =	vst v47;
	v52 =	vadd.f32 v7, v3  }
0xe0: {  	v57 =	vld [tilespmem:s26+$0x12280];
	v50 =	vadd.f32 v12, v11;
	[tilespmem:s26+$0x4A00] =	vst v49;
	v7 =	vadd.f32 v53, v3  }
0xe1: {  	v58 =	vadd.f32 v35, v63;
	v5 =	vadd.f32 v56, v3;
	[tilespmem:s26+$0x4A80] =	vst v52  }
0xe2: {  	v59 =	vadd.f32 v41, v38;
	v55 =	vadd.f32 v50, v3;
	[tilespmem:s26+$0x5F80] =	vst v7  }
0xe3: {  	v60 =	vadd.f32 v46, v44;
	v6 =	vadd.f32 v58, v3;
	[tilespmem:s26+$0x6000] =	vst v5  }
0xe4: {  	p1 =	sne.s32 s25, $0x2F0;
	v4 =	vadd.f32 v59, v3;
	[tilespmem:s26+$0x5F00] =	vst v55;
	v61 =	vadd.f32 v51, v48  }
.Ltmp2:
0xe5: {  	v62 =	vadd.f32 v57, v54;
	v7 =	vadd.f32 v60, v3;
	[tilespmem:s26+$0x6080] =	vst v6;
	(pc) =	sbr.rel @p1 .LBB2_3-.Ltmp2, $4  }
0xe6: {  	[tilespmem:s26+$0x6100] =	vst v4;
	v63 =	vadd.f32 v61, v3  }
0xe7: {  	[tilespmem:s26+$0x6180] =	vst v7;
	v3 =	vadd.f32 v62, v3  }
0xe8: {  	[tilespmem:s26+$0x6200] =	vst v63  }
0xe9: {  	s24 =	sadd.s32 $0x10, s24;
	s13 =	sadd.s32 $0x80, s13;
	s25 =	sadd.s32 $0x10, s25;
	[tilespmem:s26+$0x6280] =	vst v3  }
0xea: {  	s13 =	sshrl.u32 s15, $0x3  }
0xeb: {  	s13 =	smul.u32 $0x1800, s13;
	_ =	sdelay $0x1  }
0xec: {  	s13 =	sadd.s32 s5, s13  }
0xed: {  	s13 =	sshrl.u32 s13, $0x3  }
0xee: {  	s13 =	sadd.s32 s6, s13  }
0xef: {  	[hbm4b:s13+s4] =	stream.linear.scatter [tilespmem:s16], [sflag:$0x5], $0x6000, $0x38;
	[tilespmem:$0x19700] =	vst v63  }
0xf0: {  	_ =	swait.ge [sflag:s18], $0x6000  }
0xf1: {  	[sflag:s18] =	ssyncset.done $0x0  }
0xf2: {  	[sflag:s18] =	ssyncadd.s32 $0xFFFFA000  }
0xf3: {  	_ =	swait.ge [sflag:s10], $0x6000  }
0xf4: {  	p1 =	seq.s32 s11, $0x7;
	[sflag:s10] =	ssyncset.done $0x0  }
0xf5: {  	s13 =	sadd.s32 @!p1 $0x40, s14;
	[sflag:s10] =	ssyncadd.s32 $0xFFFFA000  }
0xf6: {  	s14 =	sadd.s32 @!p1 s7, s13;
	_ =	swait.ge [sflag:s20], $0x6000  }
0xf7: {  	s13 =	sand.u32 @!p1 $0x40, s13;
	s15 =	sand.u32 @!p1 $0x1F80, s14;
	[sflag:s20] =	ssyncset.done $0x0  }
0xf8: {  	s13 =	sor.u32 @!p1 s13, s15;
	[sflag:s20] =	ssyncadd.s32 $0xFFFFA000  }
0xf9: {  	v3 =	vld @!p1 [tilespmem:s13+$0x0];
	_ =	sdelay $0x4  }
0xfa: {  	v4 =	vshrl.u32 @!p1 v3, $0x3  }
0xfb: {  	v4 =	vmul.u32 @!p1 $0x30, v4  }
0xfc: {  	v5 =	vlaneseq.u32 @!p1;
	v3 =	vand.u32 @!p1 $0x7, v3  }
0xfd: {  	v6 =	vshrl.u32 @!p1 v5, $0x3;
	v3 =	vor.u32 @!p1 v3, v4;
	v4 =	vand.u32 @!p1 $0x7, v5  }
0xfe: {  	v6 =	vmul.u32 @!p1 $0x8, v6;
	v7 =	vperm.xlane @!p1 v3, v4;
	_ =	sdelay $0x1  }
0xff: {  	v7 =	vadd.s32 @!p1 v6, v7;
	_ =	sdelay $0x2  }
0x100: {  	v5 =	vor.u32 @!p1 $0x8, v5  }
0x101: {  	vm1 =	vmmov @!p1 $0xffff;
	s24 =	simm.s32 @!p1 $0x1700;
	s15 =	simm.s32 @!p1 $0x0;
	v3 =	vperm.xlane @!p1 v3, v5  }
0x102: {  	[tilespmem:s24], [sflag:$0x1] =	stream.indirect_vreg.gather @!p1 [hbm4b:s9+s15], $0x80, v7, vm1, $0xb8;
	[tilespmem:$0x19700] =	vst v63  }
0x103: {  	v3 =	vadd.s32 @!p1 v6, v3;
	s24 =	simm.s32 @!p1 $0x1F00  }
0x104: {  	[tilespmem:s24], [sflag:$0x1] =	stream.indirect_vreg.gather @!p1 [hbm4b:s17+s15], $0x80, v7, vm1, $0xb8;
	[tilespmem:$0x19700] =	vst v63  }
0x105: {  	s24 =	simm.s32 @!p1 $0x2700  }
0x106: {  	[tilespmem:s24], [sflag:$0x1] =	stream.indirect_vreg.gather @!p1 [hbm4b:s19+s15], $0x80, v7, vm1, $0xb8;
	[tilespmem:$0x19700] =	vst v63  }
0x107: {  	s24 =	simm.s32 @!p1 $0x2F00  }
0x108: {  	[tilespmem:s24], [sflag:$0x1] =	stream.indirect_vreg.gather @!p1 [hbm4b:s9+s15], $0x80, v3, vm1, $0xb8;
	[tilespmem:$0x19700] =	vst v63  }
0x109: {  	s24 =	simm.s32 @!p1 $0x3700  }
0x10a: {  	[tilespmem:s24], [sflag:$0x1] =	stream.indirect_vreg.gather @!p1 [hbm4b:s17+s15], $0x80, v3, vm1, $0xb8;
	[tilespmem:$0x19700] =	vst v63  }
0x10b: {  	s24 =	simm.s32 @!p1 $0x3F00  }
0x10c: {  	[tilespmem:s24], [sflag:$0x1] =	stream.indirect_vreg.gather @!p1 [hbm4b:s19+s15], $0x80, v3, vm1, $0xb8;
	[tilespmem:$0x19700] =	vst v63  }
0x10d: {  	v3 =	vld @!p1 [tilespmem:s13+$0x10];
	_ =	sdelay $0x4  }
0x10e: {  	v7 =	vshrl.u32 @!p1 v3, $0x3  }
0x10f: {  	v7 =	vmul.u32 @!p1 $0x30, v7  }
0x110: {  	v3 =	vand.u32 @!p1 $0x7, v3  }
0x111: {  	v3 =	vor.u32 @!p1 v3, v7  }
0x112: {  	v4 =	vperm.xlane @!p1 v3, v4;
	_ =	sdelay $0x1  }
0x113: {  	v4 =	vadd.s32 @!p1 v6, v4;
	_ =	sdelay $0x3  }
0x114: {  	s13 =	simm.s32 @!p1 $0x4700;
	v3 =	vperm.xlane @!p1 v3, v5  }
0x115: {  	[tilespmem:s13], [sflag:$0x1] =	stream.indirect_vreg.gather @!p1 [hbm4b:s9+s15], $0x80, v4, vm1, $0xb8;
	[tilespmem:$0x19700] =	vst v63  }
0x116: {  	v3 =	vadd.s32 @!p1 v6, v3;
	s13 =	simm.s32 @!p1 $0x4F00  }
0x117: {  	[tilespmem:s13], [sflag:$0x1] =	stream.indirect_vreg.gather @!p1 [hbm4b:s17+s15], $0x80, v4, vm1, $0xb8;
	[tilespmem:$0x19700] =	vst v63  }
0x118: {  	s13 =	simm.s32 @!p1 $0x5700  }
0x119: {  	[tilespmem:s13], [sflag:$0x1] =	stream.indirect_vreg.gather @!p1 [hbm4b:s19+s15], $0x80, v4, vm1, $0xb8;
	[tilespmem:$0x19700] =	vst v63  }
0x11a: {  	s13 =	simm.s32 @!p1 $0x5F00  }
0x11b: {  	[tilespmem:s13], [sflag:$0x1] =	stream.indirect_vreg.gather @!p1 [hbm4b:s9+s15], $0x80, v3, vm1, $0xb8;
	[tilespmem:$0x19700] =	vst v63  }
0x11c: {  	s13 =	simm.s32 @!p1 $0x6700  }
0x11d: {  	[tilespmem:s13], [sflag:$0x1] =	stream.indirect_vreg.gather @!p1 [hbm4b:s17+s15], $0x80, v3, vm1, $0xb8;
	[tilespmem:$0x19700] =	vst v63  }
0x11e: {  	s13 =	sshrl.u32 @!p1 s14, $0x3  }
0x11f: {  	s14 =	simm.s32 @!p1 $0x6F00;
	s13 =	smul.u32 @!p1 $0x300, s13  }
0x120: {  	[tilespmem:s14], [sflag:$0x1] =	stream.indirect_vreg.gather @!p1 [hbm4b:s19+s15], $0x80, v3, vm1, $0xb8;
	[tilespmem:$0x19700] =	vst v63  }
0x121: {  	s14 =	simm.s32 @!p1 $0xD700;
	s13 =	sadd.s32 @!p1 s3, s13  }
0x122: {  	[tilespmem:s14], [sflag:$0x3] =	stream.linear.gather @!p1 [hbm4b:s13+s15], $0x6000, $0x38;
	[tilespmem:$0x19700] =	vst v63  }
0x123: {  	s13 =	simm.s32 $0x0;
	s14 =	simm.s32 $0x1400;
	s15 =	simm.s32 $0x0  }
.LBB2_5:
0x124: {  	s24 =	sand.u32 $0x70, s15;
	s25 =	sand.u32 $0x1C00, s13  }
0x125: {  	v3 =	vld [tilespmem:s14+$0x0];
	s24 =	sor.u32 s24, s25  }
0x126: {  	v4 =	vld [tilespmem:s24+$0x7700]  }
0x127: {  	v5 =	vld [tilespmem:s24+$0x13700]  }
0x128: {  	v6 =	vld [tilespmem:s24+$0x7780]  }
0x129: {  	v7 =	vld [tilespmem:s24+$0x13780]  }
0x12a: {  	v8 =	vld [tilespmem:s24+$0x7800]  }
0x12b: {  	v9 =	vld [tilespmem:s24+$0x13800]  }
0x12c: {  	v10 =	vld [tilespmem:s24+$0x7880]  }
0x12d: {  	v11 =	vld [tilespmem:s24+$0x13880]  }
0x12e: {  	v12 =	vld [tilespmem:s24+$0x7900]  }
0x12f: {  	v13 =	vld [tilespmem:s24+$0x13900]  }
0x130: {  	v14 =	vld [tilespmem:s24+$0x7980]  }
0x131: {  	v15 =	vld [tilespmem:s24+$0x13980]  }
0x132: {  	v25 =	vld [tilespmem:s24+$0x7A00];
	v4 =	vadd.f32 v5, v4  }
0x133: {  	v26 =	vld [tilespmem:s24+$0x13A00];
	v6 =	vadd.f32 v7, v6  }
0x134: {  	v8 =	vadd.f32 v9, v8;
	v4 =	vadd.f32 v4, v3  }
0x135: {  	v27 =	vadd.f32 v11, v10;
	v6 =	vadd.f32 v6, v3  }
0x136: {  	v29 =	vadd.f32 v13, v12;
	v28 =	vadd.f32 v8, v3;
	[tilespmem:s24+$0x7700] =	vst v4  }
0x137: {  	v31 =	vadd.f32 v15, v14;
	v30 =	vadd.f32 v27, v3;
	[tilespmem:s24+$0x7780] =	vst v6  }
0x138: {  	v5 =	vadd.f32 v26, v25;
	v32 =	vadd.f32 v29, v3;
	[tilespmem:s24+$0x7800] =	vst v28  }
0x139: {  	v33 =	vadd.f32 v31, v3;
	[tilespmem:s24+$0x7880] =	vst v30  }
0x13a: {  	v34 =	vadd.f32 v5, v3;
	[tilespmem:s24+$0x7900] =	vst v32  }
0x13b: {  	s28 =	sor.u32 s13, s15;
	[tilespmem:s24+$0x7980] =	vst v33  }
0x13c: {  	s25 =	sor.u32 $0x380, s28;
	[tilespmem:s24+$0x7A00] =	vst v34  }
0x13d: {  	v4 =	vld [tilespmem:s25+$0x7700]  }
0x13e: {  	v35 =	vld [tilespmem:s25+$0x13700];
	_ =	sdelay $0x4  }
0x13f: {  	v4 =	vadd.f32 v35, v4;
	_ =	sdelay $0x1  }
0x140: {  	v4 =	vadd.f32 v4, v3;
	_ =	sdelay $0x1  }
0x141: {  	[tilespmem:s25+$0x7700] =	vst v4  }
0x142: {  	v4 =	vld [tilespmem:s24+$0x8F00]  }
0x143: {  	v36 =	vld [tilespmem:s24+$0x14F00]  }
0x144: {  	v37 =	vld [tilespmem:s24+$0x8F80]  }
0x145: {  	v38 =	vld [tilespmem:s24+$0x14F80]  }
0x146: {  	v39 =	vld [tilespmem:s24+$0x9000]  }
0x147: {  	v40 =	vld [tilespmem:s24+$0x15000]  }
0x148: {  	v41 =	vld [tilespmem:s24+$0x9080]  }
0x149: {  	v42 =	vld [tilespmem:s24+$0x15080]  }
0x14a: {  	v43 =	vld [tilespmem:s24+$0x9100]  }
0x14b: {  	v44 =	vld [tilespmem:s24+$0x15100]  }
0x14c: {  	v45 =	vld [tilespmem:s24+$0x9180]  }
0x14d: {  	v46 =	vld [tilespmem:s24+$0x15180]  }
0x14e: {  	v16 =	vld [tilespmem:s24+$0x9200]  }
0x14f: {  	v17 =	vld [tilespmem:s24+$0x15200]  }
0x150: {  	v18 =	vld [tilespmem:s24+$0x9280]  }
0x151: {  	v19 =	vld [tilespmem:s24+$0x15280]  }
0x152: {  	v20 =	vld [tilespmem:s24+$0xA700]  }
0x153: {  	v21 =	vld [tilespmem:s24+$0x16700]  }
0x154: {  	v22 =	vld [tilespmem:s24+$0xA780]  }
0x155: {  	v23 =	vld [tilespmem:s24+$0x16780]  }
0x156: {  	v24 =	vld [tilespmem:s24+$0xA800]  }
0x157: {  	v25 =	vld [tilespmem:s24+$0x16800]  }
0x158: {  	v26 =	vld [tilespmem:s24+$0xA880]  }
0x159: {  	v27 =	vld [tilespmem:s24+$0x16880]  }
0x15a: {  	v28 =	vld [tilespmem:s24+$0xA900]  }
0x15b: {  	v29 =	vld [tilespmem:s24+$0x16900]  }
0x15c: {  	v30 =	vld [tilespmem:s24+$0xA980]  }
0x15d: {  	v31 =	vld [tilespmem:s24+$0x16980]  }
0x15e: {  	v32 =	vld [tilespmem:s24+$0xAA00]  }
0x15f: {  	v47 =	vld [tilespmem:s24+$0x16A00];
	v4 =	vadd.f32 v36, v4  }
0x160: {  	v7 =	vld [tilespmem:s24+$0xAA80];
	v6 =	vadd.f32 v38, v37  }
0x161: {  	v9 =	vld [tilespmem:s24+$0x16A80];
	v8 =	vadd.f32 v40, v39;
	v4 =	vadd.f32 v4, v3  }
0x162: {  	v11 =	vld [tilespmem:s24+$0xBF00];
	v10 =	vadd.f32 v42, v41;
	v6 =	vadd.f32 v6, v3  }
0x163: {  	v12 =	vld [tilespmem:s24+$0x17F00];
	v49 =	vadd.f32 v44, v43;
	v48 =	vadd.f32 v8, v3;
	[tilespmem:s24+$0x8F00] =	vst v4  }
0x164: {  	v13 =	vld [tilespmem:s24+$0xBF80];
	v51 =	vadd.f32 v46, v45;
	v50 =	vadd.f32 v10, v3;
	[tilespmem:s24+$0x8F80] =	vst v6  }
0x165: {  	v54 =	vld [tilespmem:s24+$0x17F80];
	v53 =	vadd.f32 v17, v16;
	v52 =	vadd.f32 v49, v3;
	[tilespmem:s24+$0x9000] =	vst v48  }
0x166: {  	v57 =	vld [tilespmem:s24+$0xC000];
	v56 =	vadd.f32 v19, v18;
	v55 =	vadd.f32 v51, v3;
	[tilespmem:s24+$0x9080] =	vst v50  }
0x167: {  	v60 =	vld [tilespmem:s24+$0x18000];
	v59 =	vadd.f32 v21, v20;
	v58 =	vadd.f32 v53, v3;
	[tilespmem:s24+$0x9100] =	vst v52  }
0x168: {  	v63 =	vld [tilespmem:s24+$0xC080];
	v62 =	vadd.f32 v23, v22;
	v61 =	vadd.f32 v56, v3;
	[tilespmem:s24+$0x9180] =	vst v55  }
0x169: {  	v35 =	vld [tilespmem:s24+$0x18080];
	v34 =	vadd.f32 v25, v24;
	v33 =	vadd.f32 v59, v3;
	[tilespmem:s24+$0x9200] =	vst v58  }
0x16a: {  	v37 =	vadd.f32 v27, v26;
	v38 =	vld [tilespmem:s24+$0xC100];
	v36 =	vadd.f32 v62, v3;
	[tilespmem:s24+$0x9280] =	vst v61  }
0x16b: {  	v40 =	vadd.f32 v29, v28;
	v41 =	vld [tilespmem:s24+$0x18100];
	v39 =	vadd.f32 v34, v3;
	[tilespmem:s24+$0xA700] =	vst v33  }
0x16c: {  	v43 =	vadd.f32 v31, v30;
	v44 =	vld [tilespmem:s24+$0xC180];
	v42 =	vadd.f32 v37, v3;
	[tilespmem:s24+$0xA780] =	vst v36  }
0x16d: {  	v5 =	vadd.f32 v47, v32;
	v46 =	vld [tilespmem:s24+$0x18180];
	v45 =	vadd.f32 v40, v3;
	[tilespmem:s24+$0xA800] =	vst v39  }
0x16e: {  	v7 =	vadd.f32 v9, v7;
	v47 =	vadd.f32 v43, v3;
	v51 =	vld [tilespmem:s24+$0x18200];
	[tilespmem:s24+$0xA880] =	vst v42  }
0x16f: {  	v49 =	vadd.f32 v5, v3;
	v53 =	vadd.f32 v54, v13;
	v54 =	vld [tilespmem:s24+$0xC280];
	[tilespmem:s24+$0xA900] =	vst v45  }
0x170: {  	v56 =	vadd.f32 v60, v57;
	v48 =	vld [tilespmem:s24+$0xC200];
	[tilespmem:s24+$0xA980] =	vst v47;
	v52 =	vadd.f32 v7, v3  }
0x171: {  	v57 =	vld [tilespmem:s24+$0x18280];
	v50 =	vadd.f32 v12, v11;
	[tilespmem:s24+$0xAA00] =	vst v49;
	v7 =	vadd.f32 v53, v3  }
0x172: {  	v58 =	vadd.f32 v35, v63;
	v5 =	vadd.f32 v56, v3;
	[tilespmem:s24+$0xAA80] =	vst v52  }
0x173: {  	v59 =	vadd.f32 v41, v38;
	v55 =	vadd.f32 v50, v3;
	[tilespmem:s24+$0xBF80] =	vst v7  }
0x174: {  	v60 =	vadd.f32 v46, v44;
	v6 =	vadd.f32 v58, v3;
	[tilespmem:s24+$0xC000] =	vst v5  }
0x175: {  	p1 =	sne.s32 s15, $0x2F0;
	v4 =	vadd.f32 v59, v3;
	[tilespmem:s24+$0xBF00] =	vst v55;
	v61 =	vadd.f32 v51, v48  }
.Ltmp3:
0x176: {  	v62 =	vadd.f32 v57, v54;
	v7 =	vadd.f32 v60, v3;
	[tilespmem:s24+$0xC080] =	vst v6;
	(pc) =	sbr.rel @p1 .LBB2_5-.Ltmp3, $4  }
0x177: {  	[tilespmem:s24+$0xC100] =	vst v4;
	v63 =	vadd.f32 v61, v3  }
0x178: {  	[tilespmem:s24+$0xC180] =	vst v7;
	v3 =	vadd.f32 v62, v3  }
0x179: {  	[tilespmem:s24+$0xC200] =	vst v63  }
0x17a: {  	s13 =	sadd.s32 $0x80, s13;
	s14 =	sadd.s32 $0x10, s14;
	s15 =	sadd.s32 $0x10, s15;
	[tilespmem:s24+$0xC280] =	vst v3  }
0x17b: {  	s11 =	sadd.s32 $0x1, s11  }
0x17c: {  	p1 =	sne.s32 s11, $0x8  }
.Ltmp4:
0x17d: {  	_ = 	snop;
	(pc) =	sbr.rel @p1 .LBB2_2-.Ltmp4, $4  }
0x17e: {  	s12 =	sadd.s32 s5, s12  }
0x17f: {  	s12 =	sshrl.u32 s12, $0x3  }
0x180: {  	s12 =	sadd.s32 s6, s12  }
0x181: {  	[hbm4b:s12+s4] =	stream.linear.scatter [tilespmem:s2], [sflag:$0x6], $0x6000, $0x38;
	[tilespmem:$0x19700] =	vst v63  }
.Ltmp5:
0x182: {  	(pc) =	sbr.rel @p0 .LBB2_11-.Ltmp5, $4  }
0x183: {  	s11 =	simm.s32 $0x6  }
0x184: {  	_ =	swait.ge [sflag:s11], $0x6000  }
0x185: {  	s25 =	simm.s32 $0x7;
	s26 =	simm.s32 $0x1F00;
	[sflag:s11] =	ssyncset.done $0x0  }
0x186: {  	s28 =	simm.s32 $0x2700;
	s12 =	rddreg [dreg:$0x9];
	[sflag:s11] =	ssyncadd.s32 $0xFFFFA000  }
0x187: {  	v3 =	vld [tilespmem:$0x1000];
	_ =	sdelay $0x4  }
0x188: {  	v4 =	vshrl.u32 v3, $0x3  }
0x189: {  	v4 =	vmul.u32 $0x30, v4  }
0x18a: {  	v3 =	vand.u32 $0x7, v3  }
0x18b: {  	v3 =	vor.u32 v3, v4  }
0x18c: {  	v4 =	vperm.xlane v3, v0;
	_ =	sdelay $0x1  }
0x18d: {  	v4 =	vadd.s32 v1, v4;
	_ =	sdelay $0x3  }
0x18e: {  	s11 =	simm.s32 $0x0;
	v3 =	vperm.xlane v3, v2  }
0x18f: {  	[tilespmem:s16], [sflag:$0x1] =	stream.indirect_vreg.gather [hbm4b:s9+s11], $0x80, v4, vm0, $0xb8;
	[tilespmem:$0x19700] =	vst v63  }
0x190: {  	v3 =	vadd.s32 v1, v3  }
0x191: {  	[tilespmem:s26], [sflag:$0x1] =	stream.indirect_vreg.gather [hbm4b:s17+s11], $0x80, v4, vm0, $0xb8;
	[tilespmem:$0x19700] =	vst v63  }
0x192: {  	_ = 	snop  }
0x193: {  	[tilespmem:s28], [sflag:$0x1] =	stream.indirect_vreg.gather [hbm4b:s19+s11], $0x80, v4, vm0, $0xb8;
	[tilespmem:$0x19700] =	vst v63  }
0x194: {  	s12 =	simm.s32 $0x2F00  }
0x195: {  	[tilespmem:s12], [sflag:$0x1] =	stream.indirect_vreg.gather [hbm4b:s9+s11], $0x80, v3, vm0, $0xb8;
	[tilespmem:$0x19700] =	vst v63  }
0x196: {  	s13 =	simm.s32 $0x3700  }
0x197: {  	[tilespmem:s13], [sflag:$0x1] =	stream.indirect_vreg.gather [hbm4b:s17+s11], $0x80, v3, vm0, $0xb8;
	[tilespmem:$0x19700] =	vst v63  }
0x198: {  	s14 =	simm.s32 $0x3F00  }
0x199: {  	[tilespmem:s14], [sflag:$0x1] =	stream.indirect_vreg.gather [hbm4b:s19+s11], $0x80, v3, vm0, $0xb8;
	[tilespmem:$0x19700] =	vst v63  }
0x19a: {  	s15 =	simm.s32 $0xD700;
	s13 =	rddreg [dreg:$0x6]  }
0x19b: {  	[tilespmem:s15], [sflag:$0x7] =	stream.linear.gather [hbm4b:s13+s11], $0x80, $0x38;
	[tilespmem:$0x19700] =	vst v63  }
0x19c: {  	s24 =	sadd.s32 $0x80, s13;
	s14 =	simm.s32 $0xDB00  }
0x19d: {  	[tilespmem:s14], [sflag:$0x7] =	stream.linear.gather [hbm4b:s24+s11], $0x80, $0x38;
	[tilespmem:$0x19700] =	vst v63  }
0x19e: {  	s15 =	sadd.s32 $0x100, s13;
	s24 =	simm.s32 $0xDF00  }
0x19f: {  	[tilespmem:s24], [sflag:$0x7] =	stream.linear.gather [hbm4b:s15+s11], $0x80, $0x38;
	[tilespmem:$0x19700] =	vst v63  }
0x1a0: {  	s15 =	sadd.s32 $0x180, s13;
	s24 =	simm.s32 $0xE300  }
0x1a1: {  	[tilespmem:s24], [sflag:$0x7] =	stream.linear.gather [hbm4b:s15+s11], $0x80, $0x38;
	[tilespmem:$0x19700] =	vst v63  }
0x1a2: {  	s15 =	sadd.s32 $0x200, s13;
	s24 =	simm.s32 $0xE700  }
0x1a3: {  	[tilespmem:s24], [sflag:$0x7] =	stream.linear.gather [hbm4b:s15+s11], $0x80, $0x38;
	[tilespmem:$0x19700] =	vst v63  }
0x1a4: {  	s14 =	simm.s32 $0xEB00;
	s13 =	sadd.s32 $0x280, s13  }
0x1a5: {  	[tilespmem:s14], [sflag:$0x7] =	stream.linear.gather [hbm4b:s13+s11], $0x80, $0x38;
	[tilespmem:$0x19700] =	vst v63  }
0x1a6: {  	_ =	swait.ge [sflag:s25], $0x300  }
0x1a7: {  	[sflag:s25] =	ssyncset.done $0x0  }
0x1a8: {  	[sflag:s25] =	ssyncadd.s32 $0xFFFFFD00  }
0x1a9: {  	_ =	swait.ge [sflag:s1], $0x3000  }
0x1aa: {  	s15 =	sand.u32 $0x70, s11;
	s11 =	sand.u32 $0x1C00, s11;
	[sflag:s1] =	ssyncset.done $0x0  }
0x1ab: {  	s11 =	sor.u32 s15, s11;
	[sflag:s1] =	ssyncadd.s32 $0xFFFFD000  }
0x1ac: {  	v3 =	vld [tilespmem:s11+$0xD700]  }
0x1ad: {  	v4 =	vld [tilespmem:s11+$0x1700]  }
0x1ae: {  	s12 =	simm.s32 $0x1400  }
0x1af: {  	v5 =	vld [tilespmem:s12+$0x0];
	_ =	sdelay $0x2  }
0x1b0: {  	v3 =	vadd.f32 v3, v4  }
0x1b1: {  	s24 =	simm.s32 $0x10;
	s13 =	simm.s32 $0x80  }
0x1b2: {  	s14 =	sand.u32 $0x70, s24;
	s15 =	sand.u32 $0x1C00, s13;
	v3 =	vadd.f32 v5, v3  }
0x1b3: {  	s15 =	sor.u32 s14, s15;
	s14 =	simm.s32 $0x20  }
.LBB2_9:
0x1b4: {  	p1 =	sne.s32 s14, $0x2F0;
	v4 =	vld [tilespmem:s15+$0xD700];
	[tilespmem:s11+$0x1700] =	vst v3;
	s11 =	smov.u32 s15  }
0x1b5: {  	v3 =	vld [tilespmem:s11+$0x1700]  }
0x1b6: {  	s12 =	sadd.s32 $0x10, s12  }
0x1b7: {  	v5 =	vld [tilespmem:s12+$0x0];
	_ =	sdelay $0x1  }
.Ltmp6:
0x1b8: {  	(pc) =	sbr.rel @p1 .LBB2_9-.Ltmp6, $4  }
0x1b9: {  	v3 =	vadd.f32 v4, v3  }
0x1ba: {  	s13 =	sadd.s32 $0x80, s13  }
0x1bb: {  	s15 =	sand.u32 $0x70, s14;
	s24 =	sand.u32 $0x1C00, s13;
	v3 =	vadd.f32 v5, v3  }
0x1bc: {  	s14 =	sadd.s32 $0x10, s14;
	s15 =	sor.u32 s15, s24  }
.Ltmp7:
0x1bd: {  	_ = 	snop;
	(pc) =	sbr.rel .LBB2_10-.Ltmp7, $1  }
0x1be: {  	_ =	sdelay $0x3  }
.LBB2_12:
0x1bf: {  	_ =	sfence.sel $0x180000  }
0x1c0: {  	[bflag:$0x0] =	sbarrier.arrive $0xFFFF  }
0x1c1: {  	_ =	strace $0x90000047  }
0x1c2: {  	s0 =	stileid.u32;
	[bflag:$0x2] =	sbarrier.arrive $0xFFFF  }
0x1c3: {  	p0 =	sne.s32 s0, $0x0;
	s0 =	rddreg [dreg:$0x3]  }
0x1c4: {  	s0 =	sadd.s32 @!p0 $0x100000, s0  }
0x1c5: {  	[sflag:s0] =	ssyncadd.tile.s32 @!p0 $0x1;
	_ =	shalt  }
.Lfunc_end2:
_tile_overlayer_lowered:
.L_overlay_start_2:
0x1c6: {  	(tag) =	ssettag $0x2  }
0x1c7: {  	s0 =	rddreg [dreg:$0x0];
	s2 =	stileid.u32  }
0x1c8: {  	s1 =	rddreg [dreg:$0x1];
	p0 =	sne.s32 s2, $0x0  }
0x1c9: {  	s3 =	rddreg [dreg:$0x2];
	[bflag:$0x3] =	sbarrier.arrive $0xFFFF;
	s2 =	simm.s32 @!p0 $0x1C07  }
0x1ca: {  	[timem:s3], [sflag:s2] =	dma.local @!p0 [hbm:s0], s1  }
0x1cb: {  	s0 =	simm.s32 @!p0 $0x7  }
0x1cc: {  	_ =	swait.ge @!p0 [sflag:s0], s1  }
0x1cd: {  	s1 =	ssub.s32 @!p0 $0x0, s1;
	[sflag:s0] =	ssyncset.done @!p0 $0x0  }
0x1ce: {  	[sflag:s0] =	ssyncadd.s32 @!p0 s1  }
0x1cf: {  	[bflag:$0x3] =	sbarrier.arrive $0xFFFF  }
0x1d0: {  	_ =	shalt  }

</sc_bundles>
